<compile_context>
chip_gen: v7x
topology: tpu7x:2x2x1
jax: 0.10.2.dev20260603
libtpu: 0.0.44.dev20260713+nightly
codegen_flags: <defaults>
</compile_context>

<pallas_src>
import functools

import jax
import jax.numpy as jnp
from jax import lax
from jax.experimental import pallas as pl
from jax.experimental.pallas import tpu as pltpu
from jax.experimental.pallas import tpu_sc as plsc

N = 10000
E = 320000
D_IN = 128
DH = 32

NC = 2
NS = 16
NW = NC * NS

K = 128
NCH_TOT = E // K
CPW = NCH_TOT // NW
NEXTRA = NCH_TOT - CPW * NW
NBUF = 13
NGRP = CPW // NBUF

ROW_STRIDE = 624
ROW_BLOCK = 640

NP = N // 4
AP = 2560
NPAD = 4 * AP
ROW_BLK = 2560
GRID = AP // ROW_BLK


def _proj_body(x_ref, w_ref, y_ref):
    y_ref[...] = jnp.dot(x_ref[...], w_ref[...],
                         preferred_element_type=jnp.float32)


def _mlp_body(y_ref, a0_ref, a1_ref, b1_ref, w2_ref, b2_ref,
              wl1_ref, bl1_ref, wl2_ref, bl2_ref, o_ref):
    h = y_ref[...] + a0_ref[0] + a1_ref[0] + b1_ref[...]
    h = jnp.maximum(h, 0.0)
    h = jnp.dot(h, w2_ref[...], preferred_element_type=jnp.float32) + b2_ref[...]
    h = jnp.maximum(h, 0.0)
    h = jnp.dot(h, wl1_ref[...], preferred_element_type=jnp.float32) + bl1_ref[...]
    h = jnp.maximum(h, 0.0)
    o_ref[...] = jnp.dot(h, wl2_ref[...],
                         preferred_element_type=jnp.float32) + bl2_ref[...]


def _sc_agg_body(y_hbm, edge_hbm, out_hbm,
                 src_v, dst_v, rows_v, zbuf, agg_sh, *sems):
    gsems = sems[:NBUF]
    ssems = sems[NBUF:]
    c = lax.axis_index("c")
    s = lax.axis_index("s")
    wid = c * NS + s

    zv = jnp.zeros((16,), jnp.float32)

    def zbody(r, carry):
        zbuf[r, pl.ds(0, 16)] = zv
        zbuf[r, pl.ds(16, 16)] = zv
        return carry

    lax.fori_loop(0, ROW_BLOCK, zbody, 0)
    row0 = s * ROW_STRIDE
    pltpu.sync_copy(zbuf, agg_sh.at[pl.ds(row0, ROW_BLOCK)])

    pltpu.sync_copy(edge_hbm.at[0, pl.ds(wid * CPW, CPW)],
                    src_v.at[pl.ds(0, CPW)])
    pltpu.sync_copy(edge_hbm.at[1, pl.ds(wid * CPW, CPW)],
                    dst_v.at[pl.ds(0, CPW)])

    @pl.when(wid < NEXTRA)
    def _():
        pltpu.sync_copy(edge_hbm.at[0, NW * CPW + wid], src_v.at[CPW])
        pltpu.sync_copy(edge_hbm.at[1, NW * CPW + wid], dst_v.at[CPW])

    plsc.subcore_barrier()

    def gather(i, b):
        pltpu.async_copy(y_hbm.at[src_v.at[i]], rows_v.at[b], gsems[b])

    def scatter(i, b):
        pltpu.async_copy(rows_v.at[b], agg_sh.at[dst_v.at[i]], ssems[b],
                         add=True)

    def drain(sem):
        pltpu.make_async_copy(y_hbm.at[pl.ds(0, K)], rows_v.at[0], sem).wait()

    for b in range(NBUF):
        gather(b, b)

    def body(g, carry):
        for b in range(NBUF):
            drain(gsems[b])
            scatter(g * NBUF + b, b)
        for b in range(NBUF):
            drain(ssems[b])
            gather((g + 1) * NBUF + b, b)
        return carry

    lax.fori_loop(0, NGRP - 1, body, 0)

    for b in range(NBUF):
        drain(gsems[b])
        scatter((NGRP - 1) * NBUF + b, b)

    @pl.when(wid < NEXTRA)
    def _():
        drain(ssems[0])
        pltpu.async_copy(y_hbm.at[src_v.at[CPW]], rows_v.at[0], gsems[0])
        drain(gsems[0])
        scatter(CPW, 0)

    for b in range(NBUF):
        drain(ssems[b])

    plsc.subcore_barrier()

    pltpu.sync_copy(agg_sh.at[pl.ds(row0, ROW_BLOCK)], zbuf)
    pltpu.sync_copy(zbuf, out_hbm.at[c, pl.ds(row0, ROW_BLOCK)])


_sc_agg = functools.partial(
    pl.kernel,
    out_type=jax.ShapeDtypeStruct((NC, NPAD, DH), jnp.float32),
    mesh=plsc.VectorSubcoreMesh(core_axis_name="c", subcore_axis_name="s"),
    scratch_types=[
        pltpu.VMEM((CPW + 1, K), jnp.int32),
        pltpu.VMEM((CPW + 1, K), jnp.int32),
        pltpu.VMEM((NBUF, K, DH), jnp.float32),
        pltpu.VMEM((ROW_BLOCK, DH), jnp.float32),
        pltpu.VMEM_SHARED((N, DH), jnp.float32),
    ] + [pltpu.SemaphoreType.DMA] * (2 * NBUF),
    compiler_params=pltpu.CompilerParams(use_tc_tiling_on_sc=False),
)(_sc_agg_body)


def kernel(x, edge_index, W1, b1, bn_gamma, bn_beta, W2, b2, Wl1, bl1, Wl2, bl2):
    f32 = jnp.float32
    scale = 1.0 / jnp.sqrt(jnp.asarray(1.0 + 1e-5, f32))
    I4 = jnp.eye(4, dtype=f32)
    W1bd = jnp.kron(I4, W1 * (scale * bn_gamma)[None, :])
    W2bd = jnp.kron(I4, W2)
    Wl1bd = jnp.kron(I4, Wl1)
    Wl2bd = jnp.kron(I4, Wl2)
    b1p = jnp.tile(b1 * scale * bn_gamma + bn_beta, 4).reshape(1, 128)
    b2p = jnp.tile(b2, 4).reshape(1, 128)
    bl1p = jnp.tile(bl1, 4).reshape(1, DH * 3 * 4)
    bl2p = jnp.tile(bl2, 4).reshape(1, 4)

    x4 = x.reshape(NP, D_IN * 4)
    edges = edge_index.astype(jnp.int32).reshape(2, NCH_TOT, K)

    y4 = pl.pallas_call(
        _proj_body,
        grid=(GRID,),
        in_specs=[
            pl.BlockSpec((ROW_BLK, D_IN * 4), lambda i: (i, 0)),
            pl.BlockSpec((D_IN * 4, 128), lambda i: (0, 0)),
        ],
        out_specs=pl.BlockSpec((ROW_BLK, 128), lambda i: (i, 0)),
        out_shape=jax.ShapeDtypeStruct((AP, 128), f32),
    )(x4, W1bd)

    agg = _sc_agg(y4.reshape(NPAD, DH), edges).reshape(NC, AP, 128)

    out4 = pl.pallas_call(
        _mlp_body,
        grid=(GRID,),
        in_specs=[
            pl.BlockSpec((ROW_BLK, 128), lambda i: (i, 0)),
            pl.BlockSpec((1, ROW_BLK, 128), lambda i: (0, i, 0)),
            pl.BlockSpec((1, ROW_BLK, 128), lambda i: (1, i, 0)),
            pl.BlockSpec((1, 128), lambda i: (0, 0)),
            pl.BlockSpec((128, 128), lambda i: (0, 0)),
            pl.BlockSpec((1, 128), lambda i: (0, 0)),
            pl.BlockSpec((128, 384), lambda i: (0, 0)),
            pl.BlockSpec((1, 384), lambda i: (0, 0)),
            pl.BlockSpec((384, 4), lambda i: (0, 0)),
            pl.BlockSpec((1, 4), lambda i: (0, 0)),
        ],
        out_specs=pl.BlockSpec((ROW_BLK, 4), lambda i: (i, 0)),
        out_shape=jax.ShapeDtypeStruct((AP, 4), f32),
    )(y4, agg, agg, b1p, W2bd, b2p, Wl1bd, bl1p, Wl2bd, bl2p)

    return out4.reshape(NPAD, 1)[:N]

# --- scband reference (transcript-rebuilt; emitter-appended) ---
"""Pipeline reference for scband-gin-58952721105197 (READ-ONLY COPY).

The authoritative reference and input builder live on the scoring server;
editing this copy changes nothing except your own understanding.
"""

import jax, jax.numpy as jnp
import numpy as np

N = 10000
E = 320000
D_IN = 128
DIM_H = 32

def setup_inputs(seed: int = 0) -> dict:
    key = jax.random.key(seed)
    ks = jax.random.split(key, 12)
    x = jax.random.normal(ks[0], (N, D_IN), dtype=jnp.float32)
    edge_index = jax.random.randint(ks[1], (2, E), 0, N, dtype=jnp.int64)
    W1 = jax.random.normal(ks[2], (D_IN, DIM_H), dtype=jnp.float32) * (1.0 / np.sqrt(D_IN))
    b1 = jnp.zeros((DIM_H,), dtype=jnp.float32)
    bn_gamma = jnp.ones((DIM_H,), dtype=jnp.float32)
    bn_beta = jnp.zeros((DIM_H,), dtype=jnp.float32)
    W2 = jax.random.normal(ks[3], (DIM_H, DIM_H), dtype=jnp.float32) * (1.0 / np.sqrt(DIM_H))
    b2 = jnp.zeros((DIM_H,), dtype=jnp.float32)
    Wl1 = jax.random.normal(ks[4], (DIM_H, DIM_H * 3), dtype=jnp.float32) * (1.0 / np.sqrt(DIM_H))
    bl1 = jnp.zeros((DIM_H * 3,), dtype=jnp.float32)
    Wl2 = jax.random.normal(ks[5], (DIM_H * 3, 1), dtype=jnp.float32) * (1.0 / np.sqrt(DIM_H * 3))
    bl2 = jnp.zeros((1,), dtype=jnp.float32)
    return {"x": x, "edge_index": edge_index, "W1": W1, "b1": b1, "bn_gamma": bn_gamma, "bn_beta": bn_beta, "W2": W2, "b2": b2, "Wl1": Wl1, "bl1": bl1, "Wl2": Wl2, "bl2": bl2}

def reference(x, edge_index, W1, b1, bn_gamma, bn_beta, W2, b2, Wl1, bl1, Wl2, bl2):
    # GINConv: out = mlp((1 + eps) * x + sum_{j in N(i)} x_j), eps = 0
    src = edge_index[0]
    dst = edge_index[1]
    msgs = jnp.take(x, src, axis=0)            # gather source node features
    agg = jax.ops.segment_sum(msgs, dst, num_segments=N)  # scatter-add to targets
    h = x + agg
    # MLP: Linear -> BatchNorm1d (eval: running_mean=0, running_var=1) -> ReLU -> Linear -> ReLU
    h = h @ W1 + b1
    h = (h / jnp.sqrt(1.0 + 1e-5)) * bn_gamma + bn_beta
    h = jax.nn.relu(h)
    h = h @ W2 + b2
    h1 = jax.nn.relu(h)
    # lin1 -> relu -> dropout (identity in eval) -> lin2
    h = h1 @ Wl1 + bl1
    h = jax.nn.relu(h)
    h = h @ Wl2 + bl2
    return h

if __name__ == "__main__":
    import jax
    _d = setup_inputs()
    print(jax.jit(kernel)(*tuple(_d.values())))

</pallas_src>

<mosaic_0001>
#map = affine_map<(d0, d1) -> (0, 0)>
#map1 = affine_map<(d0, d1) -> (0, 0, 0)>
module attributes {stable_mosaic.version = 14 : i64} {
  func.func @_sc_agg_body(%arg0: i32, %arg1: i32, %arg2: memref<10240x32xf32, #tpu.memory_space<hbm>>, %arg3: memref<2x2500x128xi32, #tpu.memory_space<hbm>>, %arg4: memref<2x10240x32xf32, #tpu.memory_space<hbm>>, %arg5: memref<79x128xi32, #tpu.memory_space<vmem>>, %arg6: memref<79x128xi32, #tpu.memory_space<vmem>>, %arg7: memref<13x128x32xf32, #tpu.memory_space<vmem>>, %arg8: memref<640x32xf32, #tpu.memory_space<vmem>>, %arg9: memref<10000x32xf32, #tpu.memory_space<vmem_shared>>, %arg10: memref<!tpu.dma_semaphore, #tpu.memory_space<semaphore_mem>>, %arg11: memref<!tpu.dma_semaphore, #tpu.memory_space<semaphore_mem>>, %arg12: memref<!tpu.dma_semaphore, #tpu.memory_space<semaphore_mem>>, %arg13: memref<!tpu.dma_semaphore, #tpu.memory_space<semaphore_mem>>, %arg14: memref<!tpu.dma_semaphore, #tpu.memory_space<semaphore_mem>>, %arg15: memref<!tpu.dma_semaphore, #tpu.memory_space<semaphore_mem>>, %arg16: memref<!tpu.dma_semaphore, #tpu.memory_space<semaphore_mem>>, %arg17: memref<!tpu.dma_semaphore, #tpu.memory_space<semaphore_mem>>, %arg18: memref<!tpu.dma_semaphore, #tpu.memory_space<semaphore_mem>>, %arg19: memref<!tpu.dma_semaphore, #tpu.memory_space<semaphore_mem>>, %arg20: memref<!tpu.dma_semaphore, #tpu.memory_space<semaphore_mem>>, %arg21: memref<!tpu.dma_semaphore, #tpu.memory_space<semaphore_mem>>, %arg22: memref<!tpu.dma_semaphore, #tpu.memory_space<semaphore_mem>>, %arg23: memref<!tpu.dma_semaphore, #tpu.memory_space<semaphore_mem>>, %arg24: memref<!tpu.dma_semaphore, #tpu.memory_space<semaphore_mem>>, %arg25: memref<!tpu.dma_semaphore, #tpu.memory_space<semaphore_mem>>, %arg26: memref<!tpu.dma_semaphore, #tpu.memory_space<semaphore_mem>>, %arg27: memref<!tpu.dma_semaphore, #tpu.memory_space<semaphore_mem>>, %arg28: memref<!tpu.dma_semaphore, #tpu.memory_space<semaphore_mem>>, %arg29: memref<!tpu.dma_semaphore, #tpu.memory_space<semaphore_mem>>, %arg30: memref<!tpu.dma_semaphore, #tpu.memory_space<semaphore_mem>>, %arg31: memref<!tpu.dma_semaphore, #tpu.memory_space<semaphore_mem>>, %arg32: memref<!tpu.dma_semaphore, #tpu.memory_space<semaphore_mem>>, %arg33: memref<!tpu.dma_semaphore, #tpu.memory_space<semaphore_mem>>, %arg34: memref<!tpu.dma_semaphore, #tpu.memory_space<semaphore_mem>>, %arg35: memref<!tpu.dma_semaphore, #tpu.memory_space<semaphore_mem>>) attributes {dimension_semantics = [#tpu.dimension_semantics<core_parallel>, #tpu.dimension_semantics<subcore_parallel>], iteration_bounds = array<i64: 2, 16>, scalar_prefetch = 0 : i64, scratch_operands = 31 : i64, tpu.core_type = #tpu.core_type<sc_vector_subcore>, window_params = [{transform_indices = #map}, {transform_indices = #map1}, {transform_indices = #map1}]} {
    %mul3A = arith.constant 16 : i32
    %mul3A_0 = arith.muli %arg0, %mul3A : i32
    %add3A = arith.addi %mul3A_0, %arg1 : i32
    %broadcast_in_dim3A = arith.constant 0.000000e+00 : f32
    %broadcast_in_dim3A_1 = vector.broadcast %broadcast_in_dim3A : f32 to vector<16xf32>
    %scan3A = arith.constant 0 : i32
    %scan3A_2 = arith.constant 0 : i32
    %scan3A_3 = arith.constant 640 : i32
    %scan3A_4 = arith.addi %scan3A_2, %scan3A_3 : i32
    %scan3A_5 = arith.constant 1 : i32
    scf.for %scan3A_728 = %scan3A_2 to %scan3A_4 step %scan3A_5  : i32 {
      %swap3A = arith.index_cast %scan3A_728 : i32 to index
      %swap3A_729 = arith.constant 0 : index
      %swap3A_730 = tpu.vector_load %arg8[%swap3A, %swap3A_729] {strides = array<i32>} : memref<640x32xf32, #tpu.memory_space<vmem>>, vector<1x16xf32>,
      %swap3A_731 = vector.shape_cast %swap3A_730 : vector<1x16xf32> to vector<16xf32>
      %swap3A_732 = vector.shape_cast %broadcast_in_dim3A_1 : vector<16xf32> to vector<1x16xf32>
      tpu.vector_store %arg8[%swap3A, %swap3A_729], %swap3A_732 {strides = array<i32>} : memref<640x32xf32, #tpu.memory_space<vmem>>, vector<1x16xf32>,
      %swap3A_733 = arith.index_cast %scan3A_728 : i32 to index
      %swap3A_734 = arith.constant 16 : index
      %swap3A_735 = tpu.vector_load %arg8[%swap3A_733, %swap3A_734] {strides = array<i32>} : memref<640x32xf32, #tpu.memory_space<vmem>>, vector<1x16xf32>,
      %swap3A_736 = vector.shape_cast %swap3A_735 : vector<1x16xf32> to vector<16xf32>
      %swap3A_737 = vector.shape_cast %broadcast_in_dim3A_1 : vector<16xf32> to vector<1x16xf32>
      tpu.vector_store %arg8[%swap3A_733, %swap3A_734], %swap3A_737 {strides = array<i32>} : memref<640x32xf32, #tpu.memory_space<vmem>>, vector<1x16xf32>,
    }
    %scan3A_6 = arith.constant 640 : i32
    %mul3A_7 = arith.constant 624 : i32
    %mul3A_8 = arith.muli %arg1, %mul3A_7 : i32
    "tpu.region"() ({
      %run_scoped3A_728 = tpu.sem_alloc : memref<!tpu.dma_semaphore, #tpu.memory_space<semaphore_mem>>
      %dma_start3A_729 = arith.constant 0 : i32
      %dma_start3A_730 = tpu.memref_slice %arg9[%mul3A_8, %dma_start3A_729] : memref<10000x32xf32, #tpu.memory_space<vmem_shared>> -> memref<640x32xf32, #tpu.memory_space<vmem_shared>>
      %dma_start3A_731 = arith.constant 0 : i32
      %dma_start3A_732 = tpu.memref_slice %arg9[%mul3A_8, %dma_start3A_731] : memref<10000x32xf32, #tpu.memory_space<vmem_shared>> -> memref<640x32xf32, #tpu.memory_space<vmem_shared>>
      tpu.enqueue_dma source(%arg8 : memref<640x32xf32, #tpu.memory_space<vmem>>) target(%dma_start3A_732 : memref<640x32xf32, #tpu.memory_space<vmem_shared>>) target_semaphore(%run_scoped3A_728 : memref<!tpu.dma_semaphore, #tpu.memory_space<semaphore_mem>>)
      %dma_wait3A_733 = arith.constant 0 : i32
      %dma_wait3A_734 = tpu.memref_slice %arg9[%mul3A_8, %dma_wait3A_733] : memref<10000x32xf32, #tpu.memory_space<vmem_shared>> -> memref<640x32xf32, #tpu.memory_space<vmem_shared>>
      %dma_wait3A_735 = arith.constant 0 : i32
      %dma_wait3A_736 = tpu.memref_slice %arg9[%mul3A_8, %dma_wait3A_735] : memref<10000x32xf32, #tpu.memory_space<vmem_shared>> -> memref<640x32xf32, #tpu.memory_space<vmem_shared>>
      tpu.wait_dma2 semaphore(%run_scoped3A_728 : memref<!tpu.dma_semaphore, #tpu.memory_space<semaphore_mem>>) src(%arg8 : memref<640x32xf32, #tpu.memory_space<vmem>>) dst(%dma_wait3A_736 : memref<640x32xf32, #tpu.memory_space<vmem_shared>>)
      tpu.yield
    }) : () -> ()
    %mul3A_9 = arith.constant 78 : i32
    %mul3A_10 = arith.muli %add3A, %mul3A_9 : i32
    %run_scoped3A = arith.constant 0 : i32
    "tpu.region"() ({
      %run_scoped3A_728 = tpu.sem_alloc : memref<!tpu.dma_semaphore, #tpu.memory_space<semaphore_mem>>
      %dma_start3A_729 = arith.constant 0 : i32
      %dma_start3A_730 = arith.constant 0 : i32
      %dma_start3A_731 = tpu.memref_slice %arg5[%dma_start3A_729, %dma_start3A_730] : memref<79x128xi32, #tpu.memory_space<vmem>> -> memref<78x128xi32, #tpu.memory_space<vmem>>
      %dma_start3A_732 = arith.constant 0 : i32
      %dma_start3A_733 = tpu.memref_slice %arg3[%run_scoped3A, %mul3A_10, %dma_start3A_732] : memref<2x2500x128xi32, #tpu.memory_space<hbm>> -> memref<1x78x128xi32, #tpu.memory_space<hbm>>
      %dma_start3A_734 = tpu.memref_squeeze %dma_start3A_733 : memref<1x78x128xi32, #tpu.memory_space<hbm>> -> memref<78x128xi32, #tpu.memory_space<hbm>>
      %dma_start3A_735 = arith.constant 0 : i32
      %dma_start3A_736 = arith.constant 0 : i32
      %dma_start3A_737 = tpu.memref_slice %arg5[%dma_start3A_735, %dma_start3A_736] : memref<79x128xi32, #tpu.memory_space<vmem>> -> memref<78x128xi32, #tpu.memory_space<vmem>>
      %dma_start3A_738 = arith.constant 0 : i32
      %dma_start3A_739 = tpu.memref_slice %arg3[%run_scoped3A, %mul3A_10, %dma_start3A_738] : memref<2x2500x128xi32, #tpu.memory_space<hbm>> -> memref<1x78x128xi32, #tpu.memory_space<hbm>>
      %dma_start3A_740 = tpu.memref_squeeze %dma_start3A_739 : memref<1x78x128xi32, #tpu.memory_space<hbm>> -> memref<78x128xi32, #tpu.memory_space<hbm>>
      tpu.enqueue_dma source(%dma_start3A_740 : memref<78x128xi32, #tpu.memory_space<hbm>>) target(%dma_start3A_737 : memref<78x128xi32, #tpu.memory_space<vmem>>) target_semaphore(%run_scoped3A_728 : memref<!tpu.dma_semaphore, #tpu.memory_space<semaphore_mem>>)
      %dma_wait3A_741 = arith.constant 0 : i32
      %dma_wait3A_742 = arith.constant 0 : i32
      %dma_wait3A_743 = tpu.memref_slice %arg5[%dma_wait3A_741, %dma_wait3A_742] : memref<79x128xi32, #tpu.memory_space<vmem>> -> memref<78x128xi32, #tpu.memory_space<vmem>>
      %dma_wait3A_744 = arith.constant 0 : i32
      %dma_wait3A_745 = tpu.memref_slice %arg3[%run_scoped3A, %mul3A_10, %dma_wait3A_744] : memref<2x2500x128xi32, #tpu.memory_space<hbm>> -> memref<1x78x128xi32, #tpu.memory_space<hbm>>
      %dma_wait3A_746 = tpu.memref_squeeze %dma_wait3A_745 : memref<1x78x128xi32, #tpu.memory_space<hbm>> -> memref<78x128xi32, #tpu.memory_space<hbm>>
      %dma_wait3A_747 = arith.constant 0 : i32
      %dma_wait3A_748 = arith.constant 0 : i32
      %dma_wait3A_749 = tpu.memref_slice %arg5[%dma_wait3A_747, %dma_wait3A_748] : memref<79x128xi32, #tpu.memory_space<vmem>> -> memref<78x128xi32, #tpu.memory_space<vmem>>
      %dma_wait3A_750 = arith.constant 0 : i32
      %dma_wait3A_751 = tpu.memref_slice %arg3[%run_scoped3A, %mul3A_10, %dma_wait3A_750] : memref<2x2500x128xi32, #tpu.memory_space<hbm>> -> memref<1x78x128xi32, #tpu.memory_space<hbm>>
      %dma_wait3A_752 = tpu.memref_squeeze %dma_wait3A_751 : memref<1x78x128xi32, #tpu.memory_space<hbm>> -> memref<78x128xi32, #tpu.memory_space<hbm>>
      tpu.wait_dma2 semaphore(%run_scoped3A_728 : memref<!tpu.dma_semaphore, #tpu.memory_space<semaphore_mem>>) src(%dma_wait3A_752 : memref<78x128xi32, #tpu.memory_space<hbm>>) dst(%dma_wait3A_749 : memref<78x128xi32, #tpu.memory_space<vmem>>)
      tpu.yield
    }) : () -> ()
    %mul3A_11 = arith.constant 78 : i32
    %mul3A_12 = arith.muli %add3A, %mul3A_11 : i32
    %run_scoped3A_13 = arith.constant 1 : i32
    "tpu.region"() ({
      %run_scoped3A_728 = tpu.sem_alloc : memref<!tpu.dma_semaphore, #tpu.memory_space<semaphore_mem>>
      %dma_start3A_729 = arith.constant 0 : i32
      %dma_start3A_730 = arith.constant 0 : i32
      %dma_start3A_731 = tpu.memref_slice %arg6[%dma_start3A_729, %dma_start3A_730] : memref<79x128xi32, #tpu.memory_space<vmem>> -> memref<78x128xi32, #tpu.memory_space<vmem>>
      %dma_start3A_732 = arith.constant 0 : i32
      %dma_start3A_733 = tpu.memref_slice %arg3[%run_scoped3A_13, %mul3A_12, %dma_start3A_732] : memref<2x2500x128xi32, #tpu.memory_space<hbm>> -> memref<1x78x128xi32, #tpu.memory_space<hbm>>
      %dma_start3A_734 = tpu.memref_squeeze %dma_start3A_733 : memref<1x78x128xi32, #tpu.memory_space<hbm>> -> memref<78x128xi32, #tpu.memory_space<hbm>>
      %dma_start3A_735 = arith.constant 0 : i32
      %dma_start3A_736 = arith.constant 0 : i32
      %dma_start3A_737 = tpu.memref_slice %arg6[%dma_start3A_735, %dma_start3A_736] : memref<79x128xi32, #tpu.memory_space<vmem>> -> memref<78x128xi32, #tpu.memory_space<vmem>>
      %dma_start3A_738 = arith.constant 0 : i32
      %dma_start3A_739 = tpu.memref_slice %arg3[%run_scoped3A_13, %mul3A_12, %dma_start3A_738] : memref<2x2500x128xi32, #tpu.memory_space<hbm>> -> memref<1x78x128xi32, #tpu.memory_space<hbm>>
      %dma_start3A_740 = tpu.memref_squeeze %dma_start3A_739 : memref<1x78x128xi32, #tpu.memory_space<hbm>> -> memref<78x128xi32, #tpu.memory_space<hbm>>
      tpu.enqueue_dma source(%dma_start3A_740 : memref<78x128xi32, #tpu.memory_space<hbm>>) target(%dma_start3A_737 : memref<78x128xi32, #tpu.memory_space<vmem>>) target_semaphore(%run_scoped3A_728 : memref<!tpu.dma_semaphore, #tpu.memory_space<semaphore_mem>>)
      %dma_wait3A_741 = arith.constant 0 : i32
      %dma_wait3A_742 = arith.constant 0 : i32
      %dma_wait3A_743 = tpu.memref_slice %arg6[%dma_wait3A_741, %dma_wait3A_742] : memref<79x128xi32, #tpu.memory_space<vmem>> -> memref<78x128xi32, #tpu.memory_space<vmem>>
      %dma_wait3A_744 = arith.constant 0 : i32
      %dma_wait3A_745 = tpu.memref_slice %arg3[%run_scoped3A_13, %mul3A_12, %dma_wait3A_744] : memref<2x2500x128xi32, #tpu.memory_space<hbm>> -> memref<1x78x128xi32, #tpu.memory_space<hbm>>
      %dma_wait3A_746 = tpu.memref_squeeze %dma_wait3A_745 : memref<1x78x128xi32, #tpu.memory_space<hbm>> -> memref<78x128xi32, #tpu.memory_space<hbm>>
      %dma_wait3A_747 = arith.constant 0 : i32
      %dma_wait3A_748 = arith.constant 0 : i32
      %dma_wait3A_749 = tpu.memref_slice %arg6[%dma_wait3A_747, %dma_wait3A_748] : memref<79x128xi32, #tpu.memory_space<vmem>> -> memref<78x128xi32, #tpu.memory_space<vmem>>
      %dma_wait3A_750 = arith.constant 0 : i32
      %dma_wait3A_751 = tpu.memref_slice %arg3[%run_scoped3A_13, %mul3A_12, %dma_wait3A_750] : memref<2x2500x128xi32, #tpu.memory_space<hbm>> -> memref<1x78x128xi32, #tpu.memory_space<hbm>>
      %dma_wait3A_752 = tpu.memref_squeeze %dma_wait3A_751 : memref<1x78x128xi32, #tpu.memory_space<hbm>> -> memref<78x128xi32, #tpu.memory_space<hbm>>
      tpu.wait_dma2 semaphore(%run_scoped3A_728 : memref<!tpu.dma_semaphore, #tpu.memory_space<semaphore_mem>>) src(%dma_wait3A_752 : memref<78x128xi32, #tpu.memory_space<hbm>>) dst(%dma_wait3A_749 : memref<78x128xi32, #tpu.memory_space<vmem>>)
      tpu.yield
    }) : () -> ()
    %lt3A = arith.constant 4 : i32
    %lt3A_14 = arith.cmpi slt, %add3A, %lt3A : i32
    %convert_element_type3A = arith.extui %lt3A_14 : i1 to i32
    %cond3A = arith.constant 0 : i32
    %cond3A_15 = arith.cmpi ne, %convert_element_type3A, %cond3A : i32
    scf.if %cond3A_15 {
      %add3A_728 = arith.constant 2496 : i32
      %add3A_729 = arith.addi %add3A_728, %add3A : i32
      %run_scoped3A_730 = arith.constant 0 : i32
      %run_scoped3A_731 = arith.constant 78 : i32
      "tpu.region"() ({
        %run_scoped3A_736 = tpu.sem_alloc : memref<!tpu.dma_semaphore, #tpu.memory_space<semaphore_mem>>
        %dma_start3A_737 = arith.constant 0 : i32
        %dma_start3A_738 = tpu.memref_slice %arg5[%run_scoped3A_731, %dma_start3A_737] : memref<79x128xi32, #tpu.memory_space<vmem>> -> memref<1x128xi32, #tpu.memory_space<vmem>>
        %dma_start3A_739 = tpu.memref_squeeze %dma_start3A_738 : memref<1x128xi32, #tpu.memory_space<vmem>> -> memref<128xi32, #tpu.memory_space<vmem>>
        %dma_start3A_740 = arith.constant 0 : i32
        %dma_start3A_741 = tpu.memref_slice %arg3[%run_scoped3A_730, %add3A_729, %dma_start3A_740] : memref<2x2500x128xi32, #tpu.memory_space<hbm>> -> memref<1x1x128xi32, #tpu.memory_space<hbm>>
        %dma_start3A_742 = tpu.memref_squeeze %dma_start3A_741 : memref<1x1x128xi32, #tpu.memory_space<hbm>> -> memref<128xi32, #tpu.memory_space<hbm>>
        %dma_start3A_743 = arith.constant 0 : i32
        %dma_start3A_744 = tpu.memref_slice %arg5[%run_scoped3A_731, %dma_start3A_743] : memref<79x128xi32, #tpu.memory_space<vmem>> -> memref<1x128xi32, #tpu.memory_space<vmem>>
        %dma_start3A_745 = tpu.memref_squeeze %dma_start3A_744 : memref<1x128xi32, #tpu.memory_space<vmem>> -> memref<128xi32, #tpu.memory_space<vmem>>
        %dma_start3A_746 = arith.constant 0 : i32
        %dma_start3A_747 = tpu.memref_slice %arg3[%run_scoped3A_730, %add3A_729, %dma_start3A_746] : memref<2x2500x128xi32, #tpu.memory_space<hbm>> -> memref<1x1x128xi32, #tpu.memory_space<hbm>>
        %dma_start3A_748 = tpu.memref_squeeze %dma_start3A_747 : memref<1x1x128xi32, #tpu.memory_space<hbm>> -> memref<128xi32, #tpu.memory_space<hbm>>
        tpu.enqueue_dma source(%dma_start3A_748 : memref<128xi32, #tpu.memory_space<hbm>>) target(%dma_start3A_745 : memref<128xi32, #tpu.memory_space<vmem>>) target_semaphore(%run_scoped3A_736 : memref<!tpu.dma_semaphore, #tpu.memory_space<semaphore_mem>>)
        %dma_wait3A_749 = arith.constant 0 : i32
        %dma_wait3A_750 = tpu.memref_slice %arg5[%run_scoped3A_731, %dma_wait3A_749] : memref<79x128xi32, #tpu.memory_space<vmem>> -> memref<1x128xi32, #tpu.memory_space<vmem>>
        %dma_wait3A_751 = tpu.memref_squeeze %dma_wait3A_750 : memref<1x128xi32, #tpu.memory_space<vmem>> -> memref<128xi32, #tpu.memory_space<vmem>>
        %dma_wait3A_752 = arith.constant 0 : i32
        %dma_wait3A_753 = tpu.memref_slice %arg3[%run_scoped3A_730, %add3A_729, %dma_wait3A_752] : memref<2x2500x128xi32, #tpu.memory_space<hbm>> -> memref<1x1x128xi32, #tpu.memory_space<hbm>>
        %dma_wait3A_754 = tpu.memref_squeeze %dma_wait3A_753 : memref<1x1x128xi32, #tpu.memory_space<hbm>> -> memref<128xi32, #tpu.memory_space<hbm>>
        %dma_wait3A_755 = arith.constant 0 : i32
        %dma_wait3A_756 = tpu.memref_slice %arg5[%run_scoped3A_731, %dma_wait3A_755] : memref<79x128xi32, #tpu.memory_space<vmem>> -> memref<1x128xi32, #tpu.memory_space<vmem>>
        %dma_wait3A_757 = tpu.memref_squeeze %dma_wait3A_756 : memref<1x128xi32, #tpu.memory_space<vmem>> -> memref<128xi32, #tpu.memory_space<vmem>>
        %dma_wait3A_758 = arith.constant 0 : i32
        %dma_wait3A_759 = tpu.memref_slice %arg3[%run_scoped3A_730, %add3A_729, %dma_wait3A_758] : memref<2x2500x128xi32, #tpu.memory_space<hbm>> -> memref<1x1x128xi32, #tpu.memory_space<hbm>>
        %dma_wait3A_760 = tpu.memref_squeeze %dma_wait3A_759 : memref<1x1x128xi32, #tpu.memory_space<hbm>> -> memref<128xi32, #tpu.memory_space<hbm>>
        tpu.wait_dma2 semaphore(%run_scoped3A_736 : memref<!tpu.dma_semaphore, #tpu.memory_space<semaphore_mem>>) src(%dma_wait3A_760 : memref<128xi32, #tpu.memory_space<hbm>>) dst(%dma_wait3A_757 : memref<128xi32, #tpu.memory_space<vmem>>)
        tpu.yield
      }) : () -> ()
      %add3A_732 = arith.constant 2496 : i32
      %add3A_733 = arith.addi %add3A_732, %add3A : i32
      %run_scoped3A_734 = arith.constant 1 : i32
      %run_scoped3A_735 = arith.constant 78 : i32
      "tpu.region"() ({
        %run_scoped3A_736 = tpu.sem_alloc : memref<!tpu.dma_semaphore, #tpu.memory_space<semaphore_mem>>
        %dma_start3A_737 = arith.constant 0 : i32
        %dma_start3A_738 = tpu.memref_slice %arg6[%run_scoped3A_735, %dma_start3A_737] : memref<79x128xi32, #tpu.memory_space<vmem>> -> memref<1x128xi32, #tpu.memory_space<vmem>>
        %dma_start3A_739 = tpu.memref_squeeze %dma_start3A_738 : memref<1x128xi32, #tpu.memory_space<vmem>> -> memref<128xi32, #tpu.memory_space<vmem>>
        %dma_start3A_740 = arith.constant 0 : i32
        %dma_start3A_741 = tpu.memref_slice %arg3[%run_scoped3A_734, %add3A_733, %dma_start3A_740] : memref<2x2500x128xi32, #tpu.memory_space<hbm>> -> memref<1x1x128xi32, #tpu.memory_space<hbm>>
        %dma_start3A_742 = tpu.memref_squeeze %dma_start3A_741 : memref<1x1x128xi32, #tpu.memory_space<hbm>> -> memref<128xi32, #tpu.memory_space<hbm>>
        %dma_start3A_743 = arith.constant 0 : i32
        %dma_start3A_744 = tpu.memref_slice %arg6[%run_scoped3A_735, %dma_start3A_743] : memref<79x128xi32, #tpu.memory_space<vmem>> -> memref<1x128xi32, #tpu.memory_space<vmem>>
        %dma_start3A_745 = tpu.memref_squeeze %dma_start3A_744 : memref<1x128xi32, #tpu.memory_space<vmem>> -> memref<128xi32, #tpu.memory_space<vmem>>
        %dma_start3A_746 = arith.constant 0 : i32
        %dma_start3A_747 = tpu.memref_slice %arg3[%run_scoped3A_734, %add3A_733, %dma_start3A_746] : memref<2x2500x128xi32, #tpu.memory_space<hbm>> -> memref<1x1x128xi32, #tpu.memory_space<hbm>>
        %dma_start3A_748 = tpu.memref_squeeze %dma_start3A_747 : memref<1x1x128xi32, #tpu.memory_space<hbm>> -> memref<128xi32, #tpu.memory_space<hbm>>
        tpu.enqueue_dma source(%dma_start3A_748 : memref<128xi32, #tpu.memory_space<hbm>>) target(%dma_start3A_745 : memref<128xi32, #tpu.memory_space<vmem>>) target_semaphore(%run_scoped3A_736 : memref<!tpu.dma_semaphore, #tpu.memory_space<semaphore_mem>>)
        %dma_wait3A_749 = arith.constant 0 : i32
        %dma_wait3A_750 = tpu.memref_slice %arg6[%run_scoped3A_735, %dma_wait3A_749] : memref<79x128xi32, #tpu.memory_space<vmem>> -> memref<1x128xi32, #tpu.memory_space<vmem>>
        %dma_wait3A_751 = tpu.memref_squeeze %dma_wait3A_750 : memref<1x128xi32, #tpu.memory_space<vmem>> -> memref<128xi32, #tpu.memory_space<vmem>>
        %dma_wait3A_752 = arith.constant 0 : i32
        %dma_wait3A_753 = tpu.memref_slice %arg3[%run_scoped3A_734, %add3A_733, %dma_wait3A_752] : memref<2x2500x128xi32, #tpu.memory_space<hbm>> -> memref<1x1x128xi32, #tpu.memory_space<hbm>>
        %dma_wait3A_754 = tpu.memref_squeeze %dma_wait3A_753 : memref<1x1x128xi32, #tpu.memory_space<hbm>> -> memref<128xi32, #tpu.memory_space<hbm>>
        %dma_wait3A_755 = arith.constant 0 : i32
        %dma_wait3A_756 = tpu.memref_slice %arg6[%run_scoped3A_735, %dma_wait3A_755] : memref<79x128xi32, #tpu.memory_space<vmem>> -> memref<1x128xi32, #tpu.memory_space<vmem>>
        %dma_wait3A_757 = tpu.memref_squeeze %dma_wait3A_756 : memref<1x128xi32, #tpu.memory_space<vmem>> -> memref<128xi32, #tpu.memory_space<vmem>>
        %dma_wait3A_758 = arith.constant 0 : i32
        %dma_wait3A_759 = tpu.memref_slice %arg3[%run_scoped3A_734, %add3A_733, %dma_wait3A_758] : memref<2x2500x128xi32, #tpu.memory_space<hbm>> -> memref<1x1x128xi32, #tpu.memory_space<hbm>>
        %dma_wait3A_760 = tpu.memref_squeeze %dma_wait3A_759 : memref<1x1x128xi32, #tpu.memory_space<hbm>> -> memref<128xi32, #tpu.memory_space<hbm>>
        tpu.wait_dma2 semaphore(%run_scoped3A_736 : memref<!tpu.dma_semaphore, #tpu.memory_space<semaphore_mem>>) src(%dma_wait3A_760 : memref<128xi32, #tpu.memory_space<hbm>>) dst(%dma_wait3A_757 : memref<128xi32, #tpu.memory_space<vmem>>)
        tpu.yield
      }) : () -> ()
    } else {
    }
    %barrier3A = arith.constant 0 : index
    tpu.barrier barrier_id(%barrier3A)
    %dma_start3A = arith.constant 0 : i32
    %dma_start3A_16 = arith.constant 0 : i32
    %dma_start3A_17 = arith.constant 0 : i32
    %dma_start3A_18 = arith.constant 0 : i32
    %dma_start3A_19 = tpu.memref_slice %arg7[%dma_start3A_16, %dma_start3A_17, %dma_start3A_18] : memref<13x128x32xf32, #tpu.memory_space<vmem>> -> memref<1x128x32xf32, #tpu.memory_space<vmem>>
    %dma_start3A_20 = tpu.memref_squeeze %dma_start3A_19 : memref<1x128x32xf32, #tpu.memory_space<vmem>> -> memref<128x32xf32, #tpu.memory_space<vmem>>
    %dma_start3A_21 = arith.constant 0 : i32
    %dma_start3A_22 = tpu.memref_slice %arg5[%dma_start3A, %dma_start3A_21] : memref<79x128xi32, #tpu.memory_space<vmem>> -> memref<1x128xi32, #tpu.memory_space<vmem>>
    %dma_start3A_23 = tpu.memref_squeeze %dma_start3A_22 : memref<1x128xi32, #tpu.memory_space<vmem>> -> memref<128xi32, #tpu.memory_space<vmem>>
    %dma_start3A_24 = arith.constant 0 : i32
    %dma_start3A_25 = arith.constant 0 : i32
    %dma_start3A_26 = tpu.memref_slice %arg2[%dma_start3A_24, %dma_start3A_25] : memref<10240x32xf32, #tpu.memory_space<hbm>> -> memref<10240x32xf32, #tpu.memory_space<hbm>>
    tpu.enqueue_indirect_dma source(%dma_start3A_26 : memref<10240x32xf32, #tpu.memory_space<hbm>>) target(%dma_start3A_20 : memref<128x32xf32, #tpu.memory_space<vmem>>) offsets(%dma_start3A_23 : memref<128xi32, #tpu.memory_space<vmem>>) semaphore(%arg10 : memref<!tpu.dma_semaphore, #tpu.memory_space<semaphore_mem>>)
    %dma_start3A_27 = arith.constant 1 : i32
    %dma_start3A_28 = arith.constant 1 : i32
    %dma_start3A_29 = arith.constant 0 : i32
    %dma_start3A_30 = arith.constant 0 : i32
    %dma_start3A_31 = tpu.memref_slice %arg7[%dma_start3A_28, %dma_start3A_29, %dma_start3A_30] : memref<13x128x32xf32, #tpu.memory_space<vmem>> -> memref<1x128x32xf32, #tpu.memory_space<vmem>>
    %dma_start3A_32 = tpu.memref_squeeze %dma_start3A_31 : memref<1x128x32xf32, #tpu.memory_space<vmem>> -> memref<128x32xf32, #tpu.memory_space<vmem>>
    %dma_start3A_33 = arith.constant 0 : i32
    %dma_start3A_34 = tpu.memref_slice %arg5[%dma_start3A_27, %dma_start3A_33] : memref<79x128xi32, #tpu.memory_space<vmem>> -> memref<1x128xi32, #tpu.memory_space<vmem>>
    %dma_start3A_35 = tpu.memref_squeeze %dma_start3A_34 : memref<1x128xi32, #tpu.memory_space<vmem>> -> memref<128xi32, #tpu.memory_space<vmem>>
    %dma_start3A_36 = arith.constant 0 : i32
    %dma_start3A_37 = arith.constant 0 : i32
    %dma_start3A_38 = tpu.memref_slice %arg2[%dma_start3A_36, %dma_start3A_37] : memref<10240x32xf32, #tpu.memory_space<hbm>> -> memref<10240x32xf32, #tpu.memory_space<hbm>>
    tpu.enqueue_indirect_dma source(%dma_start3A_38 : memref<10240x32xf32, #tpu.memory_space<hbm>>) target(%dma_start3A_32 : memref<128x32xf32, #tpu.memory_space<vmem>>) offsets(%dma_start3A_35 : memref<128xi32, #tpu.memory_space<vmem>>) semaphore(%arg11 : memref<!tpu.dma_semaphore, #tpu.memory_space<semaphore_mem>>)
    %dma_start3A_39 = arith.constant 2 : i32
    %dma_start3A_40 = arith.constant 2 : i32
    %dma_start3A_41 = arith.constant 0 : i32
    %dma_start3A_42 = arith.constant 0 : i32
    %dma_start3A_43 = tpu.memref_slice %arg7[%dma_start3A_40, %dma_start3A_41, %dma_start3A_42] : memref<13x128x32xf32, #tpu.memory_space<vmem>> -> memref<1x128x32xf32, #tpu.memory_space<vmem>>
    %dma_start3A_44 = tpu.memref_squeeze %dma_start3A_43 : memref<1x128x32xf32, #tpu.memory_space<vmem>> -> memref<128x32xf32, #tpu.memory_space<vmem>>
    %dma_start3A_45 = arith.constant 0 : i32
    %dma_start3A_46 = tpu.memref_slice %arg5[%dma_start3A_39, %dma_start3A_45] : memref<79x128xi32, #tpu.memory_space<vmem>> -> memref<1x128xi32, #tpu.memory_space<vmem>>
    %dma_start3A_47 = tpu.memref_squeeze %dma_start3A_46 : memref<1x128xi32, #tpu.memory_space<vmem>> -> memref<128xi32, #tpu.memory_space<vmem>>
    %dma_start3A_48 = arith.constant 0 : i32
    %dma_start3A_49 = arith.constant 0 : i32
    %dma_start3A_50 = tpu.memref_slice %arg2[%dma_start3A_48, %dma_start3A_49] : memref<10240x32xf32, #tpu.memory_space<hbm>> -> memref<10240x32xf32, #tpu.memory_space<hbm>>
    tpu.enqueue_indirect_dma source(%dma_start3A_50 : memref<10240x32xf32, #tpu.memory_space<hbm>>) target(%dma_start3A_44 : memref<128x32xf32, #tpu.memory_space<vmem>>) offsets(%dma_start3A_47 : memref<128xi32, #tpu.memory_space<vmem>>) semaphore(%arg12 : memref<!tpu.dma_semaphore, #tpu.memory_space<semaphore_mem>>)
    %dma_start3A_51 = arith.constant 3 : i32
    %dma_start3A_52 = arith.constant 3 : i32
    %dma_start3A_53 = arith.constant 0 : i32
    %dma_start3A_54 = arith.constant 0 : i32
    %dma_start3A_55 = tpu.memref_slice %arg7[%dma_start3A_52, %dma_start3A_53, %dma_start3A_54] : memref<13x128x32xf32, #tpu.memory_space<vmem>> -> memref<1x128x32xf32, #tpu.memory_space<vmem>>
    %dma_start3A_56 = tpu.memref_squeeze %dma_start3A_55 : memref<1x128x32xf32, #tpu.memory_space<vmem>> -> memref<128x32xf32, #tpu.memory_space<vmem>>
    %dma_start3A_57 = arith.constant 0 : i32
    %dma_start3A_58 = tpu.memref_slice %arg5[%dma_start3A_51, %dma_start3A_57] : memref<79x128xi32, #tpu.memory_space<vmem>> -> memref<1x128xi32, #tpu.memory_space<vmem>>
    %dma_start3A_59 = tpu.memref_squeeze %dma_start3A_58 : memref<1x128xi32, #tpu.memory_space<vmem>> -> memref<128xi32, #tpu.memory_space<vmem>>
    %dma_start3A_60 = arith.constant 0 : i32
    %dma_start3A_61 = arith.constant 0 : i32
    %dma_start3A_62 = tpu.memref_slice %arg2[%dma_start3A_60, %dma_start3A_61] : memref<10240x32xf32, #tpu.memory_space<hbm>> -> memref<10240x32xf32, #tpu.memory_space<hbm>>
    tpu.enqueue_indirect_dma source(%dma_start3A_62 : memref<10240x32xf32, #tpu.memory_space<hbm>>) target(%dma_start3A_56 : memref<128x32xf32, #tpu.memory_space<vmem>>) offsets(%dma_start3A_59 : memref<128xi32, #tpu.memory_space<vmem>>) semaphore(%arg13 : memref<!tpu.dma_semaphore, #tpu.memory_space<semaphore_mem>>)
    %dma_start3A_63 = arith.constant 4 : i32
    %dma_start3A_64 = arith.constant 4 : i32
    %dma_start3A_65 = arith.constant 0 : i32
    %dma_start3A_66 = arith.constant 0 : i32
    %dma_start3A_67 = tpu.memref_slice %arg7[%dma_start3A_64, %dma_start3A_65, %dma_start3A_66] : memref<13x128x32xf32, #tpu.memory_space<vmem>> -> memref<1x128x32xf32, #tpu.memory_space<vmem>>
    %dma_start3A_68 = tpu.memref_squeeze %dma_start3A_67 : memref<1x128x32xf32, #tpu.memory_space<vmem>> -> memref<128x32xf32, #tpu.memory_space<vmem>>
    %dma_start3A_69 = arith.constant 0 : i32
    %dma_start3A_70 = tpu.memref_slice %arg5[%dma_start3A_63, %dma_start3A_69] : memref<79x128xi32, #tpu.memory_space<vmem>> -> memref<1x128xi32, #tpu.memory_space<vmem>>
    %dma_start3A_71 = tpu.memref_squeeze %dma_start3A_70 : memref<1x128xi32, #tpu.memory_space<vmem>> -> memref<128xi32, #tpu.memory_space<vmem>>
    %dma_start3A_72 = arith.constant 0 : i32
    %dma_start3A_73 = arith.constant 0 : i32
    %dma_start3A_74 = tpu.memref_slice %arg2[%dma_start3A_72, %dma_start3A_73] : memref<10240x32xf32, #tpu.memory_space<hbm>> -> memref<10240x32xf32, #tpu.memory_space<hbm>>
    tpu.enqueue_indirect_dma source(%dma_start3A_74 : memref<10240x32xf32, #tpu.memory_space<hbm>>) target(%dma_start3A_68 : memref<128x32xf32, #tpu.memory_space<vmem>>) offsets(%dma_start3A_71 : memref<128xi32, #tpu.memory_space<vmem>>) semaphore(%arg14 : memref<!tpu.dma_semaphore, #tpu.memory_space<semaphore_mem>>)
    %dma_start3A_75 = arith.constant 5 : i32
    %dma_start3A_76 = arith.constant 5 : i32
    %dma_start3A_77 = arith.constant 0 : i32
    %dma_start3A_78 = arith.constant 0 : i32
    %dma_start3A_79 = tpu.memref_slice %arg7[%dma_start3A_76, %dma_start3A_77, %dma_start3A_78] : memref<13x128x32xf32, #tpu.memory_space<vmem>> -> memref<1x128x32xf32, #tpu.memory_space<vmem>>
    %dma_start3A_80 = tpu.memref_squeeze %dma_start3A_79 : memref<1x128x32xf32, #tpu.memory_space<vmem>> -> memref<128x32xf32, #tpu.memory_space<vmem>>
    %dma_start3A_81 = arith.constant 0 : i32
    %dma_start3A_82 = tpu.memref_slice %arg5[%dma_start3A_75, %dma_start3A_81] : memref<79x128xi32, #tpu.memory_space<vmem>> -> memref<1x128xi32, #tpu.memory_space<vmem>>
    %dma_start3A_83 = tpu.memref_squeeze %dma_start3A_82 : memref<1x128xi32, #tpu.memory_space<vmem>> -> memref<128xi32, #tpu.memory_space<vmem>>
    %dma_start3A_84 = arith.constant 0 : i32
    %dma_start3A_85 = arith.constant 0 : i32
    %dma_start3A_86 = tpu.memref_slice %arg2[%dma_start3A_84, %dma_start3A_85] : memref<10240x32xf32, #tpu.memory_space<hbm>> -> memref<10240x32xf32, #tpu.memory_space<hbm>>
    tpu.enqueue_indirect_dma source(%dma_start3A_86 : memref<10240x32xf32, #tpu.memory_space<hbm>>) target(%dma_start3A_80 : memref<128x32xf32, #tpu.memory_space<vmem>>) offsets(%dma_start3A_83 : memref<128xi32, #tpu.memory_space<vmem>>) semaphore(%arg15 : memref<!tpu.dma_semaphore, #tpu.memory_space<semaphore_mem>>)
    %dma_start3A_87 = arith.constant 6 : i32
    %dma_start3A_88 = arith.constant 6 : i32
    %dma_start3A_89 = arith.constant 0 : i32
    %dma_start3A_90 = arith.constant 0 : i32
    %dma_start3A_91 = tpu.memref_slice %arg7[%dma_start3A_88, %dma_start3A_89, %dma_start3A_90] : memref<13x128x32xf32, #tpu.memory_space<vmem>> -> memref<1x128x32xf32, #tpu.memory_space<vmem>>
    %dma_start3A_92 = tpu.memref_squeeze %dma_start3A_91 : memref<1x128x32xf32, #tpu.memory_space<vmem>> -> memref<128x32xf32, #tpu.memory_space<vmem>>
    %dma_start3A_93 = arith.constant 0 : i32
    %dma_start3A_94 = tpu.memref_slice %arg5[%dma_start3A_87, %dma_start3A_93] : memref<79x128xi32, #tpu.memory_space<vmem>> -> memref<1x128xi32, #tpu.memory_space<vmem>>
    %dma_start3A_95 = tpu.memref_squeeze %dma_start3A_94 : memref<1x128xi32, #tpu.memory_space<vmem>> -> memref<128xi32, #tpu.memory_space<vmem>>
    %dma_start3A_96 = arith.constant 0 : i32
    %dma_start3A_97 = arith.constant 0 : i32
    %dma_start3A_98 = tpu.memref_slice %arg2[%dma_start3A_96, %dma_start3A_97] : memref<10240x32xf32, #tpu.memory_space<hbm>> -> memref<10240x32xf32, #tpu.memory_space<hbm>>
    tpu.enqueue_indirect_dma source(%dma_start3A_98 : memref<10240x32xf32, #tpu.memory_space<hbm>>) target(%dma_start3A_92 : memref<128x32xf32, #tpu.memory_space<vmem>>) offsets(%dma_start3A_95 : memref<128xi32, #tpu.memory_space<vmem>>) semaphore(%arg16 : memref<!tpu.dma_semaphore, #tpu.memory_space<semaphore_mem>>)
    %dma_start3A_99 = arith.constant 7 : i32
    %dma_start3A_100 = arith.constant 7 : i32
    %dma_start3A_101 = arith.constant 0 : i32
    %dma_start3A_102 = arith.constant 0 : i32
    %dma_start3A_103 = tpu.memref_slice %arg7[%dma_start3A_100, %dma_start3A_101, %dma_start3A_102] : memref<13x128x32xf32, #tpu.memory_space<vmem>> -> memref<1x128x32xf32, #tpu.memory_space<vmem>>
    %dma_start3A_104 = tpu.memref_squeeze %dma_start3A_103 : memref<1x128x32xf32, #tpu.memory_space<vmem>> -> memref<128x32xf32, #tpu.memory_space<vmem>>
    %dma_start3A_105 = arith.constant 0 : i32
    %dma_start3A_106 = tpu.memref_slice %arg5[%dma_start3A_99, %dma_start3A_105] : memref<79x128xi32, #tpu.memory_space<vmem>> -> memref<1x128xi32, #tpu.memory_space<vmem>>
    %dma_start3A_107 = tpu.memref_squeeze %dma_start3A_106 : memref<1x128xi32, #tpu.memory_space<vmem>> -> memref<128xi32, #tpu.memory_space<vmem>>
    %dma_start3A_108 = arith.constant 0 : i32
    %dma_start3A_109 = arith.constant 0 : i32
    %dma_start3A_110 = tpu.memref_slice %arg2[%dma_start3A_108, %dma_start3A_109] : memref<10240x32xf32, #tpu.memory_space<hbm>> -> memref<10240x32xf32, #tpu.memory_space<hbm>>
    tpu.enqueue_indirect_dma source(%dma_start3A_110 : memref<10240x32xf32, #tpu.memory_space<hbm>>) target(%dma_start3A_104 : memref<128x32xf32, #tpu.memory_space<vmem>>) offsets(%dma_start3A_107 : memref<128xi32, #tpu.memory_space<vmem>>) semaphore(%arg17 : memref<!tpu.dma_semaphore, #tpu.memory_space<semaphore_mem>>)
    %dma_start3A_111 = arith.constant 8 : i32
    %dma_start3A_112 = arith.constant 8 : i32
    %dma_start3A_113 = arith.constant 0 : i32
    %dma_start3A_114 = arith.constant 0 : i32
    %dma_start3A_115 = tpu.memref_slice %arg7[%dma_start3A_112, %dma_start3A_113, %dma_start3A_114] : memref<13x128x32xf32, #tpu.memory_space<vmem>> -> memref<1x128x32xf32, #tpu.memory_space<vmem>>
    %dma_start3A_116 = tpu.memref_squeeze %dma_start3A_115 : memref<1x128x32xf32, #tpu.memory_space<vmem>> -> memref<128x32xf32, #tpu.memory_space<vmem>>
    %dma_start3A_117 = arith.constant 0 : i32
    %dma_start3A_118 = tpu.memref_slice %arg5[%dma_start3A_111, %dma_start3A_117] : memref<79x128xi32, #tpu.memory_space<vmem>> -> memref<1x128xi32, #tpu.memory_space<vmem>>
    %dma_start3A_119 = tpu.memref_squeeze %dma_start3A_118 : memref<1x128xi32, #tpu.memory_space<vmem>> -> memref<128xi32, #tpu.memory_space<vmem>>
    %dma_start3A_120 = arith.constant 0 : i32
    %dma_start3A_121 = arith.constant 0 : i32
    %dma_start3A_122 = tpu.memref_slice %arg2[%dma_start3A_120, %dma_start3A_121] : memref<10240x32xf32, #tpu.memory_space<hbm>> -> memref<10240x32xf32, #tpu.memory_space<hbm>>
    tpu.enqueue_indirect_dma source(%dma_start3A_122 : memref<10240x32xf32, #tpu.memory_space<hbm>>) target(%dma_start3A_116 : memref<128x32xf32, #tpu.memory_space<vmem>>) offsets(%dma_start3A_119 : memref<128xi32, #tpu.memory_space<vmem>>) semaphore(%arg18 : memref<!tpu.dma_semaphore, #tpu.memory_space<semaphore_mem>>)
    %dma_start3A_123 = arith.constant 9 : i32
    %dma_start3A_124 = arith.constant 9 : i32
    %dma_start3A_125 = arith.constant 0 : i32
    %dma_start3A_126 = arith.constant 0 : i32
    %dma_start3A_127 = tpu.memref_slice %arg7[%dma_start3A_124, %dma_start3A_125, %dma_start3A_126] : memref<13x128x32xf32, #tpu.memory_space<vmem>> -> memref<1x128x32xf32, #tpu.memory_space<vmem>>
    %dma_start3A_128 = tpu.memref_squeeze %dma_start3A_127 : memref<1x128x32xf32, #tpu.memory_space<vmem>> -> memref<128x32xf32, #tpu.memory_space<vmem>>
    %dma_start3A_129 = arith.constant 0 : i32
    %dma_start3A_130 = tpu.memref_slice %arg5[%dma_start3A_123, %dma_start3A_129] : memref<79x128xi32, #tpu.memory_space<vmem>> -> memref<1x128xi32, #tpu.memory_space<vmem>>
    %dma_start3A_131 = tpu.memref_squeeze %dma_start3A_130 : memref<1x128xi32, #tpu.memory_space<vmem>> -> memref<128xi32, #tpu.memory_space<vmem>>
    %dma_start3A_132 = arith.constant 0 : i32
    %dma_start3A_133 = arith.constant 0 : i32
    %dma_start3A_134 = tpu.memref_slice %arg2[%dma_start3A_132, %dma_start3A_133] : memref<10240x32xf32, #tpu.memory_space<hbm>> -> memref<10240x32xf32, #tpu.memory_space<hbm>>
    tpu.enqueue_indirect_dma source(%dma_start3A_134 : memref<10240x32xf32, #tpu.memory_space<hbm>>) target(%dma_start3A_128 : memref<128x32xf32, #tpu.memory_space<vmem>>) offsets(%dma_start3A_131 : memref<128xi32, #tpu.memory_space<vmem>>) semaphore(%arg19 : memref<!tpu.dma_semaphore, #tpu.memory_space<semaphore_mem>>)
    %dma_start3A_135 = arith.constant 10 : i32
    %dma_start3A_136 = arith.constant 10 : i32
    %dma_start3A_137 = arith.constant 0 : i32
    %dma_start3A_138 = arith.constant 0 : i32
    %dma_start3A_139 = tpu.memref_slice %arg7[%dma_start3A_136, %dma_start3A_137, %dma_start3A_138] : memref<13x128x32xf32, #tpu.memory_space<vmem>> -> memref<1x128x32xf32, #tpu.memory_space<vmem>>
    %dma_start3A_140 = tpu.memref_squeeze %dma_start3A_139 : memref<1x128x32xf32, #tpu.memory_space<vmem>> -> memref<128x32xf32, #tpu.memory_space<vmem>>
    %dma_start3A_141 = arith.constant 0 : i32
    %dma_start3A_142 = tpu.memref_slice %arg5[%dma_start3A_135, %dma_start3A_141] : memref<79x128xi32, #tpu.memory_space<vmem>> -> memref<1x128xi32, #tpu.memory_space<vmem>>
    %dma_start3A_143 = tpu.memref_squeeze %dma_start3A_142 : memref<1x128xi32, #tpu.memory_space<vmem>> -> memref<128xi32, #tpu.memory_space<vmem>>
    %dma_start3A_144 = arith.constant 0 : i32
    %dma_start3A_145 = arith.constant 0 : i32
    %dma_start3A_146 = tpu.memref_slice %arg2[%dma_start3A_144, %dma_start3A_145] : memref<10240x32xf32, #tpu.memory_space<hbm>> -> memref<10240x32xf32, #tpu.memory_space<hbm>>
    tpu.enqueue_indirect_dma source(%dma_start3A_146 : memref<10240x32xf32, #tpu.memory_space<hbm>>) target(%dma_start3A_140 : memref<128x32xf32, #tpu.memory_space<vmem>>) offsets(%dma_start3A_143 : memref<128xi32, #tpu.memory_space<vmem>>) semaphore(%arg20 : memref<!tpu.dma_semaphore, #tpu.memory_space<semaphore_mem>>)
    %dma_start3A_147 = arith.constant 11 : i32
    %dma_start3A_148 = arith.constant 11 : i32
    %dma_start3A_149 = arith.constant 0 : i32
    %dma_start3A_150 = arith.constant 0 : i32
    %dma_start3A_151 = tpu.memref_slice %arg7[%dma_start3A_148, %dma_start3A_149, %dma_start3A_150] : memref<13x128x32xf32, #tpu.memory_space<vmem>> -> memref<1x128x32xf32, #tpu.memory_space<vmem>>
    %dma_start3A_152 = tpu.memref_squeeze %dma_start3A_151 : memref<1x128x32xf32, #tpu.memory_space<vmem>> -> memref<128x32xf32, #tpu.memory_space<vmem>>
    %dma_start3A_153 = arith.constant 0 : i32
    %dma_start3A_154 = tpu.memref_slice %arg5[%dma_start3A_147, %dma_start3A_153] : memref<79x128xi32, #tpu.memory_space<vmem>> -> memref<1x128xi32, #tpu.memory_space<vmem>>
    %dma_start3A_155 = tpu.memref_squeeze %dma_start3A_154 : memref<1x128xi32, #tpu.memory_space<vmem>> -> memref<128xi32, #tpu.memory_space<vmem>>
    %dma_start3A_156 = arith.constant 0 : i32
    %dma_start3A_157 = arith.constant 0 : i32
    %dma_start3A_158 = tpu.memref_slice %arg2[%dma_start3A_156, %dma_start3A_157] : memref<10240x32xf32, #tpu.memory_space<hbm>> -> memref<10240x32xf32, #tpu.memory_space<hbm>>
    tpu.enqueue_indirect_dma source(%dma_start3A_158 : memref<10240x32xf32, #tpu.memory_space<hbm>>) target(%dma_start3A_152 : memref<128x32xf32, #tpu.memory_space<vmem>>) offsets(%dma_start3A_155 : memref<128xi32, #tpu.memory_space<vmem>>) semaphore(%arg21 : memref<!tpu.dma_semaphore, #tpu.memory_space<semaphore_mem>>)
    %dma_start3A_159 = arith.constant 12 : i32
    %dma_start3A_160 = arith.constant 12 : i32
    %dma_start3A_161 = arith.constant 0 : i32
    %dma_start3A_162 = arith.constant 0 : i32
    %dma_start3A_163 = tpu.memref_slice %arg7[%dma_start3A_160, %dma_start3A_161, %dma_start3A_162] : memref<13x128x32xf32, #tpu.memory_space<vmem>> -> memref<1x128x32xf32, #tpu.memory_space<vmem>>
    %dma_start3A_164 = tpu.memref_squeeze %dma_start3A_163 : memref<1x128x32xf32, #tpu.memory_space<vmem>> -> memref<128x32xf32, #tpu.memory_space<vmem>>
    %dma_start3A_165 = arith.constant 0 : i32
    %dma_start3A_166 = tpu.memref_slice %arg5[%dma_start3A_159, %dma_start3A_165] : memref<79x128xi32, #tpu.memory_space<vmem>> -> memref<1x128xi32, #tpu.memory_space<vmem>>
    %dma_start3A_167 = tpu.memref_squeeze %dma_start3A_166 : memref<1x128xi32, #tpu.memory_space<vmem>> -> memref<128xi32, #tpu.memory_space<vmem>>
    %dma_start3A_168 = arith.constant 0 : i32
    %dma_start3A_169 = arith.constant 0 : i32
    %dma_start3A_170 = tpu.memref_slice %arg2[%dma_start3A_168, %dma_start3A_169] : memref<10240x32xf32, #tpu.memory_space<hbm>> -> memref<10240x32xf32, #tpu.memory_space<hbm>>
    tpu.enqueue_indirect_dma source(%dma_start3A_170 : memref<10240x32xf32, #tpu.memory_space<hbm>>) target(%dma_start3A_164 : memref<128x32xf32, #tpu.memory_space<vmem>>) offsets(%dma_start3A_167 : memref<128xi32, #tpu.memory_space<vmem>>) semaphore(%arg22 : memref<!tpu.dma_semaphore, #tpu.memory_space<semaphore_mem>>)
    %scan3A_171 = arith.constant 0 : i32
    %scan3A_172 = arith.constant 0 : i32
    %scan3A_173 = arith.constant 5 : i32
    %scan3A_174 = arith.addi %scan3A_172, %scan3A_173 : i32
    %scan3A_175 = arith.constant 1 : i32
    scf.for %scan3A_728 = %scan3A_172 to %scan3A_174 step %scan3A_175  : i32 {
      %dma_wait3A_729 = arith.constant 0 : i32
      %dma_wait3A_730 = arith.constant 0 : i32
      %dma_wait3A_731 = arith.constant 0 : i32
      %dma_wait3A_732 = tpu.memref_slice %arg7[%dma_wait3A_729, %dma_wait3A_730, %dma_wait3A_731] : memref<13x128x32xf32, #tpu.memory_space<vmem>> -> memref<1x128x32xf32, #tpu.memory_space<vmem>>
      %dma_wait3A_733 = tpu.memref_squeeze %dma_wait3A_732 : memref<1x128x32xf32, #tpu.memory_space<vmem>> -> memref<128x32xf32, #tpu.memory_space<vmem>>
      %dma_wait3A_734 = arith.constant 0 : i32
      %dma_wait3A_735 = arith.constant 0 : i32
      %dma_wait3A_736 = tpu.memref_slice %arg2[%dma_wait3A_734, %dma_wait3A_735] : memref<10240x32xf32, #tpu.memory_space<hbm>> -> memref<128x32xf32, #tpu.memory_space<hbm>>
      %dma_wait3A_737 = arith.constant 0 : i32
      %dma_wait3A_738 = arith.constant 0 : i32
      %dma_wait3A_739 = tpu.memref_slice %arg7[%dma_wait3A_729, %dma_wait3A_737, %dma_wait3A_738] : memref<13x128x32xf32, #tpu.memory_space<vmem>> -> memref<1x128x32xf32, #tpu.memory_space<vmem>>
      %dma_wait3A_740 = tpu.memref_squeeze %dma_wait3A_739 : memref<1x128x32xf32, #tpu.memory_space<vmem>> -> memref<128x32xf32, #tpu.memory_space<vmem>>
      %dma_wait3A_741 = arith.constant 0 : i32
      %dma_wait3A_742 = arith.constant 0 : i32
      %dma_wait3A_743 = tpu.memref_slice %arg2[%dma_wait3A_741, %dma_wait3A_742] : memref<10240x32xf32, #tpu.memory_space<hbm>> -> memref<128x32xf32, #tpu.memory_space<hbm>>
      tpu.wait_dma2 semaphore(%arg10 : memref<!tpu.dma_semaphore, #tpu.memory_space<semaphore_mem>>) src(%dma_wait3A_743 : memref<128x32xf32, #tpu.memory_space<hbm>>) dst(%dma_wait3A_740 : memref<128x32xf32, #tpu.memory_space<vmem>>)
      %mul3A_744 = arith.constant 13 : i32
      %mul3A_745 = arith.muli %scan3A_728, %mul3A_744 : i32
      %add3A_746 = arith.constant 0 : i32
      %add3A_747 = arith.addi %mul3A_745, %add3A_746 : i32
      %dma_start3A_748 = arith.constant 0 : i32
      %dma_start3A_749 = arith.constant 0 : i32
      %dma_start3A_750 = arith.constant 0 : i32
      %dma_start3A_751 = tpu.memref_slice %arg7[%dma_start3A_748, %dma_start3A_749, %dma_start3A_750] : memref<13x128x32xf32, #tpu.memory_space<vmem>> -> memref<1x128x32xf32, #tpu.memory_space<vmem>>
      %dma_start3A_752 = tpu.memref_squeeze %dma_start3A_751 : memref<1x128x32xf32, #tpu.memory_space<vmem>> -> memref<128x32xf32, #tpu.memory_space<vmem>>
      %dma_start3A_753 = arith.constant 0 : i32
      %dma_start3A_754 = tpu.memref_slice %arg6[%add3A_747, %dma_start3A_753] : memref<79x128xi32, #tpu.memory_space<vmem>> -> memref<1x128xi32, #tpu.memory_space<vmem>>
      %dma_start3A_755 = tpu.memref_squeeze %dma_start3A_754 : memref<1x128xi32, #tpu.memory_space<vmem>> -> memref<128xi32, #tpu.memory_space<vmem>>
      %dma_start3A_756 = arith.constant 0 : i32
      %dma_start3A_757 = arith.constant 0 : i32
      %dma_start3A_758 = tpu.memref_slice %arg9[%dma_start3A_756, %dma_start3A_757] : memref<10000x32xf32, #tpu.memory_space<vmem_shared>> -> memref<10000x32xf32, #tpu.memory_space<vmem_shared>>
      tpu.enqueue_indirect_dma source(%dma_start3A_752 : memref<128x32xf32, #tpu.memory_space<vmem>>) target(%dma_start3A_758 : memref<10000x32xf32, #tpu.memory_space<vmem_shared>>) offsets(%dma_start3A_755 : memref<128xi32, #tpu.memory_space<vmem>>) semaphore(%arg23 : memref<!tpu.dma_semaphore, #tpu.memory_space<semaphore_mem>>) {add = true}
      %dma_wait3A_759 = arith.constant 0 : i32
      %dma_wait3A_760 = arith.constant 0 : i32
      %dma_wait3A_761 = arith.constant 0 : i32
      %dma_wait3A_762 = tpu.memref_slice %arg7[%dma_wait3A_759, %dma_wait3A_760, %dma_wait3A_761] : memref<13x128x32xf32, #tpu.memory_space<vmem>> -> memref<1x128x32xf32, #tpu.memory_space<vmem>>
      %dma_wait3A_763 = tpu.memref_squeeze %dma_wait3A_762 : memref<1x128x32xf32, #tpu.memory_space<vmem>> -> memref<128x32xf32, #tpu.memory_space<vmem>>
      %dma_wait3A_764 = arith.constant 0 : i32
      %dma_wait3A_765 = arith.constant 0 : i32
      %dma_wait3A_766 = tpu.memref_slice %arg2[%dma_wait3A_764, %dma_wait3A_765] : memref<10240x32xf32, #tpu.memory_space<hbm>> -> memref<128x32xf32, #tpu.memory_space<hbm>>
      %dma_wait3A_767 = arith.constant 0 : i32
      %dma_wait3A_768 = arith.constant 0 : i32
      %dma_wait3A_769 = tpu.memref_slice %arg7[%dma_wait3A_759, %dma_wait3A_767, %dma_wait3A_768] : memref<13x128x32xf32, #tpu.memory_space<vmem>> -> memref<1x128x32xf32, #tpu.memory_space<vmem>>
      %dma_wait3A_770 = tpu.memref_squeeze %dma_wait3A_769 : memref<1x128x32xf32, #tpu.memory_space<vmem>> -> memref<128x32xf32, #tpu.memory_space<vmem>>
      %dma_wait3A_771 = arith.constant 0 : i32
      %dma_wait3A_772 = arith.constant 0 : i32
      %dma_wait3A_773 = tpu.memref_slice %arg2[%dma_wait3A_771, %dma_wait3A_772] : memref<10240x32xf32, #tpu.memory_space<hbm>> -> memref<128x32xf32, #tpu.memory_space<hbm>>
      tpu.wait_dma2 semaphore(%arg11 : memref<!tpu.dma_semaphore, #tpu.memory_space<semaphore_mem>>) src(%dma_wait3A_773 : memref<128x32xf32, #tpu.memory_space<hbm>>) dst(%dma_wait3A_770 : memref<128x32xf32, #tpu.memory_space<vmem>>)
      %mul3A_774 = arith.constant 13 : i32
      %mul3A_775 = arith.muli %scan3A_728, %mul3A_774 : i32
      %add3A_776 = arith.constant 1 : i32
      %add3A_777 = arith.addi %mul3A_775, %add3A_776 : i32
      %dma_start3A_778 = arith.constant 1 : i32
      %dma_start3A_779 = arith.constant 0 : i32
      %dma_start3A_780 = arith.constant 0 : i32
      %dma_start3A_781 = tpu.memref_slice %arg7[%dma_start3A_778, %dma_start3A_779, %dma_start3A_780] : memref<13x128x32xf32, #tpu.memory_space<vmem>> -> memref<1x128x32xf32, #tpu.memory_space<vmem>>
      %dma_start3A_782 = tpu.memref_squeeze %dma_start3A_781 : memref<1x128x32xf32, #tpu.memory_space<vmem>> -> memref<128x32xf32, #tpu.memory_space<vmem>>
      %dma_start3A_783 = arith.constant 0 : i32
      %dma_start3A_784 = tpu.memref_slice %arg6[%add3A_777, %dma_start3A_783] : memref<79x128xi32, #tpu.memory_space<vmem>> -> memref<1x128xi32, #tpu.memory_space<vmem>>
      %dma_start3A_785 = tpu.memref_squeeze %dma_start3A_784 : memref<1x128xi32, #tpu.memory_space<vmem>> -> memref<128xi32, #tpu.memory_space<vmem>>
      %dma_start3A_786 = arith.constant 0 : i32
      %dma_start3A_787 = arith.constant 0 : i32
      %dma_start3A_788 = tpu.memref_slice %arg9[%dma_start3A_786, %dma_start3A_787] : memref<10000x32xf32, #tpu.memory_space<vmem_shared>> -> memref<10000x32xf32, #tpu.memory_space<vmem_shared>>
      tpu.enqueue_indirect_dma source(%dma_start3A_782 : memref<128x32xf32, #tpu.memory_space<vmem>>) target(%dma_start3A_788 : memref<10000x32xf32, #tpu.memory_space<vmem_shared>>) offsets(%dma_start3A_785 : memref<128xi32, #tpu.memory_space<vmem>>) semaphore(%arg24 : memref<!tpu.dma_semaphore, #tpu.memory_space<semaphore_mem>>) {add = true}
      %dma_wait3A_789 = arith.constant 0 : i32
      %dma_wait3A_790 = arith.constant 0 : i32
      %dma_wait3A_791 = arith.constant 0 : i32
      %dma_wait3A_792 = tpu.memref_slice %arg7[%dma_wait3A_789, %dma_wait3A_790, %dma_wait3A_791] : memref<13x128x32xf32, #tpu.memory_space<vmem>> -> memref<1x128x32xf32, #tpu.memory_space<vmem>>
      %dma_wait3A_793 = tpu.memref_squeeze %dma_wait3A_792 : memref<1x128x32xf32, #tpu.memory_space<vmem>> -> memref<128x32xf32, #tpu.memory_space<vmem>>
      %dma_wait3A_794 = arith.constant 0 : i32
      %dma_wait3A_795 = arith.constant 0 : i32
      %dma_wait3A_796 = tpu.memref_slice %arg2[%dma_wait3A_794, %dma_wait3A_795] : memref<10240x32xf32, #tpu.memory_space<hbm>> -> memref<128x32xf32, #tpu.memory_space<hbm>>
      %dma_wait3A_797 = arith.constant 0 : i32
      %dma_wait3A_798 = arith.constant 0 : i32
      %dma_wait3A_799 = tpu.memref_slice %arg7[%dma_wait3A_789, %dma_wait3A_797, %dma_wait3A_798] : memref<13x128x32xf32, #tpu.memory_space<vmem>> -> memref<1x128x32xf32, #tpu.memory_space<vmem>>
      %dma_wait3A_800 = tpu.memref_squeeze %dma_wait3A_799 : memref<1x128x32xf32, #tpu.memory_space<vmem>> -> memref<128x32xf32, #tpu.memory_space<vmem>>
      %dma_wait3A_801 = arith.constant 0 : i32
      %dma_wait3A_802 = arith.constant 0 : i32
      %dma_wait3A_803 = tpu.memref_slice %arg2[%dma_wait3A_801, %dma_wait3A_802] : memref<10240x32xf32, #tpu.memory_space<hbm>> -> memref<128x32xf32, #tpu.memory_space<hbm>>
      tpu.wait_dma2 semaphore(%arg12 : memref<!tpu.dma_semaphore, #tpu.memory_space<semaphore_mem>>) src(%dma_wait3A_803 : memref<128x32xf32, #tpu.memory_space<hbm>>) dst(%dma_wait3A_800 : memref<128x32xf32, #tpu.memory_space<vmem>>)
      %mul3A_804 = arith.constant 13 : i32
      %mul3A_805 = arith.muli %scan3A_728, %mul3A_804 : i32
      %add3A_806 = arith.constant 2 : i32
      %add3A_807 = arith.addi %mul3A_805, %add3A_806 : i32
      %dma_start3A_808 = arith.constant 2 : i32
      %dma_start3A_809 = arith.constant 0 : i32
      %dma_start3A_810 = arith.constant 0 : i32
      %dma_start3A_811 = tpu.memref_slice %arg7[%dma_start3A_808, %dma_start3A_809, %dma_start3A_810] : memref<13x128x32xf32, #tpu.memory_space<vmem>> -> memref<1x128x32xf32, #tpu.memory_space<vmem>>
      %dma_start3A_812 = tpu.memref_squeeze %dma_start3A_811 : memref<1x128x32xf32, #tpu.memory_space<vmem>> -> memref<128x32xf32, #tpu.memory_space<vmem>>
      %dma_start3A_813 = arith.constant 0 : i32
      %dma_start3A_814 = tpu.memref_slice %arg6[%add3A_807, %dma_start3A_813] : memref<79x128xi32, #tpu.memory_space<vmem>> -> memref<1x128xi32, #tpu.memory_space<vmem>>
      %dma_start3A_815 = tpu.memref_squeeze %dma_start3A_814 : memref<1x128xi32, #tpu.memory_space<vmem>> -> memref<128xi32, #tpu.memory_space<vmem>>
      %dma_start3A_816 = arith.constant 0 : i32
      %dma_start3A_817 = arith.constant 0 : i32
      %dma_start3A_818 = tpu.memref_slice %arg9[%dma_start3A_816, %dma_start3A_817] : memref<10000x32xf32, #tpu.memory_space<vmem_shared>> -> memref<10000x32xf32, #tpu.memory_space<vmem_shared>>
      tpu.enqueue_indirect_dma source(%dma_start3A_812 : memref<128x32xf32, #tpu.memory_space<vmem>>) target(%dma_start3A_818 : memref<10000x32xf32, #tpu.memory_space<vmem_shared>>) offsets(%dma_start3A_815 : memref<128xi32, #tpu.memory_space<vmem>>) semaphore(%arg25 : memref<!tpu.dma_semaphore, #tpu.memory_space<semaphore_mem>>) {add = true}
      %dma_wait3A_819 = arith.constant 0 : i32
      %dma_wait3A_820 = arith.constant 0 : i32
      %dma_wait3A_821 = arith.constant 0 : i32
      %dma_wait3A_822 = tpu.memref_slice %arg7[%dma_wait3A_819, %dma_wait3A_820, %dma_wait3A_821] : memref<13x128x32xf32, #tpu.memory_space<vmem>> -> memref<1x128x32xf32, #tpu.memory_space<vmem>>
      %dma_wait3A_823 = tpu.memref_squeeze %dma_wait3A_822 : memref<1x128x32xf32, #tpu.memory_space<vmem>> -> memref<128x32xf32, #tpu.memory_space<vmem>>
      %dma_wait3A_824 = arith.constant 0 : i32
      %dma_wait3A_825 = arith.constant 0 : i32
      %dma_wait3A_826 = tpu.memref_slice %arg2[%dma_wait3A_824, %dma_wait3A_825] : memref<10240x32xf32, #tpu.memory_space<hbm>> -> memref<128x32xf32, #tpu.memory_space<hbm>>
      %dma_wait3A_827 = arith.constant 0 : i32
      %dma_wait3A_828 = arith.constant 0 : i32
      %dma_wait3A_829 = tpu.memref_slice %arg7[%dma_wait3A_819, %dma_wait3A_827, %dma_wait3A_828] : memref<13x128x32xf32, #tpu.memory_space<vmem>> -> memref<1x128x32xf32, #tpu.memory_space<vmem>>
      %dma_wait3A_830 = tpu.memref_squeeze %dma_wait3A_829 : memref<1x128x32xf32, #tpu.memory_space<vmem>> -> memref<128x32xf32, #tpu.memory_space<vmem>>
      %dma_wait3A_831 = arith.constant 0 : i32
      %dma_wait3A_832 = arith.constant 0 : i32
      %dma_wait3A_833 = tpu.memref_slice %arg2[%dma_wait3A_831, %dma_wait3A_832] : memref<10240x32xf32, #tpu.memory_space<hbm>> -> memref<128x32xf32, #tpu.memory_space<hbm>>
      tpu.wait_dma2 semaphore(%arg13 : memref<!tpu.dma_semaphore, #tpu.memory_space<semaphore_mem>>) src(%dma_wait3A_833 : memref<128x32xf32, #tpu.memory_space<hbm>>) dst(%dma_wait3A_830 : memref<128x32xf32, #tpu.memory_space<vmem>>)
      %mul3A_834 = arith.constant 13 : i32
      %mul3A_835 = arith.muli %scan3A_728, %mul3A_834 : i32
      %add3A_836 = arith.constant 3 : i32
      %add3A_837 = arith.addi %mul3A_835, %add3A_836 : i32
      %dma_start3A_838 = arith.constant 3 : i32
      %dma_start3A_839 = arith.constant 0 : i32
      %dma_start3A_840 = arith.constant 0 : i32
      %dma_start3A_841 = tpu.memref_slice %arg7[%dma_start3A_838, %dma_start3A_839, %dma_start3A_840] : memref<13x128x32xf32, #tpu.memory_space<vmem>> -> memref<1x128x32xf32, #tpu.memory_space<vmem>>
      %dma_start3A_842 = tpu.memref_squeeze %dma_start3A_841 : memref<1x128x32xf32, #tpu.memory_space<vmem>> -> memref<128x32xf32, #tpu.memory_space<vmem>>
      %dma_start3A_843 = arith.constant 0 : i32
      %dma_start3A_844 = tpu.memref_slice %arg6[%add3A_837, %dma_start3A_843] : memref<79x128xi32, #tpu.memory_space<vmem>> -> memref<1x128xi32, #tpu.memory_space<vmem>>
      %dma_start3A_845 = tpu.memref_squeeze %dma_start3A_844 : memref<1x128xi32, #tpu.memory_space<vmem>> -> memref<128xi32, #tpu.memory_space<vmem>>
      %dma_start3A_846 = arith.constant 0 : i32
      %dma_start3A_847 = arith.constant 0 : i32
      %dma_start3A_848 = tpu.memref_slice %arg9[%dma_start3A_846, %dma_start3A_847] : memref<10000x32xf32, #tpu.memory_space<vmem_shared>> -> memref<10000x32xf32, #tpu.memory_space<vmem_shared>>
      tpu.enqueue_indirect_dma source(%dma_start3A_842 : memref<128x32xf32, #tpu.memory_space<vmem>>) target(%dma_start3A_848 : memref<10000x32xf32, #tpu.memory_space<vmem_shared>>) offsets(%dma_start3A_845 : memref<128xi32, #tpu.memory_space<vmem>>) semaphore(%arg26 : memref<!tpu.dma_semaphore, #tpu.memory_space<semaphore_mem>>) {add = true}
      %dma_wait3A_849 = arith.constant 0 : i32
      %dma_wait3A_850 = arith.constant 0 : i32
      %dma_wait3A_851 = arith.constant 0 : i32
      %dma_wait3A_852 = tpu.memref_slice %arg7[%dma_wait3A_849, %dma_wait3A_850, %dma_wait3A_851] : memref<13x128x32xf32, #tpu.memory_space<vmem>> -> memref<1x128x32xf32, #tpu.memory_space<vmem>>
      %dma_wait3A_853 = tpu.memref_squeeze %dma_wait3A_852 : memref<1x128x32xf32, #tpu.memory_space<vmem>> -> memref<128x32xf32, #tpu.memory_space<vmem>>
      %dma_wait3A_854 = arith.constant 0 : i32
      %dma_wait3A_855 = arith.constant 0 : i32
      %dma_wait3A_856 = tpu.memref_slice %arg2[%dma_wait3A_854, %dma_wait3A_855] : memref<10240x32xf32, #tpu.memory_space<hbm>> -> memref<128x32xf32, #tpu.memory_space<hbm>>
      %dma_wait3A_857 = arith.constant 0 : i32
      %dma_wait3A_858 = arith.constant 0 : i32
      %dma_wait3A_859 = tpu.memref_slice %arg7[%dma_wait3A_849, %dma_wait3A_857, %dma_wait3A_858] : memref<13x128x32xf32, #tpu.memory_space<vmem>> -> memref<1x128x32xf32, #tpu.memory_space<vmem>>
      %dma_wait3A_860 = tpu.memref_squeeze %dma_wait3A_859 : memref<1x128x32xf32, #tpu.memory_space<vmem>> -> memref<128x32xf32, #tpu.memory_space<vmem>>
      %dma_wait3A_861 = arith.constant 0 : i32
      %dma_wait3A_862 = arith.constant 0 : i32
      %dma_wait3A_863 = tpu.memref_slice %arg2[%dma_wait3A_861, %dma_wait3A_862] : memref<10240x32xf32, #tpu.memory_space<hbm>> -> memref<128x32xf32, #tpu.memory_space<hbm>>
      tpu.wait_dma2 semaphore(%arg14 : memref<!tpu.dma_semaphore, #tpu.memory_space<semaphore_mem>>) src(%dma_wait3A_863 : memref<128x32xf32, #tpu.memory_space<hbm>>) dst(%dma_wait3A_860 : memref<128x32xf32, #tpu.memory_space<vmem>>)
      %mul3A_864 = arith.constant 13 : i32
      %mul3A_865 = arith.muli %scan3A_728, %mul3A_864 : i32
      %add3A_866 = arith.constant 4 : i32
      %add3A_867 = arith.addi %mul3A_865, %add3A_866 : i32
      %dma_start3A_868 = arith.constant 4 : i32
      %dma_start3A_869 = arith.constant 0 : i32
      %dma_start3A_870 = arith.constant 0 : i32
      %dma_start3A_871 = tpu.memref_slice %arg7[%dma_start3A_868, %dma_start3A_869, %dma_start3A_870] : memref<13x128x32xf32, #tpu.memory_space<vmem>> -> memref<1x128x32xf32, #tpu.memory_space<vmem>>
      %dma_start3A_872 = tpu.memref_squeeze %dma_start3A_871 : memref<1x128x32xf32, #tpu.memory_space<vmem>> -> memref<128x32xf32, #tpu.memory_space<vmem>>
      %dma_start3A_873 = arith.constant 0 : i32
      %dma_start3A_874 = tpu.memref_slice %arg6[%add3A_867, %dma_start3A_873] : memref<79x128xi32, #tpu.memory_space<vmem>> -> memref<1x128xi32, #tpu.memory_space<vmem>>
      %dma_start3A_875 = tpu.memref_squeeze %dma_start3A_874 : memref<1x128xi32, #tpu.memory_space<vmem>> -> memref<128xi32, #tpu.memory_space<vmem>>
      %dma_start3A_876 = arith.constant 0 : i32
      %dma_start3A_877 = arith.constant 0 : i32
      %dma_start3A_878 = tpu.memref_slice %arg9[%dma_start3A_876, %dma_start3A_877] : memref<10000x32xf32, #tpu.memory_space<vmem_shared>> -> memref<10000x32xf32, #tpu.memory_space<vmem_shared>>
      tpu.enqueue_indirect_dma source(%dma_start3A_872 : memref<128x32xf32, #tpu.memory_space<vmem>>) target(%dma_start3A_878 : memref<10000x32xf32, #tpu.memory_space<vmem_shared>>) offsets(%dma_start3A_875 : memref<128xi32, #tpu.memory_space<vmem>>) semaphore(%arg27 : memref<!tpu.dma_semaphore, #tpu.memory_space<semaphore_mem>>) {add = true}
      %dma_wait3A_879 = arith.constant 0 : i32
      %dma_wait3A_880 = arith.constant 0 : i32
      %dma_wait3A_881 = arith.constant 0 : i32
      %dma_wait3A_882 = tpu.memref_slice %arg7[%dma_wait3A_879, %dma_wait3A_880, %dma_wait3A_881] : memref<13x128x32xf32, #tpu.memory_space<vmem>> -> memref<1x128x32xf32, #tpu.memory_space<vmem>>
      %dma_wait3A_883 = tpu.memref_squeeze %dma_wait3A_882 : memref<1x128x32xf32, #tpu.memory_space<vmem>> -> memref<128x32xf32, #tpu.memory_space<vmem>>
      %dma_wait3A_884 = arith.constant 0 : i32
      %dma_wait3A_885 = arith.constant 0 : i32
      %dma_wait3A_886 = tpu.memref_slice %arg2[%dma_wait3A_884, %dma_wait3A_885] : memref<10240x32xf32, #tpu.memory_space<hbm>> -> memref<128x32xf32, #tpu.memory_space<hbm>>
      %dma_wait3A_887 = arith.constant 0 : i32
      %dma_wait3A_888 = arith.constant 0 : i32
      %dma_wait3A_889 = tpu.memref_slice %arg7[%dma_wait3A_879, %dma_wait3A_887, %dma_wait3A_888] : memref<13x128x32xf32, #tpu.memory_space<vmem>> -> memref<1x128x32xf32, #tpu.memory_space<vmem>>
      %dma_wait3A_890 = tpu.memref_squeeze %dma_wait3A_889 : memref<1x128x32xf32, #tpu.memory_space<vmem>> -> memref<128x32xf32, #tpu.memory_space<vmem>>
      %dma_wait3A_891 = arith.constant 0 : i32
      %dma_wait3A_892 = arith.constant 0 : i32
      %dma_wait3A_893 = tpu.memref_slice %arg2[%dma_wait3A_891, %dma_wait3A_892] : memref<10240x32xf32, #tpu.memory_space<hbm>> -> memref<128x32xf32, #tpu.memory_space<hbm>>
      tpu.wait_dma2 semaphore(%arg15 : memref<!tpu.dma_semaphore, #tpu.memory_space<semaphore_mem>>) src(%dma_wait3A_893 : memref<128x32xf32, #tpu.memory_space<hbm>>) dst(%dma_wait3A_890 : memref<128x32xf32, #tpu.memory_space<vmem>>)
      %mul3A_894 = arith.constant 13 : i32
      %mul3A_895 = arith.muli %scan3A_728, %mul3A_894 : i32
      %add3A_896 = arith.constant 5 : i32
      %add3A_897 = arith.addi %mul3A_895, %add3A_896 : i32
      %dma_start3A_898 = arith.constant 5 : i32
      %dma_start3A_899 = arith.constant 0 : i32
      %dma_start3A_900 = arith.constant 0 : i32
      %dma_start3A_901 = tpu.memref_slice %arg7[%dma_start3A_898, %dma_start3A_899, %dma_start3A_900] : memref<13x128x32xf32, #tpu.memory_space<vmem>> -> memref<1x128x32xf32, #tpu.memory_space<vmem>>
      %dma_start3A_902 = tpu.memref_squeeze %dma_start3A_901 : memref<1x128x32xf32, #tpu.memory_space<vmem>> -> memref<128x32xf32, #tpu.memory_space<vmem>>
      %dma_start3A_903 = arith.constant 0 : i32
      %dma_start3A_904 = tpu.memref_slice %arg6[%add3A_897, %dma_start3A_903] : memref<79x128xi32, #tpu.memory_space<vmem>> -> memref<1x128xi32, #tpu.memory_space<vmem>>
      %dma_start3A_905 = tpu.memref_squeeze %dma_start3A_904 : memref<1x128xi32, #tpu.memory_space<vmem>> -> memref<128xi32, #tpu.memory_space<vmem>>
      %dma_start3A_906 = arith.constant 0 : i32
      %dma_start3A_907 = arith.constant 0 : i32
      %dma_start3A_908 = tpu.memref_slice %arg9[%dma_start3A_906, %dma_start3A_907] : memref<10000x32xf32, #tpu.memory_space<vmem_shared>> -> memref<10000x32xf32, #tpu.memory_space<vmem_shared>>
      tpu.enqueue_indirect_dma source(%dma_start3A_902 : memref<128x32xf32, #tpu.memory_space<vmem>>) target(%dma_start3A_908 : memref<10000x32xf32, #tpu.memory_space<vmem_shared>>) offsets(%dma_start3A_905 : memref<128xi32, #tpu.memory_space<vmem>>) semaphore(%arg28 : memref<!tpu.dma_semaphore, #tpu.memory_space<semaphore_mem>>) {add = true}
      %dma_wait3A_909 = arith.constant 0 : i32
      %dma_wait3A_910 = arith.constant 0 : i32
      %dma_wait3A_911 = arith.constant 0 : i32
      %dma_wait3A_912 = tpu.memref_slice %arg7[%dma_wait3A_909, %dma_wait3A_910, %dma_wait3A_911] : memref<13x128x32xf32, #tpu.memory_space<vmem>> -> memref<1x128x32xf32, #tpu.memory_space<vmem>>
      %dma_wait3A_913 = tpu.memref_squeeze %dma_wait3A_912 : memref<1x128x32xf32, #tpu.memory_space<vmem>> -> memref<128x32xf32, #tpu.memory_space<vmem>>
      %dma_wait3A_914 = arith.constant 0 : i32
      %dma_wait3A_915 = arith.constant 0 : i32
      %dma_wait3A_916 = tpu.memref_slice %arg2[%dma_wait3A_914, %dma_wait3A_915] : memref<10240x32xf32, #tpu.memory_space<hbm>> -> memref<128x32xf32, #tpu.memory_space<hbm>>
      %dma_wait3A_917 = arith.constant 0 : i32
      %dma_wait3A_918 = arith.constant 0 : i32
      %dma_wait3A_919 = tpu.memref_slice %arg7[%dma_wait3A_909, %dma_wait3A_917, %dma_wait3A_918] : memref<13x128x32xf32, #tpu.memory_space<vmem>> -> memref<1x128x32xf32, #tpu.memory_space<vmem>>
      %dma_wait3A_920 = tpu.memref_squeeze %dma_wait3A_919 : memref<1x128x32xf32, #tpu.memory_space<vmem>> -> memref<128x32xf32, #tpu.memory_space<vmem>>
      %dma_wait3A_921 = arith.constant 0 : i32
      %dma_wait3A_922 = arith.constant 0 : i32
      %dma_wait3A_923 = tpu.memref_slice %arg2[%dma_wait3A_921, %dma_wait3A_922] : memref<10240x32xf32, #tpu.memory_space<hbm>> -> memref<128x32xf32, #tpu.memory_space<hbm>>
      tpu.wait_dma2 semaphore(%arg16 : memref<!tpu.dma_semaphore, #tpu.memory_space<semaphore_mem>>) src(%dma_wait3A_923 : memref<128x32xf32, #tpu.memory_space<hbm>>) dst(%dma_wait3A_920 : memref<128x32xf32, #tpu.memory_space<vmem>>)
      %mul3A_924 = arith.constant 13 : i32
      %mul3A_925 = arith.muli %scan3A_728, %mul3A_924 : i32
      %add3A_926 = arith.constant 6 : i32
      %add3A_927 = arith.addi %mul3A_925, %add3A_926 : i32
      %dma_start3A_928 = arith.constant 6 : i32
      %dma_start3A_929 = arith.constant 0 : i32
      %dma_start3A_930 = arith.constant 0 : i32
      %dma_start3A_931 = tpu.memref_slice %arg7[%dma_start3A_928, %dma_start3A_929, %dma_start3A_930] : memref<13x128x32xf32, #tpu.memory_space<vmem>> -> memref<1x128x32xf32, #tpu.memory_space<vmem>>
      %dma_start3A_932 = tpu.memref_squeeze %dma_start3A_931 : memref<1x128x32xf32, #tpu.memory_space<vmem>> -> memref<128x32xf32, #tpu.memory_space<vmem>>
      %dma_start3A_933 = arith.constant 0 : i32
      %dma_start3A_934 = tpu.memref_slice %arg6[%add3A_927, %dma_start3A_933] : memref<79x128xi32, #tpu.memory_space<vmem>> -> memref<1x128xi32, #tpu.memory_space<vmem>>
      %dma_start3A_935 = tpu.memref_squeeze %dma_start3A_934 : memref<1x128xi32, #tpu.memory_space<vmem>> -> memref<128xi32, #tpu.memory_space<vmem>>
      %dma_start3A_936 = arith.constant 0 : i32
      %dma_start3A_937 = arith.constant 0 : i32
      %dma_start3A_938 = tpu.memref_slice %arg9[%dma_start3A_936, %dma_start3A_937] : memref<10000x32xf32, #tpu.memory_space<vmem_shared>> -> memref<10000x32xf32, #tpu.memory_space<vmem_shared>>
      tpu.enqueue_indirect_dma source(%dma_start3A_932 : memref<128x32xf32, #tpu.memory_space<vmem>>) target(%dma_start3A_938 : memref<10000x32xf32, #tpu.memory_space<vmem_shared>>) offsets(%dma_start3A_935 : memref<128xi32, #tpu.memory_space<vmem>>) semaphore(%arg29 : memref<!tpu.dma_semaphore, #tpu.memory_space<semaphore_mem>>) {add = true}
      %dma_wait3A_939 = arith.constant 0 : i32
      %dma_wait3A_940 = arith.constant 0 : i32
      %dma_wait3A_941 = arith.constant 0 : i32
      %dma_wait3A_942 = tpu.memref_slice %arg7[%dma_wait3A_939, %dma_wait3A_940, %dma_wait3A_941] : memref<13x128x32xf32, #tpu.memory_space<vmem>> -> memref<1x128x32xf32, #tpu.memory_space<vmem>>
      %dma_wait3A_943 = tpu.memref_squeeze %dma_wait3A_942 : memref<1x128x32xf32, #tpu.memory_space<vmem>> -> memref<128x32xf32, #tpu.memory_space<vmem>>
      %dma_wait3A_944 = arith.constant 0 : i32
      %dma_wait3A_945 = arith.constant 0 : i32
      %dma_wait3A_946 = tpu.memref_slice %arg2[%dma_wait3A_944, %dma_wait3A_945] : memref<10240x32xf32, #tpu.memory_space<hbm>> -> memref<128x32xf32, #tpu.memory_space<hbm>>
      %dma_wait3A_947 = arith.constant 0 : i32
      %dma_wait3A_948 = arith.constant 0 : i32
      %dma_wait3A_949 = tpu.memref_slice %arg7[%dma_wait3A_939, %dma_wait3A_947, %dma_wait3A_948] : memref<13x128x32xf32, #tpu.memory_space<vmem>> -> memref<1x128x32xf32, #tpu.memory_space<vmem>>
      %dma_wait3A_950 = tpu.memref_squeeze %dma_wait3A_949 : memref<1x128x32xf32, #tpu.memory_space<vmem>> -> memref<128x32xf32, #tpu.memory_space<vmem>>
      %dma_wait3A_951 = arith.constant 0 : i32
      %dma_wait3A_952 = arith.constant 0 : i32
      %dma_wait3A_953 = tpu.memref_slice %arg2[%dma_wait3A_951, %dma_wait3A_952] : memref<10240x32xf32, #tpu.memory_space<hbm>> -> memref<128x32xf32, #tpu.memory_space<hbm>>
      tpu.wait_dma2 semaphore(%arg17 : memref<!tpu.dma_semaphore, #tpu.memory_space<semaphore_mem>>) src(%dma_wait3A_953 : memref<128x32xf32, #tpu.memory_space<hbm>>) dst(%dma_wait3A_950 : memref<128x32xf32, #tpu.memory_space<vmem>>)
      %mul3A_954 = arith.constant 13 : i32
      %mul3A_955 = arith.muli %scan3A_728, %mul3A_954 : i32
      %add3A_956 = arith.constant 7 : i32
      %add3A_957 = arith.addi %mul3A_955, %add3A_956 : i32
      %dma_start3A_958 = arith.constant 7 : i32
      %dma_start3A_959 = arith.constant 0 : i32
      %dma_start3A_960 = arith.constant 0 : i32
      %dma_start3A_961 = tpu.memref_slice %arg7[%dma_start3A_958, %dma_start3A_959, %dma_start3A_960] : memref<13x128x32xf32, #tpu.memory_space<vmem>> -> memref<1x128x32xf32, #tpu.memory_space<vmem>>
      %dma_start3A_962 = tpu.memref_squeeze %dma_start3A_961 : memref<1x128x32xf32, #tpu.memory_space<vmem>> -> memref<128x32xf32, #tpu.memory_space<vmem>>
      %dma_start3A_963 = arith.constant 0 : i32
      %dma_start3A_964 = tpu.memref_slice %arg6[%add3A_957, %dma_start3A_963] : memref<79x128xi32, #tpu.memory_space<vmem>> -> memref<1x128xi32, #tpu.memory_space<vmem>>
      %dma_start3A_965 = tpu.memref_squeeze %dma_start3A_964 : memref<1x128xi32, #tpu.memory_space<vmem>> -> memref<128xi32, #tpu.memory_space<vmem>>
      %dma_start3A_966 = arith.constant 0 : i32
      %dma_start3A_967 = arith.constant 0 : i32
      %dma_start3A_968 = tpu.memref_slice %arg9[%dma_start3A_966, %dma_start3A_967] : memref<10000x32xf32, #tpu.memory_space<vmem_shared>> -> memref<10000x32xf32, #tpu.memory_space<vmem_shared>>
      tpu.enqueue_indirect_dma source(%dma_start3A_962 : memref<128x32xf32, #tpu.memory_space<vmem>>) target(%dma_start3A_968 : memref<10000x32xf32, #tpu.memory_space<vmem_shared>>) offsets(%dma_start3A_965 : memref<128xi32, #tpu.memory_space<vmem>>) semaphore(%arg30 : memref<!tpu.dma_semaphore, #tpu.memory_space<semaphore_mem>>) {add = true}
      %dma_wait3A_969 = arith.constant 0 : i32
      %dma_wait3A_970 = arith.constant 0 : i32
      %dma_wait3A_971 = arith.constant 0 : i32
      %dma_wait3A_972 = tpu.memref_slice %arg7[%dma_wait3A_969, %dma_wait3A_970, %dma_wait3A_971] : memref<13x128x32xf32, #tpu.memory_space<vmem>> -> memref<1x128x32xf32, #tpu.memory_space<vmem>>
      %dma_wait3A_973 = tpu.memref_squeeze %dma_wait3A_972 : memref<1x128x32xf32, #tpu.memory_space<vmem>> -> memref<128x32xf32, #tpu.memory_space<vmem>>
      %dma_wait3A_974 = arith.constant 0 : i32
      %dma_wait3A_975 = arith.constant 0 : i32
      %dma_wait3A_976 = tpu.memref_slice %arg2[%dma_wait3A_974, %dma_wait3A_975] : memref<10240x32xf32, #tpu.memory_space<hbm>> -> memref<128x32xf32, #tpu.memory_space<hbm>>
      %dma_wait3A_977 = arith.constant 0 : i32
      %dma_wait3A_978 = arith.constant 0 : i32
      %dma_wait3A_979 = tpu.memref_slice %arg7[%dma_wait3A_969, %dma_wait3A_977, %dma_wait3A_978] : memref<13x128x32xf32, #tpu.memory_space<vmem>> -> memref<1x128x32xf32, #tpu.memory_space<vmem>>
      %dma_wait3A_980 = tpu.memref_squeeze %dma_wait3A_979 : memref<1x128x32xf32, #tpu.memory_space<vmem>> -> memref<128x32xf32, #tpu.memory_space<vmem>>
      %dma_wait3A_981 = arith.constant 0 : i32
      %dma_wait3A_982 = arith.constant 0 : i32
      %dma_wait3A_983 = tpu.memref_slice %arg2[%dma_wait3A_981, %dma_wait3A_982] : memref<10240x32xf32, #tpu.memory_space<hbm>> -> memref<128x32xf32, #tpu.memory_space<hbm>>
      tpu.wait_dma2 semaphore(%arg18 : memref<!tpu.dma_semaphore, #tpu.memory_space<semaphore_mem>>) src(%dma_wait3A_983 : memref<128x32xf32, #tpu.memory_space<hbm>>) dst(%dma_wait3A_980 : memref<128x32xf32, #tpu.memory_space<vmem>>)
      %mul3A_984 = arith.constant 13 : i32
      %mul3A_985 = arith.muli %scan3A_728, %mul3A_984 : i32
      %add3A_986 = arith.constant 8 : i32
      %add3A_987 = arith.addi %mul3A_985, %add3A_986 : i32
      %dma_start3A_988 = arith.constant 8 : i32
      %dma_start3A_989 = arith.constant 0 : i32
      %dma_start3A_990 = arith.constant 0 : i32
      %dma_start3A_991 = tpu.memref_slice %arg7[%dma_start3A_988, %dma_start3A_989, %dma_start3A_990] : memref<13x128x32xf32, #tpu.memory_space<vmem>> -> memref<1x128x32xf32, #tpu.memory_space<vmem>>
      %dma_start3A_992 = tpu.memref_squeeze %dma_start3A_991 : memref<1x128x32xf32, #tpu.memory_space<vmem>> -> memref<128x32xf32, #tpu.memory_space<vmem>>
      %dma_start3A_993 = arith.constant 0 : i32
      %dma_start3A_994 = tpu.memref_slice %arg6[%add3A_987, %dma_start3A_993] : memref<79x128xi32, #tpu.memory_space<vmem>> -> memref<1x128xi32, #tpu.memory_space<vmem>>
      %dma_start3A_995 = tpu.memref_squeeze %dma_start3A_994 : memref<1x128xi32, #tpu.memory_space<vmem>> -> memref<128xi32, #tpu.memory_space<vmem>>
      %dma_start3A_996 = arith.constant 0 : i32
      %dma_start3A_997 = arith.constant 0 : i32
      %dma_start3A_998 = tpu.memref_slice %arg9[%dma_start3A_996, %dma_start3A_997] : memref<10000x32xf32, #tpu.memory_space<vmem_shared>> -> memref<10000x32xf32, #tpu.memory_space<vmem_shared>>
      tpu.enqueue_indirect_dma source(%dma_start3A_992 : memref<128x32xf32, #tpu.memory_space<vmem>>) target(%dma_start3A_998 : memref<10000x32xf32, #tpu.memory_space<vmem_shared>>) offsets(%dma_start3A_995 : memref<128xi32, #tpu.memory_space<vmem>>) semaphore(%arg31 : memref<!tpu.dma_semaphore, #tpu.memory_space<semaphore_mem>>) {add = true}
      %dma_wait3A_999 = arith.constant 0 : i32
      %dma_wait3A_1000 = arith.constant 0 : i32
      %dma_wait3A_1001 = arith.constant 0 : i32
      %dma_wait3A_1002 = tpu.memref_slice %arg7[%dma_wait3A_999, %dma_wait3A_1000, %dma_wait3A_1001] : memref<13x128x32xf32, #tpu.memory_space<vmem>> -> memref<1x128x32xf32, #tpu.memory_space<vmem>>
      %dma_wait3A_1003 = tpu.memref_squeeze %dma_wait3A_1002 : memref<1x128x32xf32, #tpu.memory_space<vmem>> -> memref<128x32xf32, #tpu.memory_space<vmem>>
      %dma_wait3A_1004 = arith.constant 0 : i32
      %dma_wait3A_1005 = arith.constant 0 : i32
      %dma_wait3A_1006 = tpu.memref_slice %arg2[%dma_wait3A_1004, %dma_wait3A_1005] : memref<10240x32xf32, #tpu.memory_space<hbm>> -> memref<128x32xf32, #tpu.memory_space<hbm>>
      %dma_wait3A_1007 = arith.constant 0 : i32
      %dma_wait3A_1008 = arith.constant 0 : i32
      %dma_wait3A_1009 = tpu.memref_slice %arg7[%dma_wait3A_999, %dma_wait3A_1007, %dma_wait3A_1008] : memref<13x128x32xf32, #tpu.memory_space<vmem>> -> memref<1x128x32xf32, #tpu.memory_space<vmem>>
      %dma_wait3A_1010 = tpu.memref_squeeze %dma_wait3A_1009 : memref<1x128x32xf32, #tpu.memory_space<vmem>> -> memref<128x32xf32, #tpu.memory_space<vmem>>
      %dma_wait3A_1011 = arith.constant 0 : i32
      %dma_wait3A_1012 = arith.constant 0 : i32
      %dma_wait3A_1013 = tpu.memref_slice %arg2[%dma_wait3A_1011, %dma_wait3A_1012] : memref<10240x32xf32, #tpu.memory_space<hbm>> -> memref<128x32xf32, #tpu.memory_space<hbm>>
      tpu.wait_dma2 semaphore(%arg19 : memref<!tpu.dma_semaphore, #tpu.memory_space<semaphore_mem>>) src(%dma_wait3A_1013 : memref<128x32xf32, #tpu.memory_space<hbm>>) dst(%dma_wait3A_1010 : memref<128x32xf32, #tpu.memory_space<vmem>>)
      %mul3A_1014 = arith.constant 13 : i32
      %mul3A_1015 = arith.muli %scan3A_728, %mul3A_1014 : i32
      %add3A_1016 = arith.constant 9 : i32
      %add3A_1017 = arith.addi %mul3A_1015, %add3A_1016 : i32
      %dma_start3A_1018 = arith.constant 9 : i32
      %dma_start3A_1019 = arith.constant 0 : i32
      %dma_start3A_1020 = arith.constant 0 : i32
      %dma_start3A_1021 = tpu.memref_slice %arg7[%dma_start3A_1018, %dma_start3A_1019, %dma_start3A_1020] : memref<13x128x32xf32, #tpu.memory_space<vmem>> -> memref<1x128x32xf32, #tpu.memory_space<vmem>>
      %dma_start3A_1022 = tpu.memref_squeeze %dma_start3A_1021 : memref<1x128x32xf32, #tpu.memory_space<vmem>> -> memref<128x32xf32, #tpu.memory_space<vmem>>
      %dma_start3A_1023 = arith.constant 0 : i32
      %dma_start3A_1024 = tpu.memref_slice %arg6[%add3A_1017, %dma_start3A_1023] : memref<79x128xi32, #tpu.memory_space<vmem>> -> memref<1x128xi32, #tpu.memory_space<vmem>>
      %dma_start3A_1025 = tpu.memref_squeeze %dma_start3A_1024 : memref<1x128xi32, #tpu.memory_space<vmem>> -> memref<128xi32, #tpu.memory_space<vmem>>
      %dma_start3A_1026 = arith.constant 0 : i32
      %dma_start3A_1027 = arith.constant 0 : i32
      %dma_start3A_1028 = tpu.memref_slice %arg9[%dma_start3A_1026, %dma_start3A_1027] : memref<10000x32xf32, #tpu.memory_space<vmem_shared>> -> memref<10000x32xf32, #tpu.memory_space<vmem_shared>>
      tpu.enqueue_indirect_dma source(%dma_start3A_1022 : memref<128x32xf32, #tpu.memory_space<vmem>>) target(%dma_start3A_1028 : memref<10000x32xf32, #tpu.memory_space<vmem_shared>>) offsets(%dma_start3A_1025 : memref<128xi32, #tpu.memory_space<vmem>>) semaphore(%arg32 : memref<!tpu.dma_semaphore, #tpu.memory_space<semaphore_mem>>) {add = true}
      %dma_wait3A_1029 = arith.constant 0 : i32
      %dma_wait3A_1030 = arith.constant 0 : i32
      %dma_wait3A_1031 = arith.constant 0 : i32
      %dma_wait3A_1032 = tpu.memref_slice %arg7[%dma_wait3A_1029, %dma_wait3A_1030, %dma_wait3A_1031] : memref<13x128x32xf32, #tpu.memory_space<vmem>> -> memref<1x128x32xf32, #tpu.memory_space<vmem>>
      %dma_wait3A_1033 = tpu.memref_squeeze %dma_wait3A_1032 : memref<1x128x32xf32, #tpu.memory_space<vmem>> -> memref<128x32xf32, #tpu.memory_space<vmem>>
      %dma_wait3A_1034 = arith.constant 0 : i32
      %dma_wait3A_1035 = arith.constant 0 : i32
      %dma_wait3A_1036 = tpu.memref_slice %arg2[%dma_wait3A_1034, %dma_wait3A_1035] : memref<10240x32xf32, #tpu.memory_space<hbm>> -> memref<128x32xf32, #tpu.memory_space<hbm>>
      %dma_wait3A_1037 = arith.constant 0 : i32
      %dma_wait3A_1038 = arith.constant 0 : i32
      %dma_wait3A_1039 = tpu.memref_slice %arg7[%dma_wait3A_1029, %dma_wait3A_1037, %dma_wait3A_1038] : memref<13x128x32xf32, #tpu.memory_space<vmem>> -> memref<1x128x32xf32, #tpu.memory_space<vmem>>
      %dma_wait3A_1040 = tpu.memref_squeeze %dma_wait3A_1039 : memref<1x128x32xf32, #tpu.memory_space<vmem>> -> memref<128x32xf32, #tpu.memory_space<vmem>>
      %dma_wait3A_1041 = arith.constant 0 : i32
      %dma_wait3A_1042 = arith.constant 0 : i32
      %dma_wait3A_1043 = tpu.memref_slice %arg2[%dma_wait3A_1041, %dma_wait3A_1042] : memref<10240x32xf32, #tpu.memory_space<hbm>> -> memref<128x32xf32, #tpu.memory_space<hbm>>
      tpu.wait_dma2 semaphore(%arg20 : memref<!tpu.dma_semaphore, #tpu.memory_space<semaphore_mem>>) src(%dma_wait3A_1043 : memref<128x32xf32, #tpu.memory_space<hbm>>) dst(%dma_wait3A_1040 : memref<128x32xf32, #tpu.memory_space<vmem>>)
      %mul3A_1044 = arith.constant 13 : i32
      %mul3A_1045 = arith.muli %scan3A_728, %mul3A_1044 : i32
      %add3A_1046 = arith.constant 10 : i32
      %add3A_1047 = arith.addi %mul3A_1045, %add3A_1046 : i32
      %dma_start3A_1048 = arith.constant 10 : i32
      %dma_start3A_1049 = arith.constant 0 : i32
      %dma_start3A_1050 = arith.constant 0 : i32
      %dma_start3A_1051 = tpu.memref_slice %arg7[%dma_start3A_1048, %dma_start3A_1049, %dma_start3A_1050] : memref<13x128x32xf32, #tpu.memory_space<vmem>> -> memref<1x128x32xf32, #tpu.memory_space<vmem>>
      %dma_start3A_1052 = tpu.memref_squeeze %dma_start3A_1051 : memref<1x128x32xf32, #tpu.memory_space<vmem>> -> memref<128x32xf32, #tpu.memory_space<vmem>>
      %dma_start3A_1053 = arith.constant 0 : i32
      %dma_start3A_1054 = tpu.memref_slice %arg6[%add3A_1047, %dma_start3A_1053] : memref<79x128xi32, #tpu.memory_space<vmem>> -> memref<1x128xi32, #tpu.memory_space<vmem>>
      %dma_start3A_1055 = tpu.memref_squeeze %dma_start3A_1054 : memref<1x128xi32, #tpu.memory_space<vmem>> -> memref<128xi32, #tpu.memory_space<vmem>>
      %dma_start3A_1056 = arith.constant 0 : i32
      %dma_start3A_1057 = arith.constant 0 : i32
      %dma_start3A_1058 = tpu.memref_slice %arg9[%dma_start3A_1056, %dma_start3A_1057] : memref<10000x32xf32, #tpu.memory_space<vmem_shared>> -> memref<10000x32xf32, #tpu.memory_space<vmem_shared>>
      tpu.enqueue_indirect_dma source(%dma_start3A_1052 : memref<128x32xf32, #tpu.memory_space<vmem>>) target(%dma_start3A_1058 : memref<10000x32xf32, #tpu.memory_space<vmem_shared>>) offsets(%dma_start3A_1055 : memref<128xi32, #tpu.memory_space<vmem>>) semaphore(%arg33 : memref<!tpu.dma_semaphore, #tpu.memory_space<semaphore_mem>>) {add = true}
      %dma_wait3A_1059 = arith.constant 0 : i32
      %dma_wait3A_1060 = arith.constant 0 : i32
      %dma_wait3A_1061 = arith.constant 0 : i32
      %dma_wait3A_1062 = tpu.memref_slice %arg7[%dma_wait3A_1059, %dma_wait3A_1060, %dma_wait3A_1061] : memref<13x128x32xf32, #tpu.memory_space<vmem>> -> memref<1x128x32xf32, #tpu.memory_space<vmem>>
      %dma_wait3A_1063 = tpu.memref_squeeze %dma_wait3A_1062 : memref<1x128x32xf32, #tpu.memory_space<vmem>> -> memref<128x32xf32, #tpu.memory_space<vmem>>
      %dma_wait3A_1064 = arith.constant 0 : i32
      %dma_wait3A_1065 = arith.constant 0 : i32
      %dma_wait3A_1066 = tpu.memref_slice %arg2[%dma_wait3A_1064, %dma_wait3A_1065] : memref<10240x32xf32, #tpu.memory_space<hbm>> -> memref<128x32xf32, #tpu.memory_space<hbm>>
      %dma_wait3A_1067 = arith.constant 0 : i32
      %dma_wait3A_1068 = arith.constant 0 : i32
      %dma_wait3A_1069 = tpu.memref_slice %arg7[%dma_wait3A_1059, %dma_wait3A_1067, %dma_wait3A_1068] : memref<13x128x32xf32, #tpu.memory_space<vmem>> -> memref<1x128x32xf32, #tpu.memory_space<vmem>>
      %dma_wait3A_1070 = tpu.memref_squeeze %dma_wait3A_1069 : memref<1x128x32xf32, #tpu.memory_space<vmem>> -> memref<128x32xf32, #tpu.memory_space<vmem>>
      %dma_wait3A_1071 = arith.constant 0 : i32
      %dma_wait3A_1072 = arith.constant 0 : i32
      %dma_wait3A_1073 = tpu.memref_slice %arg2[%dma_wait3A_1071, %dma_wait3A_1072] : memref<10240x32xf32, #tpu.memory_space<hbm>> -> memref<128x32xf32, #tpu.memory_space<hbm>>
      tpu.wait_dma2 semaphore(%arg21 : memref<!tpu.dma_semaphore, #tpu.memory_space<semaphore_mem>>) src(%dma_wait3A_1073 : memref<128x32xf32, #tpu.memory_space<hbm>>) dst(%dma_wait3A_1070 : memref<128x32xf32, #tpu.memory_space<vmem>>)
      %mul3A_1074 = arith.constant 13 : i32
      %mul3A_1075 = arith.muli %scan3A_728, %mul3A_1074 : i32
      %add3A_1076 = arith.constant 11 : i32
      %add3A_1077 = arith.addi %mul3A_1075, %add3A_1076 : i32
      %dma_start3A_1078 = arith.constant 11 : i32
      %dma_start3A_1079 = arith.constant 0 : i32
      %dma_start3A_1080 = arith.constant 0 : i32
      %dma_start3A_1081 = tpu.memref_slice %arg7[%dma_start3A_1078, %dma_start3A_1079, %dma_start3A_1080] : memref<13x128x32xf32, #tpu.memory_space<vmem>> -> memref<1x128x32xf32, #tpu.memory_space<vmem>>
      %dma_start3A_1082 = tpu.memref_squeeze %dma_start3A_1081 : memref<1x128x32xf32, #tpu.memory_space<vmem>> -> memref<128x32xf32, #tpu.memory_space<vmem>>
      %dma_start3A_1083 = arith.constant 0 : i32
      %dma_start3A_1084 = tpu.memref_slice %arg6[%add3A_1077, %dma_start3A_1083] : memref<79x128xi32, #tpu.memory_space<vmem>> -> memref<1x128xi32, #tpu.memory_space<vmem>>
      %dma_start3A_1085 = tpu.memref_squeeze %dma_start3A_1084 : memref<1x128xi32, #tpu.memory_space<vmem>> -> memref<128xi32, #tpu.memory_space<vmem>>
      %dma_start3A_1086 = arith.constant 0 : i32
      %dma_start3A_1087 = arith.constant 0 : i32
      %dma_start3A_1088 = tpu.memref_slice %arg9[%dma_start3A_1086, %dma_start3A_1087] : memref<10000x32xf32, #tpu.memory_space<vmem_shared>> -> memref<10000x32xf32, #tpu.memory_space<vmem_shared>>
      tpu.enqueue_indirect_dma source(%dma_start3A_1082 : memref<128x32xf32, #tpu.memory_space<vmem>>) target(%dma_start3A_1088 : memref<10000x32xf32, #tpu.memory_space<vmem_shared>>) offsets(%dma_start3A_1085 : memref<128xi32, #tpu.memory_space<vmem>>) semaphore(%arg34 : memref<!tpu.dma_semaphore, #tpu.memory_space<semaphore_mem>>) {add = true}
      %dma_wait3A_1089 = arith.constant 0 : i32
      %dma_wait3A_1090 = arith.constant 0 : i32
      %dma_wait3A_1091 = arith.constant 0 : i32
      %dma_wait3A_1092 = tpu.memref_slice %arg7[%dma_wait3A_1089, %dma_wait3A_1090, %dma_wait3A_1091] : memref<13x128x32xf32, #tpu.memory_space<vmem>> -> memref<1x128x32xf32, #tpu.memory_space<vmem>>
      %dma_wait3A_1093 = tpu.memref_squeeze %dma_wait3A_1092 : memref<1x128x32xf32, #tpu.memory_space<vmem>> -> memref<128x32xf32, #tpu.memory_space<vmem>>
      %dma_wait3A_1094 = arith.constant 0 : i32
      %dma_wait3A_1095 = arith.constant 0 : i32
      %dma_wait3A_1096 = tpu.memref_slice %arg2[%dma_wait3A_1094, %dma_wait3A_1095] : memref<10240x32xf32, #tpu.memory_space<hbm>> -> memref<128x32xf32, #tpu.memory_space<hbm>>
      %dma_wait3A_1097 = arith.constant 0 : i32
      %dma_wait3A_1098 = arith.constant 0 : i32
      %dma_wait3A_1099 = tpu.memref_slice %arg7[%dma_wait3A_1089, %dma_wait3A_1097, %dma_wait3A_1098] : memref<13x128x32xf32, #tpu.memory_space<vmem>> -> memref<1x128x32xf32, #tpu.memory_space<vmem>>
      %dma_wait3A_1100 = tpu.memref_squeeze %dma_wait3A_1099 : memref<1x128x32xf32, #tpu.memory_space<vmem>> -> memref<128x32xf32, #tpu.memory_space<vmem>>
      %dma_wait3A_1101 = arith.constant 0 : i32
      %dma_wait3A_1102 = arith.constant 0 : i32
      %dma_wait3A_1103 = tpu.memref_slice %arg2[%dma_wait3A_1101, %dma_wait3A_1102] : memref<10240x32xf32, #tpu.memory_space<hbm>> -> memref<128x32xf32, #tpu.memory_space<hbm>>
      tpu.wait_dma2 semaphore(%arg22 : memref<!tpu.dma_semaphore, #tpu.memory_space<semaphore_mem>>) src(%dma_wait3A_1103 : memref<128x32xf32, #tpu.memory_space<hbm>>) dst(%dma_wait3A_1100 : memref<128x32xf32, #tpu.memory_space<vmem>>)
      %mul3A_1104 = arith.constant 13 : i32
      %mul3A_1105 = arith.muli %scan3A_728, %mul3A_1104 : i32
      %add3A_1106 = arith.constant 12 : i32
      %add3A_1107 = arith.addi %mul3A_1105, %add3A_1106 : i32
      %dma_start3A_1108 = arith.constant 12 : i32
      %dma_start3A_1109 = arith.constant 0 : i32
      %dma_start3A_1110 = arith.constant 0 : i32
      %dma_start3A_1111 = tpu.memref_slice %arg7[%dma_start3A_1108, %dma_start3A_1109, %dma_start3A_1110] : memref<13x128x32xf32, #tpu.memory_space<vmem>> -> memref<1x128x32xf32, #tpu.memory_space<vmem>>
      %dma_start3A_1112 = tpu.memref_squeeze %dma_start3A_1111 : memref<1x128x32xf32, #tpu.memory_space<vmem>> -> memref<128x32xf32, #tpu.memory_space<vmem>>
      %dma_start3A_1113 = arith.constant 0 : i32
      %dma_start3A_1114 = tpu.memref_slice %arg6[%add3A_1107, %dma_start3A_1113] : memref<79x128xi32, #tpu.memory_space<vmem>> -> memref<1x128xi32, #tpu.memory_space<vmem>>
      %dma_start3A_1115 = tpu.memref_squeeze %dma_start3A_1114 : memref<1x128xi32, #tpu.memory_space<vmem>> -> memref<128xi32, #tpu.memory_space<vmem>>
      %dma_start3A_1116 = arith.constant 0 : i32
      %dma_start3A_1117 = arith.constant 0 : i32
      %dma_start3A_1118 = tpu.memref_slice %arg9[%dma_start3A_1116, %dma_start3A_1117] : memref<10000x32xf32, #tpu.memory_space<vmem_shared>> -> memref<10000x32xf32, #tpu.memory_space<vmem_shared>>
      tpu.enqueue_indirect_dma source(%dma_start3A_1112 : memref<128x32xf32, #tpu.memory_space<vmem>>) target(%dma_start3A_1118 : memref<10000x32xf32, #tpu.memory_space<vmem_shared>>) offsets(%dma_start3A_1115 : memref<128xi32, #tpu.memory_space<vmem>>) semaphore(%arg35 : memref<!tpu.dma_semaphore, #tpu.memory_space<semaphore_mem>>) {add = true}
      %dma_wait3A_1119 = arith.constant 0 : i32
      %dma_wait3A_1120 = arith.constant 0 : i32
      %dma_wait3A_1121 = arith.constant 0 : i32
      %dma_wait3A_1122 = tpu.memref_slice %arg7[%dma_wait3A_1119, %dma_wait3A_1120, %dma_wait3A_1121] : memref<13x128x32xf32, #tpu.memory_space<vmem>> -> memref<1x128x32xf32, #tpu.memory_space<vmem>>
      %dma_wait3A_1123 = tpu.memref_squeeze %dma_wait3A_1122 : memref<1x128x32xf32, #tpu.memory_space<vmem>> -> memref<128x32xf32, #tpu.memory_space<vmem>>
      %dma_wait3A_1124 = arith.constant 0 : i32
      %dma_wait3A_1125 = arith.constant 0 : i32
      %dma_wait3A_1126 = tpu.memref_slice %arg2[%dma_wait3A_1124, %dma_wait3A_1125] : memref<10240x32xf32, #tpu.memory_space<hbm>> -> memref<128x32xf32, #tpu.memory_space<hbm>>
      %dma_wait3A_1127 = arith.constant 0 : i32
      %dma_wait3A_1128 = arith.constant 0 : i32
      %dma_wait3A_1129 = tpu.memref_slice %arg7[%dma_wait3A_1119, %dma_wait3A_1127, %dma_wait3A_1128] : memref<13x128x32xf32, #tpu.memory_space<vmem>> -> memref<1x128x32xf32, #tpu.memory_space<vmem>>
      %dma_wait3A_1130 = tpu.memref_squeeze %dma_wait3A_1129 : memref<1x128x32xf32, #tpu.memory_space<vmem>> -> memref<128x32xf32, #tpu.memory_space<vmem>>
      %dma_wait3A_1131 = arith.constant 0 : i32
      %dma_wait3A_1132 = arith.constant 0 : i32
      %dma_wait3A_1133 = tpu.memref_slice %arg2[%dma_wait3A_1131, %dma_wait3A_1132] : memref<10240x32xf32, #tpu.memory_space<hbm>> -> memref<128x32xf32, #tpu.memory_space<hbm>>
      tpu.wait_dma2 semaphore(%arg23 : memref<!tpu.dma_semaphore, #tpu.memory_space<semaphore_mem>>) src(%dma_wait3A_1133 : memref<128x32xf32, #tpu.memory_space<hbm>>) dst(%dma_wait3A_1130 : memref<128x32xf32, #tpu.memory_space<vmem>>)
      %add3A_1134 = arith.constant 1 : i32
      %add3A_1135 = arith.addi %scan3A_728, %add3A_1134 : i32
      %mul3A_1136 = arith.constant 13 : i32
      %mul3A_1137 = arith.muli %add3A_1135, %mul3A_1136 : i32
      %add3A_1138 = arith.constant 0 : i32
      %add3A_1139 = arith.addi %mul3A_1137, %add3A_1138 : i32
      %dma_start3A_1140 = arith.constant 0 : i32
      %dma_start3A_1141 = arith.constant 0 : i32
      %dma_start3A_1142 = arith.constant 0 : i32
      %dma_start3A_1143 = tpu.memref_slice %arg7[%dma_start3A_1140, %dma_start3A_1141, %dma_start3A_1142] : memref<13x128x32xf32, #tpu.memory_space<vmem>> -> memref<1x128x32xf32, #tpu.memory_space<vmem>>
      %dma_start3A_1144 = tpu.memref_squeeze %dma_start3A_1143 : memref<1x128x32xf32, #tpu.memory_space<vmem>> -> memref<128x32xf32, #tpu.memory_space<vmem>>
      %dma_start3A_1145 = arith.constant 0 : i32
      %dma_start3A_1146 = tpu.memref_slice %arg5[%add3A_1139, %dma_start3A_1145] : memref<79x128xi32, #tpu.memory_space<vmem>> -> memref<1x128xi32, #tpu.memory_space<vmem>>
      %dma_start3A_1147 = tpu.memref_squeeze %dma_start3A_1146 : memref<1x128xi32, #tpu.memory_space<vmem>> -> memref<128xi32, #tpu.memory_space<vmem>>
      %dma_start3A_1148 = arith.constant 0 : i32
      %dma_start3A_1149 = arith.constant 0 : i32
      %dma_start3A_1150 = tpu.memref_slice %arg2[%dma_start3A_1148, %dma_start3A_1149] : memref<10240x32xf32, #tpu.memory_space<hbm>> -> memref<10240x32xf32, #tpu.memory_space<hbm>>
      tpu.enqueue_indirect_dma source(%dma_start3A_1150 : memref<10240x32xf32, #tpu.memory_space<hbm>>) target(%dma_start3A_1144 : memref<128x32xf32, #tpu.memory_space<vmem>>) offsets(%dma_start3A_1147 : memref<128xi32, #tpu.memory_space<vmem>>) semaphore(%arg10 : memref<!tpu.dma_semaphore, #tpu.memory_space<semaphore_mem>>)
      %dma_wait3A_1151 = arith.constant 0 : i32
      %dma_wait3A_1152 = arith.constant 0 : i32
      %dma_wait3A_1153 = arith.constant 0 : i32
      %dma_wait3A_1154 = tpu.memref_slice %arg7[%dma_wait3A_1151, %dma_wait3A_1152, %dma_wait3A_1153] : memref<13x128x32xf32, #tpu.memory_space<vmem>> -> memref<1x128x32xf32, #tpu.memory_space<vmem>>
      %dma_wait3A_1155 = tpu.memref_squeeze %dma_wait3A_1154 : memref<1x128x32xf32, #tpu.memory_space<vmem>> -> memref<128x32xf32, #tpu.memory_space<vmem>>
      %dma_wait3A_1156 = arith.constant 0 : i32
      %dma_wait3A_1157 = arith.constant 0 : i32
      %dma_wait3A_1158 = tpu.memref_slice %arg2[%dma_wait3A_1156, %dma_wait3A_1157] : memref<10240x32xf32, #tpu.memory_space<hbm>> -> memref<128x32xf32, #tpu.memory_space<hbm>>
      %dma_wait3A_1159 = arith.constant 0 : i32
      %dma_wait3A_1160 = arith.constant 0 : i32
      %dma_wait3A_1161 = tpu.memref_slice %arg7[%dma_wait3A_1151, %dma_wait3A_1159, %dma_wait3A_1160] : memref<13x128x32xf32, #tpu.memory_space<vmem>> -> memref<1x128x32xf32, #tpu.memory_space<vmem>>
      %dma_wait3A_1162 = tpu.memref_squeeze %dma_wait3A_1161 : memref<1x128x32xf32, #tpu.memory_space<vmem>> -> memref<128x32xf32, #tpu.memory_space<vmem>>
      %dma_wait3A_1163 = arith.constant 0 : i32
      %dma_wait3A_1164 = arith.constant 0 : i32
      %dma_wait3A_1165 = tpu.memref_slice %arg2[%dma_wait3A_1163, %dma_wait3A_1164] : memref<10240x32xf32, #tpu.memory_space<hbm>> -> memref<128x32xf32, #tpu.memory_space<hbm>>
      tpu.wait_dma2 semaphore(%arg24 : memref<!tpu.dma_semaphore, #tpu.memory_space<semaphore_mem>>) src(%dma_wait3A_1165 : memref<128x32xf32, #tpu.memory_space<hbm>>) dst(%dma_wait3A_1162 : memref<128x32xf32, #tpu.memory_space<vmem>>)
      %add3A_1166 = arith.constant 1 : i32
      %add3A_1167 = arith.addi %scan3A_728, %add3A_1166 : i32
      %mul3A_1168 = arith.constant 13 : i32
      %mul3A_1169 = arith.muli %add3A_1167, %mul3A_1168 : i32
      %add3A_1170 = arith.constant 1 : i32
      %add3A_1171 = arith.addi %mul3A_1169, %add3A_1170 : i32
      %dma_start3A_1172 = arith.constant 1 : i32
      %dma_start3A_1173 = arith.constant 0 : i32
      %dma_start3A_1174 = arith.constant 0 : i32
      %dma_start3A_1175 = tpu.memref_slice %arg7[%dma_start3A_1172, %dma_start3A_1173, %dma_start3A_1174] : memref<13x128x32xf32, #tpu.memory_space<vmem>> -> memref<1x128x32xf32, #tpu.memory_space<vmem>>
      %dma_start3A_1176 = tpu.memref_squeeze %dma_start3A_1175 : memref<1x128x32xf32, #tpu.memory_space<vmem>> -> memref<128x32xf32, #tpu.memory_space<vmem>>
      %dma_start3A_1177 = arith.constant 0 : i32
      %dma_start3A_1178 = tpu.memref_slice %arg5[%add3A_1171, %dma_start3A_1177] : memref<79x128xi32, #tpu.memory_space<vmem>> -> memref<1x128xi32, #tpu.memory_space<vmem>>
      %dma_start3A_1179 = tpu.memref_squeeze %dma_start3A_1178 : memref<1x128xi32, #tpu.memory_space<vmem>> -> memref<128xi32, #tpu.memory_space<vmem>>
      %dma_start3A_1180 = arith.constant 0 : i32
      %dma_start3A_1181 = arith.constant 0 : i32
      %dma_start3A_1182 = tpu.memref_slice %arg2[%dma_start3A_1180, %dma_start3A_1181] : memref<10240x32xf32, #tpu.memory_space<hbm>> -> memref<10240x32xf32, #tpu.memory_space<hbm>>
      tpu.enqueue_indirect_dma source(%dma_start3A_1182 : memref<10240x32xf32, #tpu.memory_space<hbm>>) target(%dma_start3A_1176 : memref<128x32xf32, #tpu.memory_space<vmem>>) offsets(%dma_start3A_1179 : memref<128xi32, #tpu.memory_space<vmem>>) semaphore(%arg11 : memref<!tpu.dma_semaphore, #tpu.memory_space<semaphore_mem>>)
      %dma_wait3A_1183 = arith.constant 0 : i32
      %dma_wait3A_1184 = arith.constant 0 : i32
      %dma_wait3A_1185 = arith.constant 0 : i32
      %dma_wait3A_1186 = tpu.memref_slice %arg7[%dma_wait3A_1183, %dma_wait3A_1184, %dma_wait3A_1185] : memref<13x128x32xf32, #tpu.memory_space<vmem>> -> memref<1x128x32xf32, #tpu.memory_space<vmem>>
      %dma_wait3A_1187 = tpu.memref_squeeze %dma_wait3A_1186 : memref<1x128x32xf32, #tpu.memory_space<vmem>> -> memref<128x32xf32, #tpu.memory_space<vmem>>
      %dma_wait3A_1188 = arith.constant 0 : i32
      %dma_wait3A_1189 = arith.constant 0 : i32
      %dma_wait3A_1190 = tpu.memref_slice %arg2[%dma_wait3A_1188, %dma_wait3A_1189] : memref<10240x32xf32, #tpu.memory_space<hbm>> -> memref<128x32xf32, #tpu.memory_space<hbm>>
      %dma_wait3A_1191 = arith.constant 0 : i32
      %dma_wait3A_1192 = arith.constant 0 : i32
      %dma_wait3A_1193 = tpu.memref_slice %arg7[%dma_wait3A_1183, %dma_wait3A_1191, %dma_wait3A_1192] : memref<13x128x32xf32, #tpu.memory_space<vmem>> -> memref<1x128x32xf32, #tpu.memory_space<vmem>>
      %dma_wait3A_1194 = tpu.memref_squeeze %dma_wait3A_1193 : memref<1x128x32xf32, #tpu.memory_space<vmem>> -> memref<128x32xf32, #tpu.memory_space<vmem>>
      %dma_wait3A_1195 = arith.constant 0 : i32
      %dma_wait3A_1196 = arith.constant 0 : i32
      %dma_wait3A_1197 = tpu.memref_slice %arg2[%dma_wait3A_1195, %dma_wait3A_1196] : memref<10240x32xf32, #tpu.memory_space<hbm>> -> memref<128x32xf32, #tpu.memory_space<hbm>>
      tpu.wait_dma2 semaphore(%arg25 : memref<!tpu.dma_semaphore, #tpu.memory_space<semaphore_mem>>) src(%dma_wait3A_1197 : memref<128x32xf32, #tpu.memory_space<hbm>>) dst(%dma_wait3A_1194 : memref<128x32xf32, #tpu.memory_space<vmem>>)
      %add3A_1198 = arith.constant 1 : i32
      %add3A_1199 = arith.addi %scan3A_728, %add3A_1198 : i32
      %mul3A_1200 = arith.constant 13 : i32
      %mul3A_1201 = arith.muli %add3A_1199, %mul3A_1200 : i32
      %add3A_1202 = arith.constant 2 : i32
      %add3A_1203 = arith.addi %mul3A_1201, %add3A_1202 : i32
      %dma_start3A_1204 = arith.constant 2 : i32
      %dma_start3A_1205 = arith.constant 0 : i32
      %dma_start3A_1206 = arith.constant 0 : i32
      %dma_start3A_1207 = tpu.memref_slice %arg7[%dma_start3A_1204, %dma_start3A_1205, %dma_start3A_1206] : memref<13x128x32xf32, #tpu.memory_space<vmem>> -> memref<1x128x32xf32, #tpu.memory_space<vmem>>
      %dma_start3A_1208 = tpu.memref_squeeze %dma_start3A_1207 : memref<1x128x32xf32, #tpu.memory_space<vmem>> -> memref<128x32xf32, #tpu.memory_space<vmem>>
      %dma_start3A_1209 = arith.constant 0 : i32
      %dma_start3A_1210 = tpu.memref_slice %arg5[%add3A_1203, %dma_start3A_1209] : memref<79x128xi32, #tpu.memory_space<vmem>> -> memref<1x128xi32, #tpu.memory_space<vmem>>
      %dma_start3A_1211 = tpu.memref_squeeze %dma_start3A_1210 : memref<1x128xi32, #tpu.memory_space<vmem>> -> memref<128xi32, #tpu.memory_space<vmem>>
      %dma_start3A_1212 = arith.constant 0 : i32
      %dma_start3A_1213 = arith.constant 0 : i32
      %dma_start3A_1214 = tpu.memref_slice %arg2[%dma_start3A_1212, %dma_start3A_1213] : memref<10240x32xf32, #tpu.memory_space<hbm>> -> memref<10240x32xf32, #tpu.memory_space<hbm>>
      tpu.enqueue_indirect_dma source(%dma_start3A_1214 : memref<10240x32xf32, #tpu.memory_space<hbm>>) target(%dma_start3A_1208 : memref<128x32xf32, #tpu.memory_space<vmem>>) offsets(%dma_start3A_1211 : memref<128xi32, #tpu.memory_space<vmem>>) semaphore(%arg12 : memref<!tpu.dma_semaphore, #tpu.memory_space<semaphore_mem>>)
      %dma_wait3A_1215 = arith.constant 0 : i32
      %dma_wait3A_1216 = arith.constant 0 : i32
      %dma_wait3A_1217 = arith.constant 0 : i32
      %dma_wait3A_1218 = tpu.memref_slice %arg7[%dma_wait3A_1215, %dma_wait3A_1216, %dma_wait3A_1217] : memref<13x128x32xf32, #tpu.memory_space<vmem>> -> memref<1x128x32xf32, #tpu.memory_space<vmem>>
      %dma_wait3A_1219 = tpu.memref_squeeze %dma_wait3A_1218 : memref<1x128x32xf32, #tpu.memory_space<vmem>> -> memref<128x32xf32, #tpu.memory_space<vmem>>
      %dma_wait3A_1220 = arith.constant 0 : i32
      %dma_wait3A_1221 = arith.constant 0 : i32
      %dma_wait3A_1222 = tpu.memref_slice %arg2[%dma_wait3A_1220, %dma_wait3A_1221] : memref<10240x32xf32, #tpu.memory_space<hbm>> -> memref<128x32xf32, #tpu.memory_space<hbm>>
      %dma_wait3A_1223 = arith.constant 0 : i32
      %dma_wait3A_1224 = arith.constant 0 : i32
      %dma_wait3A_1225 = tpu.memref_slice %arg7[%dma_wait3A_1215, %dma_wait3A_1223, %dma_wait3A_1224] : memref<13x128x32xf32, #tpu.memory_space<vmem>> -> memref<1x128x32xf32, #tpu.memory_space<vmem>>
      %dma_wait3A_1226 = tpu.memref_squeeze %dma_wait3A_1225 : memref<1x128x32xf32, #tpu.memory_space<vmem>> -> memref<128x32xf32, #tpu.memory_space<vmem>>
      %dma_wait3A_1227 = arith.constant 0 : i32
      %dma_wait3A_1228 = arith.constant 0 : i32
      %dma_wait3A_1229 = tpu.memref_slice %arg2[%dma_wait3A_1227, %dma_wait3A_1228] : memref<10240x32xf32, #tpu.memory_space<hbm>> -> memref<128x32xf32, #tpu.memory_space<hbm>>
      tpu.wait_dma2 semaphore(%arg26 : memref<!tpu.dma_semaphore, #tpu.memory_space<semaphore_mem>>) src(%dma_wait3A_1229 : memref<128x32xf32, #tpu.memory_space<hbm>>) dst(%dma_wait3A_1226 : memref<128x32xf32, #tpu.memory_space<vmem>>)
      %add3A_1230 = arith.constant 1 : i32
      %add3A_1231 = arith.addi %scan3A_728, %add3A_1230 : i32
      %mul3A_1232 = arith.constant 13 : i32
      %mul3A_1233 = arith.muli %add3A_1231, %mul3A_1232 : i32
      %add3A_1234 = arith.constant 3 : i32
      %add3A_1235 = arith.addi %mul3A_1233, %add3A_1234 : i32
      %dma_start3A_1236 = arith.constant 3 : i32
      %dma_start3A_1237 = arith.constant 0 : i32
      %dma_start3A_1238 = arith.constant 0 : i32
      %dma_start3A_1239 = tpu.memref_slice %arg7[%dma_start3A_1236, %dma_start3A_1237, %dma_start3A_1238] : memref<13x128x32xf32, #tpu.memory_space<vmem>> -> memref<1x128x32xf32, #tpu.memory_space<vmem>>
      %dma_start3A_1240 = tpu.memref_squeeze %dma_start3A_1239 : memref<1x128x32xf32, #tpu.memory_space<vmem>> -> memref<128x32xf32, #tpu.memory_space<vmem>>
      %dma_start3A_1241 = arith.constant 0 : i32
      %dma_start3A_1242 = tpu.memref_slice %arg5[%add3A_1235, %dma_start3A_1241] : memref<79x128xi32, #tpu.memory_space<vmem>> -> memref<1x128xi32, #tpu.memory_space<vmem>>
      %dma_start3A_1243 = tpu.memref_squeeze %dma_start3A_1242 : memref<1x128xi32, #tpu.memory_space<vmem>> -> memref<128xi32, #tpu.memory_space<vmem>>
      %dma_start3A_1244 = arith.constant 0 : i32
      %dma_start3A_1245 = arith.constant 0 : i32
      %dma_start3A_1246 = tpu.memref_slice %arg2[%dma_start3A_1244, %dma_start3A_1245] : memref<10240x32xf32, #tpu.memory_space<hbm>> -> memref<10240x32xf32, #tpu.memory_space<hbm>>
      tpu.enqueue_indirect_dma source(%dma_start3A_1246 : memref<10240x32xf32, #tpu.memory_space<hbm>>) target(%dma_start3A_1240 : memref<128x32xf32, #tpu.memory_space<vmem>>) offsets(%dma_start3A_1243 : memref<128xi32, #tpu.memory_space<vmem>>) semaphore(%arg13 : memref<!tpu.dma_semaphore, #tpu.memory_space<semaphore_mem>>)
      %dma_wait3A_1247 = arith.constant 0 : i32
      %dma_wait3A_1248 = arith.constant 0 : i32
      %dma_wait3A_1249 = arith.constant 0 : i32
      %dma_wait3A_1250 = tpu.memref_slice %arg7[%dma_wait3A_1247, %dma_wait3A_1248, %dma_wait3A_1249] : memref<13x128x32xf32, #tpu.memory_space<vmem>> -> memref<1x128x32xf32, #tpu.memory_space<vmem>>
      %dma_wait3A_1251 = tpu.memref_squeeze %dma_wait3A_1250 : memref<1x128x32xf32, #tpu.memory_space<vmem>> -> memref<128x32xf32, #tpu.memory_space<vmem>>
      %dma_wait3A_1252 = arith.constant 0 : i32
      %dma_wait3A_1253 = arith.constant 0 : i32
      %dma_wait3A_1254 = tpu.memref_slice %arg2[%dma_wait3A_1252, %dma_wait3A_1253] : memref<10240x32xf32, #tpu.memory_space<hbm>> -> memref<128x32xf32, #tpu.memory_space<hbm>>
      %dma_wait3A_1255 = arith.constant 0 : i32
      %dma_wait3A_1256 = arith.constant 0 : i32
      %dma_wait3A_1257 = tpu.memref_slice %arg7[%dma_wait3A_1247, %dma_wait3A_1255, %dma_wait3A_1256] : memref<13x128x32xf32, #tpu.memory_space<vmem>> -> memref<1x128x32xf32, #tpu.memory_space<vmem>>
      %dma_wait3A_1258 = tpu.memref_squeeze %dma_wait3A_1257 : memref<1x128x32xf32, #tpu.memory_space<vmem>> -> memref<128x32xf32, #tpu.memory_space<vmem>>
      %dma_wait3A_1259 = arith.constant 0 : i32
      %dma_wait3A_1260 = arith.constant 0 : i32
      %dma_wait3A_1261 = tpu.memref_slice %arg2[%dma_wait3A_1259, %dma_wait3A_1260] : memref<10240x32xf32, #tpu.memory_space<hbm>> -> memref<128x32xf32, #tpu.memory_space<hbm>>
      tpu.wait_dma2 semaphore(%arg27 : memref<!tpu.dma_semaphore, #tpu.memory_space<semaphore_mem>>) src(%dma_wait3A_1261 : memref<128x32xf32, #tpu.memory_space<hbm>>) dst(%dma_wait3A_1258 : memref<128x32xf32, #tpu.memory_space<vmem>>)
      %add3A_1262 = arith.constant 1 : i32
      %add3A_1263 = arith.addi %scan3A_728, %add3A_1262 : i32
      %mul3A_1264 = arith.constant 13 : i32
      %mul3A_1265 = arith.muli %add3A_1263, %mul3A_1264 : i32
      %add3A_1266 = arith.constant 4 : i32
      %add3A_1267 = arith.addi %mul3A_1265, %add3A_1266 : i32
      %dma_start3A_1268 = arith.constant 4 : i32
      %dma_start3A_1269 = arith.constant 0 : i32
      %dma_start3A_1270 = arith.constant 0 : i32
      %dma_start3A_1271 = tpu.memref_slice %arg7[%dma_start3A_1268, %dma_start3A_1269, %dma_start3A_1270] : memref<13x128x32xf32, #tpu.memory_space<vmem>> -> memref<1x128x32xf32, #tpu.memory_space<vmem>>
      %dma_start3A_1272 = tpu.memref_squeeze %dma_start3A_1271 : memref<1x128x32xf32, #tpu.memory_space<vmem>> -> memref<128x32xf32, #tpu.memory_space<vmem>>
      %dma_start3A_1273 = arith.constant 0 : i32
      %dma_start3A_1274 = tpu.memref_slice %arg5[%add3A_1267, %dma_start3A_1273] : memref<79x128xi32, #tpu.memory_space<vmem>> -> memref<1x128xi32, #tpu.memory_space<vmem>>
      %dma_start3A_1275 = tpu.memref_squeeze %dma_start3A_1274 : memref<1x128xi32, #tpu.memory_space<vmem>> -> memref<128xi32, #tpu.memory_space<vmem>>
      %dma_start3A_1276 = arith.constant 0 : i32
      %dma_start3A_1277 = arith.constant 0 : i32
      %dma_start3A_1278 = tpu.memref_slice %arg2[%dma_start3A_1276, %dma_start3A_1277] : memref<10240x32xf32, #tpu.memory_space<hbm>> -> memref<10240x32xf32, #tpu.memory_space<hbm>>
      tpu.enqueue_indirect_dma source(%dma_start3A_1278 : memref<10240x32xf32, #tpu.memory_space<hbm>>) target(%dma_start3A_1272 : memref<128x32xf32, #tpu.memory_space<vmem>>) offsets(%dma_start3A_1275 : memref<128xi32, #tpu.memory_space<vmem>>) semaphore(%arg14 : memref<!tpu.dma_semaphore, #tpu.memory_space<semaphore_mem>>)
      %dma_wait3A_1279 = arith.constant 0 : i32
      %dma_wait3A_1280 = arith.constant 0 : i32
      %dma_wait3A_1281 = arith.constant 0 : i32
      %dma_wait3A_1282 = tpu.memref_slice %arg7[%dma_wait3A_1279, %dma_wait3A_1280, %dma_wait3A_1281] : memref<13x128x32xf32, #tpu.memory_space<vmem>> -> memref<1x128x32xf32, #tpu.memory_space<vmem>>
      %dma_wait3A_1283 = tpu.memref_squeeze %dma_wait3A_1282 : memref<1x128x32xf32, #tpu.memory_space<vmem>> -> memref<128x32xf32, #tpu.memory_space<vmem>>
      %dma_wait3A_1284 = arith.constant 0 : i32
      %dma_wait3A_1285 = arith.constant 0 : i32
      %dma_wait3A_1286 = tpu.memref_slice %arg2[%dma_wait3A_1284, %dma_wait3A_1285] : memref<10240x32xf32, #tpu.memory_space<hbm>> -> memref<128x32xf32, #tpu.memory_space<hbm>>
      %dma_wait3A_1287 = arith.constant 0 : i32
      %dma_wait3A_1288 = arith.constant 0 : i32
      %dma_wait3A_1289 = tpu.memref_slice %arg7[%dma_wait3A_1279, %dma_wait3A_1287, %dma_wait3A_1288] : memref<13x128x32xf32, #tpu.memory_space<vmem>> -> memref<1x128x32xf32, #tpu.memory_space<vmem>>
      %dma_wait3A_1290 = tpu.memref_squeeze %dma_wait3A_1289 : memref<1x128x32xf32, #tpu.memory_space<vmem>> -> memref<128x32xf32, #tpu.memory_space<vmem>>
      %dma_wait3A_1291 = arith.constant 0 : i32
      %dma_wait3A_1292 = arith.constant 0 : i32
      %dma_wait3A_1293 = tpu.memref_slice %arg2[%dma_wait3A_1291, %dma_wait3A_1292] : memref<10240x32xf32, #tpu.memory_space<hbm>> -> memref<128x32xf32, #tpu.memory_space<hbm>>
      tpu.wait_dma2 semaphore(%arg28 : memref<!tpu.dma_semaphore, #tpu.memory_space<semaphore_mem>>) src(%dma_wait3A_1293 : memref<128x32xf32, #tpu.memory_space<hbm>>) dst(%dma_wait3A_1290 : memref<128x32xf32, #tpu.memory_space<vmem>>)
      %add3A_1294 = arith.constant 1 : i32
      %add3A_1295 = arith.addi %scan3A_728, %add3A_1294 : i32
      %mul3A_1296 = arith.constant 13 : i32
      %mul3A_1297 = arith.muli %add3A_1295, %mul3A_1296 : i32
      %add3A_1298 = arith.constant 5 : i32
      %add3A_1299 = arith.addi %mul3A_1297, %add3A_1298 : i32
      %dma_start3A_1300 = arith.constant 5 : i32
      %dma_start3A_1301 = arith.constant 0 : i32
      %dma_start3A_1302 = arith.constant 0 : i32
      %dma_start3A_1303 = tpu.memref_slice %arg7[%dma_start3A_1300, %dma_start3A_1301, %dma_start3A_1302] : memref<13x128x32xf32, #tpu.memory_space<vmem>> -> memref<1x128x32xf32, #tpu.memory_space<vmem>>
      %dma_start3A_1304 = tpu.memref_squeeze %dma_start3A_1303 : memref<1x128x32xf32, #tpu.memory_space<vmem>> -> memref<128x32xf32, #tpu.memory_space<vmem>>
      %dma_start3A_1305 = arith.constant 0 : i32
      %dma_start3A_1306 = tpu.memref_slice %arg5[%add3A_1299, %dma_start3A_1305] : memref<79x128xi32, #tpu.memory_space<vmem>> -> memref<1x128xi32, #tpu.memory_space<vmem>>
      %dma_start3A_1307 = tpu.memref_squeeze %dma_start3A_1306 : memref<1x128xi32, #tpu.memory_space<vmem>> -> memref<128xi32, #tpu.memory_space<vmem>>
      %dma_start3A_1308 = arith.constant 0 : i32
      %dma_start3A_1309 = arith.constant 0 : i32
      %dma_start3A_1310 = tpu.memref_slice %arg2[%dma_start3A_1308, %dma_start3A_1309] : memref<10240x32xf32, #tpu.memory_space<hbm>> -> memref<10240x32xf32, #tpu.memory_space<hbm>>
      tpu.enqueue_indirect_dma source(%dma_start3A_1310 : memref<10240x32xf32, #tpu.memory_space<hbm>>) target(%dma_start3A_1304 : memref<128x32xf32, #tpu.memory_space<vmem>>) offsets(%dma_start3A_1307 : memref<128xi32, #tpu.memory_space<vmem>>) semaphore(%arg15 : memref<!tpu.dma_semaphore, #tpu.memory_space<semaphore_mem>>)
      %dma_wait3A_1311 = arith.constant 0 : i32
      %dma_wait3A_1312 = arith.constant 0 : i32
      %dma_wait3A_1313 = arith.constant 0 : i32
      %dma_wait3A_1314 = tpu.memref_slice %arg7[%dma_wait3A_1311, %dma_wait3A_1312, %dma_wait3A_1313] : memref<13x128x32xf32, #tpu.memory_space<vmem>> -> memref<1x128x32xf32, #tpu.memory_space<vmem>>
      %dma_wait3A_1315 = tpu.memref_squeeze %dma_wait3A_1314 : memref<1x128x32xf32, #tpu.memory_space<vmem>> -> memref<128x32xf32, #tpu.memory_space<vmem>>
      %dma_wait3A_1316 = arith.constant 0 : i32
      %dma_wait3A_1317 = arith.constant 0 : i32
      %dma_wait3A_1318 = tpu.memref_slice %arg2[%dma_wait3A_1316, %dma_wait3A_1317] : memref<10240x32xf32, #tpu.memory_space<hbm>> -> memref<128x32xf32, #tpu.memory_space<hbm>>
      %dma_wait3A_1319 = arith.constant 0 : i32
      %dma_wait3A_1320 = arith.constant 0 : i32
      %dma_wait3A_1321 = tpu.memref_slice %arg7[%dma_wait3A_1311, %dma_wait3A_1319, %dma_wait3A_1320] : memref<13x128x32xf32, #tpu.memory_space<vmem>> -> memref<1x128x32xf32, #tpu.memory_space<vmem>>
      %dma_wait3A_1322 = tpu.memref_squeeze %dma_wait3A_1321 : memref<1x128x32xf32, #tpu.memory_space<vmem>> -> memref<128x32xf32, #tpu.memory_space<vmem>>
      %dma_wait3A_1323 = arith.constant 0 : i32
      %dma_wait3A_1324 = arith.constant 0 : i32
      %dma_wait3A_1325 = tpu.memref_slice %arg2[%dma_wait3A_1323, %dma_wait3A_1324] : memref<10240x32xf32, #tpu.memory_space<hbm>> -> memref<128x32xf32, #tpu.memory_space<hbm>>
      tpu.wait_dma2 semaphore(%arg29 : memref<!tpu.dma_semaphore, #tpu.memory_space<semaphore_mem>>) src(%dma_wait3A_1325 : memref<128x32xf32, #tpu.memory_space<hbm>>) dst(%dma_wait3A_1322 : memref<128x32xf32, #tpu.memory_space<vmem>>)
      %add3A_1326 = arith.constant 1 : i32
      %add3A_1327 = arith.addi %scan3A_728, %add3A_1326 : i32
      %mul3A_1328 = arith.constant 13 : i32
      %mul3A_1329 = arith.muli %add3A_1327, %mul3A_1328 : i32
      %add3A_1330 = arith.constant 6 : i32
      %add3A_1331 = arith.addi %mul3A_1329, %add3A_1330 : i32
      %dma_start3A_1332 = arith.constant 6 : i32
      %dma_start3A_1333 = arith.constant 0 : i32
      %dma_start3A_1334 = arith.constant 0 : i32
      %dma_start3A_1335 = tpu.memref_slice %arg7[%dma_start3A_1332, %dma_start3A_1333, %dma_start3A_1334] : memref<13x128x32xf32, #tpu.memory_space<vmem>> -> memref<1x128x32xf32, #tpu.memory_space<vmem>>
      %dma_start3A_1336 = tpu.memref_squeeze %dma_start3A_1335 : memref<1x128x32xf32, #tpu.memory_space<vmem>> -> memref<128x32xf32, #tpu.memory_space<vmem>>
      %dma_start3A_1337 = arith.constant 0 : i32
      %dma_start3A_1338 = tpu.memref_slice %arg5[%add3A_1331, %dma_start3A_1337] : memref<79x128xi32, #tpu.memory_space<vmem>> -> memref<1x128xi32, #tpu.memory_space<vmem>>
      %dma_start3A_1339 = tpu.memref_squeeze %dma_start3A_1338 : memref<1x128xi32, #tpu.memory_space<vmem>> -> memref<128xi32, #tpu.memory_space<vmem>>
      %dma_start3A_1340 = arith.constant 0 : i32
      %dma_start3A_1341 = arith.constant 0 : i32
      %dma_start3A_1342 = tpu.memref_slice %arg2[%dma_start3A_1340, %dma_start3A_1341] : memref<10240x32xf32, #tpu.memory_space<hbm>> -> memref<10240x32xf32, #tpu.memory_space<hbm>>
      tpu.enqueue_indirect_dma source(%dma_start3A_1342 : memref<10240x32xf32, #tpu.memory_space<hbm>>) target(%dma_start3A_1336 : memref<128x32xf32, #tpu.memory_space<vmem>>) offsets(%dma_start3A_1339 : memref<128xi32, #tpu.memory_space<vmem>>) semaphore(%arg16 : memref<!tpu.dma_semaphore, #tpu.memory_space<semaphore_mem>>)
      %dma_wait3A_1343 = arith.constant 0 : i32
      %dma_wait3A_1344 = arith.constant 0 : i32
      %dma_wait3A_1345 = arith.constant 0 : i32
      %dma_wait3A_1346 = tpu.memref_slice %arg7[%dma_wait3A_1343, %dma_wait3A_1344, %dma_wait3A_1345] : memref<13x128x32xf32, #tpu.memory_space<vmem>> -> memref<1x128x32xf32, #tpu.memory_space<vmem>>
      %dma_wait3A_1347 = tpu.memref_squeeze %dma_wait3A_1346 : memref<1x128x32xf32, #tpu.memory_space<vmem>> -> memref<128x32xf32, #tpu.memory_space<vmem>>
      %dma_wait3A_1348 = arith.constant 0 : i32
      %dma_wait3A_1349 = arith.constant 0 : i32
      %dma_wait3A_1350 = tpu.memref_slice %arg2[%dma_wait3A_1348, %dma_wait3A_1349] : memref<10240x32xf32, #tpu.memory_space<hbm>> -> memref<128x32xf32, #tpu.memory_space<hbm>>
      %dma_wait3A_1351 = arith.constant 0 : i32
      %dma_wait3A_1352 = arith.constant 0 : i32
      %dma_wait3A_1353 = tpu.memref_slice %arg7[%dma_wait3A_1343, %dma_wait3A_1351, %dma_wait3A_1352] : memref<13x128x32xf32, #tpu.memory_space<vmem>> -> memref<1x128x32xf32, #tpu.memory_space<vmem>>
      %dma_wait3A_1354 = tpu.memref_squeeze %dma_wait3A_1353 : memref<1x128x32xf32, #tpu.memory_space<vmem>> -> memref<128x32xf32, #tpu.memory_space<vmem>>
      %dma_wait3A_1355 = arith.constant 0 : i32
      %dma_wait3A_1356 = arith.constant 0 : i32
      %dma_wait3A_1357 = tpu.memref_slice %arg2[%dma_wait3A_1355, %dma_wait3A_1356] : memref<10240x32xf32, #tpu.memory_space<hbm>> -> memref<128x32xf32, #tpu.memory_space<hbm>>
      tpu.wait_dma2 semaphore(%arg30 : memref<!tpu.dma_semaphore, #tpu.memory_space<semaphore_mem>>) src(%dma_wait3A_1357 : memref<128x32xf32, #tpu.memory_space<hbm>>) dst(%dma_wait3A_1354 : memref<128x32xf32, #tpu.memory_space<vmem>>)
      %add3A_1358 = arith.constant 1 : i32
      %add3A_1359 = arith.addi %scan3A_728, %add3A_1358 : i32
      %mul3A_1360 = arith.constant 13 : i32
      %mul3A_1361 = arith.muli %add3A_1359, %mul3A_1360 : i32
      %add3A_1362 = arith.constant 7 : i32
      %add3A_1363 = arith.addi %mul3A_1361, %add3A_1362 : i32
      %dma_start3A_1364 = arith.constant 7 : i32
      %dma_start3A_1365 = arith.constant 0 : i32
      %dma_start3A_1366 = arith.constant 0 : i32
      %dma_start3A_1367 = tpu.memref_slice %arg7[%dma_start3A_1364, %dma_start3A_1365, %dma_start3A_1366] : memref<13x128x32xf32, #tpu.memory_space<vmem>> -> memref<1x128x32xf32, #tpu.memory_space<vmem>>
      %dma_start3A_1368 = tpu.memref_squeeze %dma_start3A_1367 : memref<1x128x32xf32, #tpu.memory_space<vmem>> -> memref<128x32xf32, #tpu.memory_space<vmem>>
      %dma_start3A_1369 = arith.constant 0 : i32
      %dma_start3A_1370 = tpu.memref_slice %arg5[%add3A_1363, %dma_start3A_1369] : memref<79x128xi32, #tpu.memory_space<vmem>> -> memref<1x128xi32, #tpu.memory_space<vmem>>
      %dma_start3A_1371 = tpu.memref_squeeze %dma_start3A_1370 : memref<1x128xi32, #tpu.memory_space<vmem>> -> memref<128xi32, #tpu.memory_space<vmem>>
      %dma_start3A_1372 = arith.constant 0 : i32
      %dma_start3A_1373 = arith.constant 0 : i32
      %dma_start3A_1374 = tpu.memref_slice %arg2[%dma_start3A_1372, %dma_start3A_1373] : memref<10240x32xf32, #tpu.memory_space<hbm>> -> memref<10240x32xf32, #tpu.memory_space<hbm>>
      tpu.enqueue_indirect_dma source(%dma_start3A_1374 : memref<10240x32xf32, #tpu.memory_space<hbm>>) target(%dma_start3A_1368 : memref<128x32xf32, #tpu.memory_space<vmem>>) offsets(%dma_start3A_1371 : memref<128xi32, #tpu.memory_space<vmem>>) semaphore(%arg17 : memref<!tpu.dma_semaphore, #tpu.memory_space<semaphore_mem>>)
      %dma_wait3A_1375 = arith.constant 0 : i32
      %dma_wait3A_1376 = arith.constant 0 : i32
      %dma_wait3A_1377 = arith.constant 0 : i32
      %dma_wait3A_1378 = tpu.memref_slice %arg7[%dma_wait3A_1375, %dma_wait3A_1376, %dma_wait3A_1377] : memref<13x128x32xf32, #tpu.memory_space<vmem>> -> memref<1x128x32xf32, #tpu.memory_space<vmem>>
      %dma_wait3A_1379 = tpu.memref_squeeze %dma_wait3A_1378 : memref<1x128x32xf32, #tpu.memory_space<vmem>> -> memref<128x32xf32, #tpu.memory_space<vmem>>
      %dma_wait3A_1380 = arith.constant 0 : i32
      %dma_wait3A_1381 = arith.constant 0 : i32
      %dma_wait3A_1382 = tpu.memref_slice %arg2[%dma_wait3A_1380, %dma_wait3A_1381] : memref<10240x32xf32, #tpu.memory_space<hbm>> -> memref<128x32xf32, #tpu.memory_space<hbm>>
      %dma_wait3A_1383 = arith.constant 0 : i32
      %dma_wait3A_1384 = arith.constant 0 : i32
      %dma_wait3A_1385 = tpu.memref_slice %arg7[%dma_wait3A_1375, %dma_wait3A_1383, %dma_wait3A_1384] : memref<13x128x32xf32, #tpu.memory_space<vmem>> -> memref<1x128x32xf32, #tpu.memory_space<vmem>>
      %dma_wait3A_1386 = tpu.memref_squeeze %dma_wait3A_1385 : memref<1x128x32xf32, #tpu.memory_space<vmem>> -> memref<128x32xf32, #tpu.memory_space<vmem>>
      %dma_wait3A_1387 = arith.constant 0 : i32
      %dma_wait3A_1388 = arith.constant 0 : i32
      %dma_wait3A_1389 = tpu.memref_slice %arg2[%dma_wait3A_1387, %dma_wait3A_1388] : memref<10240x32xf32, #tpu.memory_space<hbm>> -> memref<128x32xf32, #tpu.memory_space<hbm>>
      tpu.wait_dma2 semaphore(%arg31 : memref<!tpu.dma_semaphore, #tpu.memory_space<semaphore_mem>>) src(%dma_wait3A_1389 : memref<128x32xf32, #tpu.memory_space<hbm>>) dst(%dma_wait3A_1386 : memref<128x32xf32, #tpu.memory_space<vmem>>)
      %add3A_1390 = arith.constant 1 : i32
      %add3A_1391 = arith.addi %scan3A_728, %add3A_1390 : i32
      %mul3A_1392 = arith.constant 13 : i32
      %mul3A_1393 = arith.muli %add3A_1391, %mul3A_1392 : i32
      %add3A_1394 = arith.constant 8 : i32
      %add3A_1395 = arith.addi %mul3A_1393, %add3A_1394 : i32
      %dma_start3A_1396 = arith.constant 8 : i32
      %dma_start3A_1397 = arith.constant 0 : i32
      %dma_start3A_1398 = arith.constant 0 : i32
      %dma_start3A_1399 = tpu.memref_slice %arg7[%dma_start3A_1396, %dma_start3A_1397, %dma_start3A_1398] : memref<13x128x32xf32, #tpu.memory_space<vmem>> -> memref<1x128x32xf32, #tpu.memory_space<vmem>>
      %dma_start3A_1400 = tpu.memref_squeeze %dma_start3A_1399 : memref<1x128x32xf32, #tpu.memory_space<vmem>> -> memref<128x32xf32, #tpu.memory_space<vmem>>
      %dma_start3A_1401 = arith.constant 0 : i32
      %dma_start3A_1402 = tpu.memref_slice %arg5[%add3A_1395, %dma_start3A_1401] : memref<79x128xi32, #tpu.memory_space<vmem>> -> memref<1x128xi32, #tpu.memory_space<vmem>>
      %dma_start3A_1403 = tpu.memref_squeeze %dma_start3A_1402 : memref<1x128xi32, #tpu.memory_space<vmem>> -> memref<128xi32, #tpu.memory_space<vmem>>
      %dma_start3A_1404 = arith.constant 0 : i32
      %dma_start3A_1405 = arith.constant 0 : i32
      %dma_start3A_1406 = tpu.memref_slice %arg2[%dma_start3A_1404, %dma_start3A_1405] : memref<10240x32xf32, #tpu.memory_space<hbm>> -> memref<10240x32xf32, #tpu.memory_space<hbm>>
      tpu.enqueue_indirect_dma source(%dma_start3A_1406 : memref<10240x32xf32, #tpu.memory_space<hbm>>) target(%dma_start3A_1400 : memref<128x32xf32, #tpu.memory_space<vmem>>) offsets(%dma_start3A_1403 : memref<128xi32, #tpu.memory_space<vmem>>) semaphore(%arg18 : memref<!tpu.dma_semaphore, #tpu.memory_space<semaphore_mem>>)
      %dma_wait3A_1407 = arith.constant 0 : i32
      %dma_wait3A_1408 = arith.constant 0 : i32
      %dma_wait3A_1409 = arith.constant 0 : i32
      %dma_wait3A_1410 = tpu.memref_slice %arg7[%dma_wait3A_1407, %dma_wait3A_1408, %dma_wait3A_1409] : memref<13x128x32xf32, #tpu.memory_space<vmem>> -> memref<1x128x32xf32, #tpu.memory_space<vmem>>
      %dma_wait3A_1411 = tpu.memref_squeeze %dma_wait3A_1410 : memref<1x128x32xf32, #tpu.memory_space<vmem>> -> memref<128x32xf32, #tpu.memory_space<vmem>>
      %dma_wait3A_1412 = arith.constant 0 : i32
      %dma_wait3A_1413 = arith.constant 0 : i32
      %dma_wait3A_1414 = tpu.memref_slice %arg2[%dma_wait3A_1412, %dma_wait3A_1413] : memref<10240x32xf32, #tpu.memory_space<hbm>> -> memref<128x32xf32, #tpu.memory_space<hbm>>
      %dma_wait3A_1415 = arith.constant 0 : i32
      %dma_wait3A_1416 = arith.constant 0 : i32
      %dma_wait3A_1417 = tpu.memref_slice %arg7[%dma_wait3A_1407, %dma_wait3A_1415, %dma_wait3A_1416] : memref<13x128x32xf32, #tpu.memory_space<vmem>> -> memref<1x128x32xf32, #tpu.memory_space<vmem>>
      %dma_wait3A_1418 = tpu.memref_squeeze %dma_wait3A_1417 : memref<1x128x32xf32, #tpu.memory_space<vmem>> -> memref<128x32xf32, #tpu.memory_space<vmem>>
      %dma_wait3A_1419 = arith.constant 0 : i32
      %dma_wait3A_1420 = arith.constant 0 : i32
      %dma_wait3A_1421 = tpu.memref_slice %arg2[%dma_wait3A_1419, %dma_wait3A_1420] : memref<10240x32xf32, #tpu.memory_space<hbm>> -> memref<128x32xf32, #tpu.memory_space<hbm>>
      tpu.wait_dma2 semaphore(%arg32 : memref<!tpu.dma_semaphore, #tpu.memory_space<semaphore_mem>>) src(%dma_wait3A_1421 : memref<128x32xf32, #tpu.memory_space<hbm>>) dst(%dma_wait3A_1418 : memref<128x32xf32, #tpu.memory_space<vmem>>)
      %add3A_1422 = arith.constant 1 : i32
      %add3A_1423 = arith.addi %scan3A_728, %add3A_1422 : i32
      %mul3A_1424 = arith.constant 13 : i32
      %mul3A_1425 = arith.muli %add3A_1423, %mul3A_1424 : i32
      %add3A_1426 = arith.constant 9 : i32
      %add3A_1427 = arith.addi %mul3A_1425, %add3A_1426 : i32
      %dma_start3A_1428 = arith.constant 9 : i32
      %dma_start3A_1429 = arith.constant 0 : i32
      %dma_start3A_1430 = arith.constant 0 : i32
      %dma_start3A_1431 = tpu.memref_slice %arg7[%dma_start3A_1428, %dma_start3A_1429, %dma_start3A_1430] : memref<13x128x32xf32, #tpu.memory_space<vmem>> -> memref<1x128x32xf32, #tpu.memory_space<vmem>>
      %dma_start3A_1432 = tpu.memref_squeeze %dma_start3A_1431 : memref<1x128x32xf32, #tpu.memory_space<vmem>> -> memref<128x32xf32, #tpu.memory_space<vmem>>
      %dma_start3A_1433 = arith.constant 0 : i32
      %dma_start3A_1434 = tpu.memref_slice %arg5[%add3A_1427, %dma_start3A_1433] : memref<79x128xi32, #tpu.memory_space<vmem>> -> memref<1x128xi32, #tpu.memory_space<vmem>>
      %dma_start3A_1435 = tpu.memref_squeeze %dma_start3A_1434 : memref<1x128xi32, #tpu.memory_space<vmem>> -> memref<128xi32, #tpu.memory_space<vmem>>
      %dma_start3A_1436 = arith.constant 0 : i32
      %dma_start3A_1437 = arith.constant 0 : i32
      %dma_start3A_1438 = tpu.memref_slice %arg2[%dma_start3A_1436, %dma_start3A_1437] : memref<10240x32xf32, #tpu.memory_space<hbm>> -> memref<10240x32xf32, #tpu.memory_space<hbm>>
      tpu.enqueue_indirect_dma source(%dma_start3A_1438 : memref<10240x32xf32, #tpu.memory_space<hbm>>) target(%dma_start3A_1432 : memref<128x32xf32, #tpu.memory_space<vmem>>) offsets(%dma_start3A_1435 : memref<128xi32, #tpu.memory_space<vmem>>) semaphore(%arg19 : memref<!tpu.dma_semaphore, #tpu.memory_space<semaphore_mem>>)
      %dma_wait3A_1439 = arith.constant 0 : i32
      %dma_wait3A_1440 = arith.constant 0 : i32
      %dma_wait3A_1441 = arith.constant 0 : i32
      %dma_wait3A_1442 = tpu.memref_slice %arg7[%dma_wait3A_1439, %dma_wait3A_1440, %dma_wait3A_1441] : memref<13x128x32xf32, #tpu.memory_space<vmem>> -> memref<1x128x32xf32, #tpu.memory_space<vmem>>
      %dma_wait3A_1443 = tpu.memref_squeeze %dma_wait3A_1442 : memref<1x128x32xf32, #tpu.memory_space<vmem>> -> memref<128x32xf32, #tpu.memory_space<vmem>>
      %dma_wait3A_1444 = arith.constant 0 : i32
      %dma_wait3A_1445 = arith.constant 0 : i32
      %dma_wait3A_1446 = tpu.memref_slice %arg2[%dma_wait3A_1444, %dma_wait3A_1445] : memref<10240x32xf32, #tpu.memory_space<hbm>> -> memref<128x32xf32, #tpu.memory_space<hbm>>
      %dma_wait3A_1447 = arith.constant 0 : i32
      %dma_wait3A_1448 = arith.constant 0 : i32
      %dma_wait3A_1449 = tpu.memref_slice %arg7[%dma_wait3A_1439, %dma_wait3A_1447, %dma_wait3A_1448] : memref<13x128x32xf32, #tpu.memory_space<vmem>> -> memref<1x128x32xf32, #tpu.memory_space<vmem>>
      %dma_wait3A_1450 = tpu.memref_squeeze %dma_wait3A_1449 : memref<1x128x32xf32, #tpu.memory_space<vmem>> -> memref<128x32xf32, #tpu.memory_space<vmem>>
      %dma_wait3A_1451 = arith.constant 0 : i32
      %dma_wait3A_1452 = arith.constant 0 : i32
      %dma_wait3A_1453 = tpu.memref_slice %arg2[%dma_wait3A_1451, %dma_wait3A_1452] : memref<10240x32xf32, #tpu.memory_space<hbm>> -> memref<128x32xf32, #tpu.memory_space<hbm>>
      tpu.wait_dma2 semaphore(%arg33 : memref<!tpu.dma_semaphore, #tpu.memory_space<semaphore_mem>>) src(%dma_wait3A_1453 : memref<128x32xf32, #tpu.memory_space<hbm>>) dst(%dma_wait3A_1450 : memref<128x32xf32, #tpu.memory_space<vmem>>)
      %add3A_1454 = arith.constant 1 : i32
      %add3A_1455 = arith.addi %scan3A_728, %add3A_1454 : i32
      %mul3A_1456 = arith.constant 13 : i32
      %mul3A_1457 = arith.muli %add3A_1455, %mul3A_1456 : i32
      %add3A_1458 = arith.constant 10 : i32
      %add3A_1459 = arith.addi %mul3A_1457, %add3A_1458 : i32
      %dma_start3A_1460 = arith.constant 10 : i32
      %dma_start3A_1461 = arith.constant 0 : i32
      %dma_start3A_1462 = arith.constant 0 : i32
      %dma_start3A_1463 = tpu.memref_slice %arg7[%dma_start3A_1460, %dma_start3A_1461, %dma_start3A_1462] : memref<13x128x32xf32, #tpu.memory_space<vmem>> -> memref<1x128x32xf32, #tpu.memory_space<vmem>>
      %dma_start3A_1464 = tpu.memref_squeeze %dma_start3A_1463 : memref<1x128x32xf32, #tpu.memory_space<vmem>> -> memref<128x32xf32, #tpu.memory_space<vmem>>
      %dma_start3A_1465 = arith.constant 0 : i32
      %dma_start3A_1466 = tpu.memref_slice %arg5[%add3A_1459, %dma_start3A_1465] : memref<79x128xi32, #tpu.memory_space<vmem>> -> memref<1x128xi32, #tpu.memory_space<vmem>>
      %dma_start3A_1467 = tpu.memref_squeeze %dma_start3A_1466 : memref<1x128xi32, #tpu.memory_space<vmem>> -> memref<128xi32, #tpu.memory_space<vmem>>
      %dma_start3A_1468 = arith.constant 0 : i32
      %dma_start3A_1469 = arith.constant 0 : i32
      %dma_start3A_1470 = tpu.memref_slice %arg2[%dma_start3A_1468, %dma_start3A_1469] : memref<10240x32xf32, #tpu.memory_space<hbm>> -> memref<10240x32xf32, #tpu.memory_space<hbm>>
      tpu.enqueue_indirect_dma source(%dma_start3A_1470 : memref<10240x32xf32, #tpu.memory_space<hbm>>) target(%dma_start3A_1464 : memref<128x32xf32, #tpu.memory_space<vmem>>) offsets(%dma_start3A_1467 : memref<128xi32, #tpu.memory_space<vmem>>) semaphore(%arg20 : memref<!tpu.dma_semaphore, #tpu.memory_space<semaphore_mem>>)
      %dma_wait3A_1471 = arith.constant 0 : i32
      %dma_wait3A_1472 = arith.constant 0 : i32
      %dma_wait3A_1473 = arith.constant 0 : i32
      %dma_wait3A_1474 = tpu.memref_slice %arg7[%dma_wait3A_1471, %dma_wait3A_1472, %dma_wait3A_1473] : memref<13x128x32xf32, #tpu.memory_space<vmem>> -> memref<1x128x32xf32, #tpu.memory_space<vmem>>
      %dma_wait3A_1475 = tpu.memref_squeeze %dma_wait3A_1474 : memref<1x128x32xf32, #tpu.memory_space<vmem>> -> memref<128x32xf32, #tpu.memory_space<vmem>>
      %dma_wait3A_1476 = arith.constant 0 : i32
      %dma_wait3A_1477 = arith.constant 0 : i32
      %dma_wait3A_1478 = tpu.memref_slice %arg2[%dma_wait3A_1476, %dma_wait3A_1477] : memref<10240x32xf32, #tpu.memory_space<hbm>> -> memref<128x32xf32, #tpu.memory_space<hbm>>
      %dma_wait3A_1479 = arith.constant 0 : i32
      %dma_wait3A_1480 = arith.constant 0 : i32
      %dma_wait3A_1481 = tpu.memref_slice %arg7[%dma_wait3A_1471, %dma_wait3A_1479, %dma_wait3A_1480] : memref<13x128x32xf32, #tpu.memory_space<vmem>> -> memref<1x128x32xf32, #tpu.memory_space<vmem>>
      %dma_wait3A_1482 = tpu.memref_squeeze %dma_wait3A_1481 : memref<1x128x32xf32, #tpu.memory_space<vmem>> -> memref<128x32xf32, #tpu.memory_space<vmem>>
      %dma_wait3A_1483 = arith.constant 0 : i32
      %dma_wait3A_1484 = arith.constant 0 : i32
      %dma_wait3A_1485 = tpu.memref_slice %arg2[%dma_wait3A_1483, %dma_wait3A_1484] : memref<10240x32xf32, #tpu.memory_space<hbm>> -> memref<128x32xf32, #tpu.memory_space<hbm>>
      tpu.wait_dma2 semaphore(%arg34 : memref<!tpu.dma_semaphore, #tpu.memory_space<semaphore_mem>>) src(%dma_wait3A_1485 : memref<128x32xf32, #tpu.memory_space<hbm>>) dst(%dma_wait3A_1482 : memref<128x32xf32, #tpu.memory_space<vmem>>)
      %add3A_1486 = arith.constant 1 : i32
      %add3A_1487 = arith.addi %scan3A_728, %add3A_1486 : i32
      %mul3A_1488 = arith.constant 13 : i32
      %mul3A_1489 = arith.muli %add3A_1487, %mul3A_1488 : i32
      %add3A_1490 = arith.constant 11 : i32
      %add3A_1491 = arith.addi %mul3A_1489, %add3A_1490 : i32
      %dma_start3A_1492 = arith.constant 11 : i32
      %dma_start3A_1493 = arith.constant 0 : i32
      %dma_start3A_1494 = arith.constant 0 : i32
      %dma_start3A_1495 = tpu.memref_slice %arg7[%dma_start3A_1492, %dma_start3A_1493, %dma_start3A_1494] : memref<13x128x32xf32, #tpu.memory_space<vmem>> -> memref<1x128x32xf32, #tpu.memory_space<vmem>>
      %dma_start3A_1496 = tpu.memref_squeeze %dma_start3A_1495 : memref<1x128x32xf32, #tpu.memory_space<vmem>> -> memref<128x32xf32, #tpu.memory_space<vmem>>
      %dma_start3A_1497 = arith.constant 0 : i32
      %dma_start3A_1498 = tpu.memref_slice %arg5[%add3A_1491, %dma_start3A_1497] : memref<79x128xi32, #tpu.memory_space<vmem>> -> memref<1x128xi32, #tpu.memory_space<vmem>>
      %dma_start3A_1499 = tpu.memref_squeeze %dma_start3A_1498 : memref<1x128xi32, #tpu.memory_space<vmem>> -> memref<128xi32, #tpu.memory_space<vmem>>
      %dma_start3A_1500 = arith.constant 0 : i32
      %dma_start3A_1501 = arith.constant 0 : i32
      %dma_start3A_1502 = tpu.memref_slice %arg2[%dma_start3A_1500, %dma_start3A_1501] : memref<10240x32xf32, #tpu.memory_space<hbm>> -> memref<10240x32xf32, #tpu.memory_space<hbm>>
      tpu.enqueue_indirect_dma source(%dma_start3A_1502 : memref<10240x32xf32, #tpu.memory_space<hbm>>) target(%dma_start3A_1496 : memref<128x32xf32, #tpu.memory_space<vmem>>) offsets(%dma_start3A_1499 : memref<128xi32, #tpu.memory_space<vmem>>) semaphore(%arg21 : memref<!tpu.dma_semaphore, #tpu.memory_space<semaphore_mem>>)
      %dma_wait3A_1503 = arith.constant 0 : i32
      %dma_wait3A_1504 = arith.constant 0 : i32
      %dma_wait3A_1505 = arith.constant 0 : i32
      %dma_wait3A_1506 = tpu.memref_slice %arg7[%dma_wait3A_1503, %dma_wait3A_1504, %dma_wait3A_1505] : memref<13x128x32xf32, #tpu.memory_space<vmem>> -> memref<1x128x32xf32, #tpu.memory_space<vmem>>
      %dma_wait3A_1507 = tpu.memref_squeeze %dma_wait3A_1506 : memref<1x128x32xf32, #tpu.memory_space<vmem>> -> memref<128x32xf32, #tpu.memory_space<vmem>>
      %dma_wait3A_1508 = arith.constant 0 : i32
      %dma_wait3A_1509 = arith.constant 0 : i32
      %dma_wait3A_1510 = tpu.memref_slice %arg2[%dma_wait3A_1508, %dma_wait3A_1509] : memref<10240x32xf32, #tpu.memory_space<hbm>> -> memref<128x32xf32, #tpu.memory_space<hbm>>
      %dma_wait3A_1511 = arith.constant 0 : i32
      %dma_wait3A_1512 = arith.constant 0 : i32
      %dma_wait3A_1513 = tpu.memref_slice %arg7[%dma_wait3A_1503, %dma_wait3A_1511, %dma_wait3A_1512] : memref<13x128x32xf32, #tpu.memory_space<vmem>> -> memref<1x128x32xf32, #tpu.memory_space<vmem>>
      %dma_wait3A_1514 = tpu.memref_squeeze %dma_wait3A_1513 : memref<1x128x32xf32, #tpu.memory_space<vmem>> -> memref<128x32xf32, #tpu.memory_space<vmem>>
      %dma_wait3A_1515 = arith.constant 0 : i32
      %dma_wait3A_1516 = arith.constant 0 : i32
      %dma_wait3A_1517 = tpu.memref_slice %arg2[%dma_wait3A_1515, %dma_wait3A_1516] : memref<10240x32xf32, #tpu.memory_space<hbm>> -> memref<128x32xf32, #tpu.memory_space<hbm>>
      tpu.wait_dma2 semaphore(%arg35 : memref<!tpu.dma_semaphore, #tpu.memory_space<semaphore_mem>>) src(%dma_wait3A_1517 : memref<128x32xf32, #tpu.memory_space<hbm>>) dst(%dma_wait3A_1514 : memref<128x32xf32, #tpu.memory_space<vmem>>)
      %add3A_1518 = arith.constant 1 : i32
      %add3A_1519 = arith.addi %scan3A_728, %add3A_1518 : i32
      %mul3A_1520 = arith.constant 13 : i32
      %mul3A_1521 = arith.muli %add3A_1519, %mul3A_1520 : i32
      %add3A_1522 = arith.constant 12 : i32
      %add3A_1523 = arith.addi %mul3A_1521, %add3A_1522 : i32
      %dma_start3A_1524 = arith.constant 12 : i32
      %dma_start3A_1525 = arith.constant 0 : i32
      %dma_start3A_1526 = arith.constant 0 : i32
      %dma_start3A_1527 = tpu.memref_slice %arg7[%dma_start3A_1524, %dma_start3A_1525, %dma_start3A_1526] : memref<13x128x32xf32, #tpu.memory_space<vmem>> -> memref<1x128x32xf32, #tpu.memory_space<vmem>>
      %dma_start3A_1528 = tpu.memref_squeeze %dma_start3A_1527 : memref<1x128x32xf32, #tpu.memory_space<vmem>> -> memref<128x32xf32, #tpu.memory_space<vmem>>
      %dma_start3A_1529 = arith.constant 0 : i32
      %dma_start3A_1530 = tpu.memref_slice %arg5[%add3A_1523, %dma_start3A_1529] : memref<79x128xi32, #tpu.memory_space<vmem>> -> memref<1x128xi32, #tpu.memory_space<vmem>>
      %dma_start3A_1531 = tpu.memref_squeeze %dma_start3A_1530 : memref<1x128xi32, #tpu.memory_space<vmem>> -> memref<128xi32, #tpu.memory_space<vmem>>
      %dma_start3A_1532 = arith.constant 0 : i32
      %dma_start3A_1533 = arith.constant 0 : i32
      %dma_start3A_1534 = tpu.memref_slice %arg2[%dma_start3A_1532, %dma_start3A_1533] : memref<10240x32xf32, #tpu.memory_space<hbm>> -> memref<10240x32xf32, #tpu.memory_space<hbm>>
      tpu.enqueue_indirect_dma source(%dma_start3A_1534 : memref<10240x32xf32, #tpu.memory_space<hbm>>) target(%dma_start3A_1528 : memref<128x32xf32, #tpu.memory_space<vmem>>) offsets(%dma_start3A_1531 : memref<128xi32, #tpu.memory_space<vmem>>) semaphore(%arg22 : memref<!tpu.dma_semaphore, #tpu.memory_space<semaphore_mem>>)
    }
    %scan3A_176 = arith.constant 5 : i32
    %dma_wait3A = arith.constant 0 : i32
    %dma_wait3A_177 = arith.constant 0 : i32
    %dma_wait3A_178 = arith.constant 0 : i32
    %dma_wait3A_179 = tpu.memref_slice %arg7[%dma_wait3A, %dma_wait3A_177, %dma_wait3A_178] : memref<13x128x32xf32, #tpu.memory_space<vmem>> -> memref<1x128x32xf32, #tpu.memory_space<vmem>>
    %dma_wait3A_180 = tpu.memref_squeeze %dma_wait3A_179 : memref<1x128x32xf32, #tpu.memory_space<vmem>> -> memref<128x32xf32, #tpu.memory_space<vmem>>
    %dma_wait3A_181 = arith.constant 0 : i32
    %dma_wait3A_182 = arith.constant 0 : i32
    %dma_wait3A_183 = tpu.memref_slice %arg2[%dma_wait3A_181, %dma_wait3A_182] : memref<10240x32xf32, #tpu.memory_space<hbm>> -> memref<128x32xf32, #tpu.memory_space<hbm>>
    %dma_wait3A_184 = arith.constant 0 : i32
    %dma_wait3A_185 = arith.constant 0 : i32
    %dma_wait3A_186 = tpu.memref_slice %arg7[%dma_wait3A, %dma_wait3A_184, %dma_wait3A_185] : memref<13x128x32xf32, #tpu.memory_space<vmem>> -> memref<1x128x32xf32, #tpu.memory_space<vmem>>
    %dma_wait3A_187 = tpu.memref_squeeze %dma_wait3A_186 : memref<1x128x32xf32, #tpu.memory_space<vmem>> -> memref<128x32xf32, #tpu.memory_space<vmem>>
    %dma_wait3A_188 = arith.constant 0 : i32
    %dma_wait3A_189 = arith.constant 0 : i32
    %dma_wait3A_190 = tpu.memref_slice %arg2[%dma_wait3A_188, %dma_wait3A_189] : memref<10240x32xf32, #tpu.memory_space<hbm>> -> memref<128x32xf32, #tpu.memory_space<hbm>>
    tpu.wait_dma2 semaphore(%arg10 : memref<!tpu.dma_semaphore, #tpu.memory_space<semaphore_mem>>) src(%dma_wait3A_190 : memref<128x32xf32, #tpu.memory_space<hbm>>) dst(%dma_wait3A_187 : memref<128x32xf32, #tpu.memory_space<vmem>>)
    %dma_start3A_191 = arith.constant 0 : i32
    %dma_start3A_192 = arith.constant 65 : i32
    %dma_start3A_193 = arith.constant 0 : i32
    %dma_start3A_194 = arith.constant 0 : i32
    %dma_start3A_195 = tpu.memref_slice %arg7[%dma_start3A_191, %dma_start3A_193, %dma_start3A_194] : memref<13x128x32xf32, #tpu.memory_space<vmem>> -> memref<1x128x32xf32, #tpu.memory_space<vmem>>
    %dma_start3A_196 = tpu.memref_squeeze %dma_start3A_195 : memref<1x128x32xf32, #tpu.memory_space<vmem>> -> memref<128x32xf32, #tpu.memory_space<vmem>>
    %dma_start3A_197 = arith.constant 0 : i32
    %dma_start3A_198 = tpu.memref_slice %arg6[%dma_start3A_192, %dma_start3A_197] : memref<79x128xi32, #tpu.memory_space<vmem>> -> memref<1x128xi32, #tpu.memory_space<vmem>>
    %dma_start3A_199 = tpu.memref_squeeze %dma_start3A_198 : memref<1x128xi32, #tpu.memory_space<vmem>> -> memref<128xi32, #tpu.memory_space<vmem>>
    %dma_start3A_200 = arith.constant 0 : i32
    %dma_start3A_201 = arith.constant 0 : i32
    %dma_start3A_202 = tpu.memref_slice %arg9[%dma_start3A_200, %dma_start3A_201] : memref<10000x32xf32, #tpu.memory_space<vmem_shared>> -> memref<10000x32xf32, #tpu.memory_space<vmem_shared>>
    tpu.enqueue_indirect_dma source(%dma_start3A_196 : memref<128x32xf32, #tpu.memory_space<vmem>>) target(%dma_start3A_202 : memref<10000x32xf32, #tpu.memory_space<vmem_shared>>) offsets(%dma_start3A_199 : memref<128xi32, #tpu.memory_space<vmem>>) semaphore(%arg23 : memref<!tpu.dma_semaphore, #tpu.memory_space<semaphore_mem>>) {add = true}
    %dma_wait3A_203 = arith.constant 0 : i32
    %dma_wait3A_204 = arith.constant 0 : i32
    %dma_wait3A_205 = arith.constant 0 : i32
    %dma_wait3A_206 = tpu.memref_slice %arg7[%dma_wait3A_203, %dma_wait3A_204, %dma_wait3A_205] : memref<13x128x32xf32, #tpu.memory_space<vmem>> -> memref<1x128x32xf32, #tpu.memory_space<vmem>>
    %dma_wait3A_207 = tpu.memref_squeeze %dma_wait3A_206 : memref<1x128x32xf32, #tpu.memory_space<vmem>> -> memref<128x32xf32, #tpu.memory_space<vmem>>
    %dma_wait3A_208 = arith.constant 0 : i32
    %dma_wait3A_209 = arith.constant 0 : i32
    %dma_wait3A_210 = tpu.memref_slice %arg2[%dma_wait3A_208, %dma_wait3A_209] : memref<10240x32xf32, #tpu.memory_space<hbm>> -> memref<128x32xf32, #tpu.memory_space<hbm>>
    %dma_wait3A_211 = arith.constant 0 : i32
    %dma_wait3A_212 = arith.constant 0 : i32
    %dma_wait3A_213 = tpu.memref_slice %arg7[%dma_wait3A_203, %dma_wait3A_211, %dma_wait3A_212] : memref<13x128x32xf32, #tpu.memory_space<vmem>> -> memref<1x128x32xf32, #tpu.memory_space<vmem>>
    %dma_wait3A_214 = tpu.memref_squeeze %dma_wait3A_213 : memref<1x128x32xf32, #tpu.memory_space<vmem>> -> memref<128x32xf32, #tpu.memory_space<vmem>>
    %dma_wait3A_215 = arith.constant 0 : i32
    %dma_wait3A_216 = arith.constant 0 : i32
    %dma_wait3A_217 = tpu.memref_slice %arg2[%dma_wait3A_215, %dma_wait3A_216] : memref<10240x32xf32, #tpu.memory_space<hbm>> -> memref<128x32xf32, #tpu.memory_space<hbm>>
    tpu.wait_dma2 semaphore(%arg11 : memref<!tpu.dma_semaphore, #tpu.memory_space<semaphore_mem>>) src(%dma_wait3A_217 : memref<128x32xf32, #tpu.memory_space<hbm>>) dst(%dma_wait3A_214 : memref<128x32xf32, #tpu.memory_space<vmem>>)
    %dma_start3A_218 = arith.constant 1 : i32
    %dma_start3A_219 = arith.constant 66 : i32
    %dma_start3A_220 = arith.constant 0 : i32
    %dma_start3A_221 = arith.constant 0 : i32
    %dma_start3A_222 = tpu.memref_slice %arg7[%dma_start3A_218, %dma_start3A_220, %dma_start3A_221] : memref<13x128x32xf32, #tpu.memory_space<vmem>> -> memref<1x128x32xf32, #tpu.memory_space<vmem>>
    %dma_start3A_223 = tpu.memref_squeeze %dma_start3A_222 : memref<1x128x32xf32, #tpu.memory_space<vmem>> -> memref<128x32xf32, #tpu.memory_space<vmem>>
    %dma_start3A_224 = arith.constant 0 : i32
    %dma_start3A_225 = tpu.memref_slice %arg6[%dma_start3A_219, %dma_start3A_224] : memref<79x128xi32, #tpu.memory_space<vmem>> -> memref<1x128xi32, #tpu.memory_space<vmem>>
    %dma_start3A_226 = tpu.memref_squeeze %dma_start3A_225 : memref<1x128xi32, #tpu.memory_space<vmem>> -> memref<128xi32, #tpu.memory_space<vmem>>
    %dma_start3A_227 = arith.constant 0 : i32
    %dma_start3A_228 = arith.constant 0 : i32
    %dma_start3A_229 = tpu.memref_slice %arg9[%dma_start3A_227, %dma_start3A_228] : memref<10000x32xf32, #tpu.memory_space<vmem_shared>> -> memref<10000x32xf32, #tpu.memory_space<vmem_shared>>
    tpu.enqueue_indirect_dma source(%dma_start3A_223 : memref<128x32xf32, #tpu.memory_space<vmem>>) target(%dma_start3A_229 : memref<10000x32xf32, #tpu.memory_space<vmem_shared>>) offsets(%dma_start3A_226 : memref<128xi32, #tpu.memory_space<vmem>>) semaphore(%arg24 : memref<!tpu.dma_semaphore, #tpu.memory_space<semaphore_mem>>) {add = true}
    %dma_wait3A_230 = arith.constant 0 : i32
    %dma_wait3A_231 = arith.constant 0 : i32
    %dma_wait3A_232 = arith.constant 0 : i32
    %dma_wait3A_233 = tpu.memref_slice %arg7[%dma_wait3A_230, %dma_wait3A_231, %dma_wait3A_232] : memref<13x128x32xf32, #tpu.memory_space<vmem>> -> memref<1x128x32xf32, #tpu.memory_space<vmem>>
    %dma_wait3A_234 = tpu.memref_squeeze %dma_wait3A_233 : memref<1x128x32xf32, #tpu.memory_space<vmem>> -> memref<128x32xf32, #tpu.memory_space<vmem>>
    %dma_wait3A_235 = arith.constant 0 : i32
    %dma_wait3A_236 = arith.constant 0 : i32
    %dma_wait3A_237 = tpu.memref_slice %arg2[%dma_wait3A_235, %dma_wait3A_236] : memref<10240x32xf32, #tpu.memory_space<hbm>> -> memref<128x32xf32, #tpu.memory_space<hbm>>
    %dma_wait3A_238 = arith.constant 0 : i32
    %dma_wait3A_239 = arith.constant 0 : i32
    %dma_wait3A_240 = tpu.memref_slice %arg7[%dma_wait3A_230, %dma_wait3A_238, %dma_wait3A_239] : memref<13x128x32xf32, #tpu.memory_space<vmem>> -> memref<1x128x32xf32, #tpu.memory_space<vmem>>
    %dma_wait3A_241 = tpu.memref_squeeze %dma_wait3A_240 : memref<1x128x32xf32, #tpu.memory_space<vmem>> -> memref<128x32xf32, #tpu.memory_space<vmem>>
    %dma_wait3A_242 = arith.constant 0 : i32
    %dma_wait3A_243 = arith.constant 0 : i32
    %dma_wait3A_244 = tpu.memref_slice %arg2[%dma_wait3A_242, %dma_wait3A_243] : memref<10240x32xf32, #tpu.memory_space<hbm>> -> memref<128x32xf32, #tpu.memory_space<hbm>>
    tpu.wait_dma2 semaphore(%arg12 : memref<!tpu.dma_semaphore, #tpu.memory_space<semaphore_mem>>) src(%dma_wait3A_244 : memref<128x32xf32, #tpu.memory_space<hbm>>) dst(%dma_wait3A_241 : memref<128x32xf32, #tpu.memory_space<vmem>>)
    %dma_start3A_245 = arith.constant 2 : i32
    %dma_start3A_246 = arith.constant 67 : i32
    %dma_start3A_247 = arith.constant 0 : i32
    %dma_start3A_248 = arith.constant 0 : i32
    %dma_start3A_249 = tpu.memref_slice %arg7[%dma_start3A_245, %dma_start3A_247, %dma_start3A_248] : memref<13x128x32xf32, #tpu.memory_space<vmem>> -> memref<1x128x32xf32, #tpu.memory_space<vmem>>
    %dma_start3A_250 = tpu.memref_squeeze %dma_start3A_249 : memref<1x128x32xf32, #tpu.memory_space<vmem>> -> memref<128x32xf32, #tpu.memory_space<vmem>>
    %dma_start3A_251 = arith.constant 0 : i32
    %dma_start3A_252 = tpu.memref_slice %arg6[%dma_start3A_246, %dma_start3A_251] : memref<79x128xi32, #tpu.memory_space<vmem>> -> memref<1x128xi32, #tpu.memory_space<vmem>>
    %dma_start3A_253 = tpu.memref_squeeze %dma_start3A_252 : memref<1x128xi32, #tpu.memory_space<vmem>> -> memref<128xi32, #tpu.memory_space<vmem>>
    %dma_start3A_254 = arith.constant 0 : i32
    %dma_start3A_255 = arith.constant 0 : i32
    %dma_start3A_256 = tpu.memref_slice %arg9[%dma_start3A_254, %dma_start3A_255] : memref<10000x32xf32, #tpu.memory_space<vmem_shared>> -> memref<10000x32xf32, #tpu.memory_space<vmem_shared>>
    tpu.enqueue_indirect_dma source(%dma_start3A_250 : memref<128x32xf32, #tpu.memory_space<vmem>>) target(%dma_start3A_256 : memref<10000x32xf32, #tpu.memory_space<vmem_shared>>) offsets(%dma_start3A_253 : memref<128xi32, #tpu.memory_space<vmem>>) semaphore(%arg25 : memref<!tpu.dma_semaphore, #tpu.memory_space<semaphore_mem>>) {add = true}
    %dma_wait3A_257 = arith.constant 0 : i32
    %dma_wait3A_258 = arith.constant 0 : i32
    %dma_wait3A_259 = arith.constant 0 : i32
    %dma_wait3A_260 = tpu.memref_slice %arg7[%dma_wait3A_257, %dma_wait3A_258, %dma_wait3A_259] : memref<13x128x32xf32, #tpu.memory_space<vmem>> -> memref<1x128x32xf32, #tpu.memory_space<vmem>>
    %dma_wait3A_261 = tpu.memref_squeeze %dma_wait3A_260 : memref<1x128x32xf32, #tpu.memory_space<vmem>> -> memref<128x32xf32, #tpu.memory_space<vmem>>
    %dma_wait3A_262 = arith.constant 0 : i32
    %dma_wait3A_263 = arith.constant 0 : i32
    %dma_wait3A_264 = tpu.memref_slice %arg2[%dma_wait3A_262, %dma_wait3A_263] : memref<10240x32xf32, #tpu.memory_space<hbm>> -> memref<128x32xf32, #tpu.memory_space<hbm>>
    %dma_wait3A_265 = arith.constant 0 : i32
    %dma_wait3A_266 = arith.constant 0 : i32
    %dma_wait3A_267 = tpu.memref_slice %arg7[%dma_wait3A_257, %dma_wait3A_265, %dma_wait3A_266] : memref<13x128x32xf32, #tpu.memory_space<vmem>> -> memref<1x128x32xf32, #tpu.memory_space<vmem>>
    %dma_wait3A_268 = tpu.memref_squeeze %dma_wait3A_267 : memref<1x128x32xf32, #tpu.memory_space<vmem>> -> memref<128x32xf32, #tpu.memory_space<vmem>>
    %dma_wait3A_269 = arith.constant 0 : i32
    %dma_wait3A_270 = arith.constant 0 : i32
    %dma_wait3A_271 = tpu.memref_slice %arg2[%dma_wait3A_269, %dma_wait3A_270] : memref<10240x32xf32, #tpu.memory_space<hbm>> -> memref<128x32xf32, #tpu.memory_space<hbm>>
    tpu.wait_dma2 semaphore(%arg13 : memref<!tpu.dma_semaphore, #tpu.memory_space<semaphore_mem>>) src(%dma_wait3A_271 : memref<128x32xf32, #tpu.memory_space<hbm>>) dst(%dma_wait3A_268 : memref<128x32xf32, #tpu.memory_space<vmem>>)
    %dma_start3A_272 = arith.constant 3 : i32
    %dma_start3A_273 = arith.constant 68 : i32
    %dma_start3A_274 = arith.constant 0 : i32
    %dma_start3A_275 = arith.constant 0 : i32
    %dma_start3A_276 = tpu.memref_slice %arg7[%dma_start3A_272, %dma_start3A_274, %dma_start3A_275] : memref<13x128x32xf32, #tpu.memory_space<vmem>> -> memref<1x128x32xf32, #tpu.memory_space<vmem>>
    %dma_start3A_277 = tpu.memref_squeeze %dma_start3A_276 : memref<1x128x32xf32, #tpu.memory_space<vmem>> -> memref<128x32xf32, #tpu.memory_space<vmem>>
    %dma_start3A_278 = arith.constant 0 : i32
    %dma_start3A_279 = tpu.memref_slice %arg6[%dma_start3A_273, %dma_start3A_278] : memref<79x128xi32, #tpu.memory_space<vmem>> -> memref<1x128xi32, #tpu.memory_space<vmem>>
    %dma_start3A_280 = tpu.memref_squeeze %dma_start3A_279 : memref<1x128xi32, #tpu.memory_space<vmem>> -> memref<128xi32, #tpu.memory_space<vmem>>
    %dma_start3A_281 = arith.constant 0 : i32
    %dma_start3A_282 = arith.constant 0 : i32
    %dma_start3A_283 = tpu.memref_slice %arg9[%dma_start3A_281, %dma_start3A_282] : memref<10000x32xf32, #tpu.memory_space<vmem_shared>> -> memref<10000x32xf32, #tpu.memory_space<vmem_shared>>
    tpu.enqueue_indirect_dma source(%dma_start3A_277 : memref<128x32xf32, #tpu.memory_space<vmem>>) target(%dma_start3A_283 : memref<10000x32xf32, #tpu.memory_space<vmem_shared>>) offsets(%dma_start3A_280 : memref<128xi32, #tpu.memory_space<vmem>>) semaphore(%arg26 : memref<!tpu.dma_semaphore, #tpu.memory_space<semaphore_mem>>) {add = true}
    %dma_wait3A_284 = arith.constant 0 : i32
    %dma_wait3A_285 = arith.constant 0 : i32
    %dma_wait3A_286 = arith.constant 0 : i32
    %dma_wait3A_287 = tpu.memref_slice %arg7[%dma_wait3A_284, %dma_wait3A_285, %dma_wait3A_286] : memref<13x128x32xf32, #tpu.memory_space<vmem>> -> memref<1x128x32xf32, #tpu.memory_space<vmem>>
    %dma_wait3A_288 = tpu.memref_squeeze %dma_wait3A_287 : memref<1x128x32xf32, #tpu.memory_space<vmem>> -> memref<128x32xf32, #tpu.memory_space<vmem>>
    %dma_wait3A_289 = arith.constant 0 : i32
    %dma_wait3A_290 = arith.constant 0 : i32
    %dma_wait3A_291 = tpu.memref_slice %arg2[%dma_wait3A_289, %dma_wait3A_290] : memref<10240x32xf32, #tpu.memory_space<hbm>> -> memref<128x32xf32, #tpu.memory_space<hbm>>
    %dma_wait3A_292 = arith.constant 0 : i32
    %dma_wait3A_293 = arith.constant 0 : i32
    %dma_wait3A_294 = tpu.memref_slice %arg7[%dma_wait3A_284, %dma_wait3A_292, %dma_wait3A_293] : memref<13x128x32xf32, #tpu.memory_space<vmem>> -> memref<1x128x32xf32, #tpu.memory_space<vmem>>
    %dma_wait3A_295 = tpu.memref_squeeze %dma_wait3A_294 : memref<1x128x32xf32, #tpu.memory_space<vmem>> -> memref<128x32xf32, #tpu.memory_space<vmem>>
    %dma_wait3A_296 = arith.constant 0 : i32
    %dma_wait3A_297 = arith.constant 0 : i32
    %dma_wait3A_298 = tpu.memref_slice %arg2[%dma_wait3A_296, %dma_wait3A_297] : memref<10240x32xf32, #tpu.memory_space<hbm>> -> memref<128x32xf32, #tpu.memory_space<hbm>>
    tpu.wait_dma2 semaphore(%arg14 : memref<!tpu.dma_semaphore, #tpu.memory_space<semaphore_mem>>) src(%dma_wait3A_298 : memref<128x32xf32, #tpu.memory_space<hbm>>) dst(%dma_wait3A_295 : memref<128x32xf32, #tpu.memory_space<vmem>>)
    %dma_start3A_299 = arith.constant 4 : i32
    %dma_start3A_300 = arith.constant 69 : i32
    %dma_start3A_301 = arith.constant 0 : i32
    %dma_start3A_302 = arith.constant 0 : i32
    %dma_start3A_303 = tpu.memref_slice %arg7[%dma_start3A_299, %dma_start3A_301, %dma_start3A_302] : memref<13x128x32xf32, #tpu.memory_space<vmem>> -> memref<1x128x32xf32, #tpu.memory_space<vmem>>
    %dma_start3A_304 = tpu.memref_squeeze %dma_start3A_303 : memref<1x128x32xf32, #tpu.memory_space<vmem>> -> memref<128x32xf32, #tpu.memory_space<vmem>>
    %dma_start3A_305 = arith.constant 0 : i32
    %dma_start3A_306 = tpu.memref_slice %arg6[%dma_start3A_300, %dma_start3A_305] : memref<79x128xi32, #tpu.memory_space<vmem>> -> memref<1x128xi32, #tpu.memory_space<vmem>>
    %dma_start3A_307 = tpu.memref_squeeze %dma_start3A_306 : memref<1x128xi32, #tpu.memory_space<vmem>> -> memref<128xi32, #tpu.memory_space<vmem>>
    %dma_start3A_308 = arith.constant 0 : i32
    %dma_start3A_309 = arith.constant 0 : i32
    %dma_start3A_310 = tpu.memref_slice %arg9[%dma_start3A_308, %dma_start3A_309] : memref<10000x32xf32, #tpu.memory_space<vmem_shared>> -> memref<10000x32xf32, #tpu.memory_space<vmem_shared>>
    tpu.enqueue_indirect_dma source(%dma_start3A_304 : memref<128x32xf32, #tpu.memory_space<vmem>>) target(%dma_start3A_310 : memref<10000x32xf32, #tpu.memory_space<vmem_shared>>) offsets(%dma_start3A_307 : memref<128xi32, #tpu.memory_space<vmem>>) semaphore(%arg27 : memref<!tpu.dma_semaphore, #tpu.memory_space<semaphore_mem>>) {add = true}
    %dma_wait3A_311 = arith.constant 0 : i32
    %dma_wait3A_312 = arith.constant 0 : i32
    %dma_wait3A_313 = arith.constant 0 : i32
    %dma_wait3A_314 = tpu.memref_slice %arg7[%dma_wait3A_311, %dma_wait3A_312, %dma_wait3A_313] : memref<13x128x32xf32, #tpu.memory_space<vmem>> -> memref<1x128x32xf32, #tpu.memory_space<vmem>>
    %dma_wait3A_315 = tpu.memref_squeeze %dma_wait3A_314 : memref<1x128x32xf32, #tpu.memory_space<vmem>> -> memref<128x32xf32, #tpu.memory_space<vmem>>
    %dma_wait3A_316 = arith.constant 0 : i32
    %dma_wait3A_317 = arith.constant 0 : i32
    %dma_wait3A_318 = tpu.memref_slice %arg2[%dma_wait3A_316, %dma_wait3A_317] : memref<10240x32xf32, #tpu.memory_space<hbm>> -> memref<128x32xf32, #tpu.memory_space<hbm>>
    %dma_wait3A_319 = arith.constant 0 : i32
    %dma_wait3A_320 = arith.constant 0 : i32
    %dma_wait3A_321 = tpu.memref_slice %arg7[%dma_wait3A_311, %dma_wait3A_319, %dma_wait3A_320] : memref<13x128x32xf32, #tpu.memory_space<vmem>> -> memref<1x128x32xf32, #tpu.memory_space<vmem>>
    %dma_wait3A_322 = tpu.memref_squeeze %dma_wait3A_321 : memref<1x128x32xf32, #tpu.memory_space<vmem>> -> memref<128x32xf32, #tpu.memory_space<vmem>>
    %dma_wait3A_323 = arith.constant 0 : i32
    %dma_wait3A_324 = arith.constant 0 : i32
    %dma_wait3A_325 = tpu.memref_slice %arg2[%dma_wait3A_323, %dma_wait3A_324] : memref<10240x32xf32, #tpu.memory_space<hbm>> -> memref<128x32xf32, #tpu.memory_space<hbm>>
    tpu.wait_dma2 semaphore(%arg15 : memref<!tpu.dma_semaphore, #tpu.memory_space<semaphore_mem>>) src(%dma_wait3A_325 : memref<128x32xf32, #tpu.memory_space<hbm>>) dst(%dma_wait3A_322 : memref<128x32xf32, #tpu.memory_space<vmem>>)
    %dma_start3A_326 = arith.constant 5 : i32
    %dma_start3A_327 = arith.constant 70 : i32
    %dma_start3A_328 = arith.constant 0 : i32
    %dma_start3A_329 = arith.constant 0 : i32
    %dma_start3A_330 = tpu.memref_slice %arg7[%dma_start3A_326, %dma_start3A_328, %dma_start3A_329] : memref<13x128x32xf32, #tpu.memory_space<vmem>> -> memref<1x128x32xf32, #tpu.memory_space<vmem>>
    %dma_start3A_331 = tpu.memref_squeeze %dma_start3A_330 : memref<1x128x32xf32, #tpu.memory_space<vmem>> -> memref<128x32xf32, #tpu.memory_space<vmem>>
    %dma_start3A_332 = arith.constant 0 : i32
    %dma_start3A_333 = tpu.memref_slice %arg6[%dma_start3A_327, %dma_start3A_332] : memref<79x128xi32, #tpu.memory_space<vmem>> -> memref<1x128xi32, #tpu.memory_space<vmem>>
    %dma_start3A_334 = tpu.memref_squeeze %dma_start3A_333 : memref<1x128xi32, #tpu.memory_space<vmem>> -> memref<128xi32, #tpu.memory_space<vmem>>
    %dma_start3A_335 = arith.constant 0 : i32
    %dma_start3A_336 = arith.constant 0 : i32
    %dma_start3A_337 = tpu.memref_slice %arg9[%dma_start3A_335, %dma_start3A_336] : memref<10000x32xf32, #tpu.memory_space<vmem_shared>> -> memref<10000x32xf32, #tpu.memory_space<vmem_shared>>
    tpu.enqueue_indirect_dma source(%dma_start3A_331 : memref<128x32xf32, #tpu.memory_space<vmem>>) target(%dma_start3A_337 : memref<10000x32xf32, #tpu.memory_space<vmem_shared>>) offsets(%dma_start3A_334 : memref<128xi32, #tpu.memory_space<vmem>>) semaphore(%arg28 : memref<!tpu.dma_semaphore, #tpu.memory_space<semaphore_mem>>) {add = true}
    %dma_wait3A_338 = arith.constant 0 : i32
    %dma_wait3A_339 = arith.constant 0 : i32
    %dma_wait3A_340 = arith.constant 0 : i32
    %dma_wait3A_341 = tpu.memref_slice %arg7[%dma_wait3A_338, %dma_wait3A_339, %dma_wait3A_340] : memref<13x128x32xf32, #tpu.memory_space<vmem>> -> memref<1x128x32xf32, #tpu.memory_space<vmem>>
    %dma_wait3A_342 = tpu.memref_squeeze %dma_wait3A_341 : memref<1x128x32xf32, #tpu.memory_space<vmem>> -> memref<128x32xf32, #tpu.memory_space<vmem>>
    %dma_wait3A_343 = arith.constant 0 : i32
    %dma_wait3A_344 = arith.constant 0 : i32
    %dma_wait3A_345 = tpu.memref_slice %arg2[%dma_wait3A_343, %dma_wait3A_344] : memref<10240x32xf32, #tpu.memory_space<hbm>> -> memref<128x32xf32, #tpu.memory_space<hbm>>
    %dma_wait3A_346 = arith.constant 0 : i32
    %dma_wait3A_347 = arith.constant 0 : i32
    %dma_wait3A_348 = tpu.memref_slice %arg7[%dma_wait3A_338, %dma_wait3A_346, %dma_wait3A_347] : memref<13x128x32xf32, #tpu.memory_space<vmem>> -> memref<1x128x32xf32, #tpu.memory_space<vmem>>
    %dma_wait3A_349 = tpu.memref_squeeze %dma_wait3A_348 : memref<1x128x32xf32, #tpu.memory_space<vmem>> -> memref<128x32xf32, #tpu.memory_space<vmem>>
    %dma_wait3A_350 = arith.constant 0 : i32
    %dma_wait3A_351 = arith.constant 0 : i32
    %dma_wait3A_352 = tpu.memref_slice %arg2[%dma_wait3A_350, %dma_wait3A_351] : memref<10240x32xf32, #tpu.memory_space<hbm>> -> memref<128x32xf32, #tpu.memory_space<hbm>>
    tpu.wait_dma2 semaphore(%arg16 : memref<!tpu.dma_semaphore, #tpu.memory_space<semaphore_mem>>) src(%dma_wait3A_352 : memref<128x32xf32, #tpu.memory_space<hbm>>) dst(%dma_wait3A_349 : memref<128x32xf32, #tpu.memory_space<vmem>>)
    %dma_start3A_353 = arith.constant 6 : i32
    %dma_start3A_354 = arith.constant 71 : i32
    %dma_start3A_355 = arith.constant 0 : i32
    %dma_start3A_356 = arith.constant 0 : i32
    %dma_start3A_357 = tpu.memref_slice %arg7[%dma_start3A_353, %dma_start3A_355, %dma_start3A_356] : memref<13x128x32xf32, #tpu.memory_space<vmem>> -> memref<1x128x32xf32, #tpu.memory_space<vmem>>
    %dma_start3A_358 = tpu.memref_squeeze %dma_start3A_357 : memref<1x128x32xf32, #tpu.memory_space<vmem>> -> memref<128x32xf32, #tpu.memory_space<vmem>>
    %dma_start3A_359 = arith.constant 0 : i32
    %dma_start3A_360 = tpu.memref_slice %arg6[%dma_start3A_354, %dma_start3A_359] : memref<79x128xi32, #tpu.memory_space<vmem>> -> memref<1x128xi32, #tpu.memory_space<vmem>>
    %dma_start3A_361 = tpu.memref_squeeze %dma_start3A_360 : memref<1x128xi32, #tpu.memory_space<vmem>> -> memref<128xi32, #tpu.memory_space<vmem>>
    %dma_start3A_362 = arith.constant 0 : i32
    %dma_start3A_363 = arith.constant 0 : i32
    %dma_start3A_364 = tpu.memref_slice %arg9[%dma_start3A_362, %dma_start3A_363] : memref<10000x32xf32, #tpu.memory_space<vmem_shared>> -> memref<10000x32xf32, #tpu.memory_space<vmem_shared>>
    tpu.enqueue_indirect_dma source(%dma_start3A_358 : memref<128x32xf32, #tpu.memory_space<vmem>>) target(%dma_start3A_364 : memref<10000x32xf32, #tpu.memory_space<vmem_shared>>) offsets(%dma_start3A_361 : memref<128xi32, #tpu.memory_space<vmem>>) semaphore(%arg29 : memref<!tpu.dma_semaphore, #tpu.memory_space<semaphore_mem>>) {add = true}
    %dma_wait3A_365 = arith.constant 0 : i32
    %dma_wait3A_366 = arith.constant 0 : i32
    %dma_wait3A_367 = arith.constant 0 : i32
    %dma_wait3A_368 = tpu.memref_slice %arg7[%dma_wait3A_365, %dma_wait3A_366, %dma_wait3A_367] : memref<13x128x32xf32, #tpu.memory_space<vmem>> -> memref<1x128x32xf32, #tpu.memory_space<vmem>>
    %dma_wait3A_369 = tpu.memref_squeeze %dma_wait3A_368 : memref<1x128x32xf32, #tpu.memory_space<vmem>> -> memref<128x32xf32, #tpu.memory_space<vmem>>
    %dma_wait3A_370 = arith.constant 0 : i32
    %dma_wait3A_371 = arith.constant 0 : i32
    %dma_wait3A_372 = tpu.memref_slice %arg2[%dma_wait3A_370, %dma_wait3A_371] : memref<10240x32xf32, #tpu.memory_space<hbm>> -> memref<128x32xf32, #tpu.memory_space<hbm>>
    %dma_wait3A_373 = arith.constant 0 : i32
    %dma_wait3A_374 = arith.constant 0 : i32
    %dma_wait3A_375 = tpu.memref_slice %arg7[%dma_wait3A_365, %dma_wait3A_373, %dma_wait3A_374] : memref<13x128x32xf32, #tpu.memory_space<vmem>> -> memref<1x128x32xf32, #tpu.memory_space<vmem>>
    %dma_wait3A_376 = tpu.memref_squeeze %dma_wait3A_375 : memref<1x128x32xf32, #tpu.memory_space<vmem>> -> memref<128x32xf32, #tpu.memory_space<vmem>>
    %dma_wait3A_377 = arith.constant 0 : i32
    %dma_wait3A_378 = arith.constant 0 : i32
    %dma_wait3A_379 = tpu.memref_slice %arg2[%dma_wait3A_377, %dma_wait3A_378] : memref<10240x32xf32, #tpu.memory_space<hbm>> -> memref<128x32xf32, #tpu.memory_space<hbm>>
    tpu.wait_dma2 semaphore(%arg17 : memref<!tpu.dma_semaphore, #tpu.memory_space<semaphore_mem>>) src(%dma_wait3A_379 : memref<128x32xf32, #tpu.memory_space<hbm>>) dst(%dma_wait3A_376 : memref<128x32xf32, #tpu.memory_space<vmem>>)
    %dma_start3A_380 = arith.constant 7 : i32
    %dma_start3A_381 = arith.constant 72 : i32
    %dma_start3A_382 = arith.constant 0 : i32
    %dma_start3A_383 = arith.constant 0 : i32
    %dma_start3A_384 = tpu.memref_slice %arg7[%dma_start3A_380, %dma_start3A_382, %dma_start3A_383] : memref<13x128x32xf32, #tpu.memory_space<vmem>> -> memref<1x128x32xf32, #tpu.memory_space<vmem>>
    %dma_start3A_385 = tpu.memref_squeeze %dma_start3A_384 : memref<1x128x32xf32, #tpu.memory_space<vmem>> -> memref<128x32xf32, #tpu.memory_space<vmem>>
    %dma_start3A_386 = arith.constant 0 : i32
    %dma_start3A_387 = tpu.memref_slice %arg6[%dma_start3A_381, %dma_start3A_386] : memref<79x128xi32, #tpu.memory_space<vmem>> -> memref<1x128xi32, #tpu.memory_space<vmem>>
    %dma_start3A_388 = tpu.memref_squeeze %dma_start3A_387 : memref<1x128xi32, #tpu.memory_space<vmem>> -> memref<128xi32, #tpu.memory_space<vmem>>
    %dma_start3A_389 = arith.constant 0 : i32
    %dma_start3A_390 = arith.constant 0 : i32
    %dma_start3A_391 = tpu.memref_slice %arg9[%dma_start3A_389, %dma_start3A_390] : memref<10000x32xf32, #tpu.memory_space<vmem_shared>> -> memref<10000x32xf32, #tpu.memory_space<vmem_shared>>
    tpu.enqueue_indirect_dma source(%dma_start3A_385 : memref<128x32xf32, #tpu.memory_space<vmem>>) target(%dma_start3A_391 : memref<10000x32xf32, #tpu.memory_space<vmem_shared>>) offsets(%dma_start3A_388 : memref<128xi32, #tpu.memory_space<vmem>>) semaphore(%arg30 : memref<!tpu.dma_semaphore, #tpu.memory_space<semaphore_mem>>) {add = true}
    %dma_wait3A_392 = arith.constant 0 : i32
    %dma_wait3A_393 = arith.constant 0 : i32
    %dma_wait3A_394 = arith.constant 0 : i32
    %dma_wait3A_395 = tpu.memref_slice %arg7[%dma_wait3A_392, %dma_wait3A_393, %dma_wait3A_394] : memref<13x128x32xf32, #tpu.memory_space<vmem>> -> memref<1x128x32xf32, #tpu.memory_space<vmem>>
    %dma_wait3A_396 = tpu.memref_squeeze %dma_wait3A_395 : memref<1x128x32xf32, #tpu.memory_space<vmem>> -> memref<128x32xf32, #tpu.memory_space<vmem>>
    %dma_wait3A_397 = arith.constant 0 : i32
    %dma_wait3A_398 = arith.constant 0 : i32
    %dma_wait3A_399 = tpu.memref_slice %arg2[%dma_wait3A_397, %dma_wait3A_398] : memref<10240x32xf32, #tpu.memory_space<hbm>> -> memref<128x32xf32, #tpu.memory_space<hbm>>
    %dma_wait3A_400 = arith.constant 0 : i32
    %dma_wait3A_401 = arith.constant 0 : i32
    %dma_wait3A_402 = tpu.memref_slice %arg7[%dma_wait3A_392, %dma_wait3A_400, %dma_wait3A_401] : memref<13x128x32xf32, #tpu.memory_space<vmem>> -> memref<1x128x32xf32, #tpu.memory_space<vmem>>
    %dma_wait3A_403 = tpu.memref_squeeze %dma_wait3A_402 : memref<1x128x32xf32, #tpu.memory_space<vmem>> -> memref<128x32xf32, #tpu.memory_space<vmem>>
    %dma_wait3A_404 = arith.constant 0 : i32
    %dma_wait3A_405 = arith.constant 0 : i32
    %dma_wait3A_406 = tpu.memref_slice %arg2[%dma_wait3A_404, %dma_wait3A_405] : memref<10240x32xf32, #tpu.memory_space<hbm>> -> memref<128x32xf32, #tpu.memory_space<hbm>>
    tpu.wait_dma2 semaphore(%arg18 : memref<!tpu.dma_semaphore, #tpu.memory_space<semaphore_mem>>) src(%dma_wait3A_406 : memref<128x32xf32, #tpu.memory_space<hbm>>) dst(%dma_wait3A_403 : memref<128x32xf32, #tpu.memory_space<vmem>>)
    %dma_start3A_407 = arith.constant 8 : i32
    %dma_start3A_408 = arith.constant 73 : i32
    %dma_start3A_409 = arith.constant 0 : i32
    %dma_start3A_410 = arith.constant 0 : i32
    %dma_start3A_411 = tpu.memref_slice %arg7[%dma_start3A_407, %dma_start3A_409, %dma_start3A_410] : memref<13x128x32xf32, #tpu.memory_space<vmem>> -> memref<1x128x32xf32, #tpu.memory_space<vmem>>
    %dma_start3A_412 = tpu.memref_squeeze %dma_start3A_411 : memref<1x128x32xf32, #tpu.memory_space<vmem>> -> memref<128x32xf32, #tpu.memory_space<vmem>>
    %dma_start3A_413 = arith.constant 0 : i32
    %dma_start3A_414 = tpu.memref_slice %arg6[%dma_start3A_408, %dma_start3A_413] : memref<79x128xi32, #tpu.memory_space<vmem>> -> memref<1x128xi32, #tpu.memory_space<vmem>>
    %dma_start3A_415 = tpu.memref_squeeze %dma_start3A_414 : memref<1x128xi32, #tpu.memory_space<vmem>> -> memref<128xi32, #tpu.memory_space<vmem>>
    %dma_start3A_416 = arith.constant 0 : i32
    %dma_start3A_417 = arith.constant 0 : i32
    %dma_start3A_418 = tpu.memref_slice %arg9[%dma_start3A_416, %dma_start3A_417] : memref<10000x32xf32, #tpu.memory_space<vmem_shared>> -> memref<10000x32xf32, #tpu.memory_space<vmem_shared>>
    tpu.enqueue_indirect_dma source(%dma_start3A_412 : memref<128x32xf32, #tpu.memory_space<vmem>>) target(%dma_start3A_418 : memref<10000x32xf32, #tpu.memory_space<vmem_shared>>) offsets(%dma_start3A_415 : memref<128xi32, #tpu.memory_space<vmem>>) semaphore(%arg31 : memref<!tpu.dma_semaphore, #tpu.memory_space<semaphore_mem>>) {add = true}
    %dma_wait3A_419 = arith.constant 0 : i32
    %dma_wait3A_420 = arith.constant 0 : i32
    %dma_wait3A_421 = arith.constant 0 : i32
    %dma_wait3A_422 = tpu.memref_slice %arg7[%dma_wait3A_419, %dma_wait3A_420, %dma_wait3A_421] : memref<13x128x32xf32, #tpu.memory_space<vmem>> -> memref<1x128x32xf32, #tpu.memory_space<vmem>>
    %dma_wait3A_423 = tpu.memref_squeeze %dma_wait3A_422 : memref<1x128x32xf32, #tpu.memory_space<vmem>> -> memref<128x32xf32, #tpu.memory_space<vmem>>
    %dma_wait3A_424 = arith.constant 0 : i32
    %dma_wait3A_425 = arith.constant 0 : i32
    %dma_wait3A_426 = tpu.memref_slice %arg2[%dma_wait3A_424, %dma_wait3A_425] : memref<10240x32xf32, #tpu.memory_space<hbm>> -> memref<128x32xf32, #tpu.memory_space<hbm>>
    %dma_wait3A_427 = arith.constant 0 : i32
    %dma_wait3A_428 = arith.constant 0 : i32
    %dma_wait3A_429 = tpu.memref_slice %arg7[%dma_wait3A_419, %dma_wait3A_427, %dma_wait3A_428] : memref<13x128x32xf32, #tpu.memory_space<vmem>> -> memref<1x128x32xf32, #tpu.memory_space<vmem>>
    %dma_wait3A_430 = tpu.memref_squeeze %dma_wait3A_429 : memref<1x128x32xf32, #tpu.memory_space<vmem>> -> memref<128x32xf32, #tpu.memory_space<vmem>>
    %dma_wait3A_431 = arith.constant 0 : i32
    %dma_wait3A_432 = arith.constant 0 : i32
    %dma_wait3A_433 = tpu.memref_slice %arg2[%dma_wait3A_431, %dma_wait3A_432] : memref<10240x32xf32, #tpu.memory_space<hbm>> -> memref<128x32xf32, #tpu.memory_space<hbm>>
    tpu.wait_dma2 semaphore(%arg19 : memref<!tpu.dma_semaphore, #tpu.memory_space<semaphore_mem>>) src(%dma_wait3A_433 : memref<128x32xf32, #tpu.memory_space<hbm>>) dst(%dma_wait3A_430 : memref<128x32xf32, #tpu.memory_space<vmem>>)
    %dma_start3A_434 = arith.constant 9 : i32
    %dma_start3A_435 = arith.constant 74 : i32
    %dma_start3A_436 = arith.constant 0 : i32
    %dma_start3A_437 = arith.constant 0 : i32
    %dma_start3A_438 = tpu.memref_slice %arg7[%dma_start3A_434, %dma_start3A_436, %dma_start3A_437] : memref<13x128x32xf32, #tpu.memory_space<vmem>> -> memref<1x128x32xf32, #tpu.memory_space<vmem>>
    %dma_start3A_439 = tpu.memref_squeeze %dma_start3A_438 : memref<1x128x32xf32, #tpu.memory_space<vmem>> -> memref<128x32xf32, #tpu.memory_space<vmem>>
    %dma_start3A_440 = arith.constant 0 : i32
    %dma_start3A_441 = tpu.memref_slice %arg6[%dma_start3A_435, %dma_start3A_440] : memref<79x128xi32, #tpu.memory_space<vmem>> -> memref<1x128xi32, #tpu.memory_space<vmem>>
    %dma_start3A_442 = tpu.memref_squeeze %dma_start3A_441 : memref<1x128xi32, #tpu.memory_space<vmem>> -> memref<128xi32, #tpu.memory_space<vmem>>
    %dma_start3A_443 = arith.constant 0 : i32
    %dma_start3A_444 = arith.constant 0 : i32
    %dma_start3A_445 = tpu.memref_slice %arg9[%dma_start3A_443, %dma_start3A_444] : memref<10000x32xf32, #tpu.memory_space<vmem_shared>> -> memref<10000x32xf32, #tpu.memory_space<vmem_shared>>
    tpu.enqueue_indirect_dma source(%dma_start3A_439 : memref<128x32xf32, #tpu.memory_space<vmem>>) target(%dma_start3A_445 : memref<10000x32xf32, #tpu.memory_space<vmem_shared>>) offsets(%dma_start3A_442 : memref<128xi32, #tpu.memory_space<vmem>>) semaphore(%arg32 : memref<!tpu.dma_semaphore, #tpu.memory_space<semaphore_mem>>) {add = true}
    %dma_wait3A_446 = arith.constant 0 : i32
    %dma_wait3A_447 = arith.constant 0 : i32
    %dma_wait3A_448 = arith.constant 0 : i32
    %dma_wait3A_449 = tpu.memref_slice %arg7[%dma_wait3A_446, %dma_wait3A_447, %dma_wait3A_448] : memref<13x128x32xf32, #tpu.memory_space<vmem>> -> memref<1x128x32xf32, #tpu.memory_space<vmem>>
    %dma_wait3A_450 = tpu.memref_squeeze %dma_wait3A_449 : memref<1x128x32xf32, #tpu.memory_space<vmem>> -> memref<128x32xf32, #tpu.memory_space<vmem>>
    %dma_wait3A_451 = arith.constant 0 : i32
    %dma_wait3A_452 = arith.constant 0 : i32
    %dma_wait3A_453 = tpu.memref_slice %arg2[%dma_wait3A_451, %dma_wait3A_452] : memref<10240x32xf32, #tpu.memory_space<hbm>> -> memref<128x32xf32, #tpu.memory_space<hbm>>
    %dma_wait3A_454 = arith.constant 0 : i32
    %dma_wait3A_455 = arith.constant 0 : i32
    %dma_wait3A_456 = tpu.memref_slice %arg7[%dma_wait3A_446, %dma_wait3A_454, %dma_wait3A_455] : memref<13x128x32xf32, #tpu.memory_space<vmem>> -> memref<1x128x32xf32, #tpu.memory_space<vmem>>
    %dma_wait3A_457 = tpu.memref_squeeze %dma_wait3A_456 : memref<1x128x32xf32, #tpu.memory_space<vmem>> -> memref<128x32xf32, #tpu.memory_space<vmem>>
    %dma_wait3A_458 = arith.constant 0 : i32
    %dma_wait3A_459 = arith.constant 0 : i32
    %dma_wait3A_460 = tpu.memref_slice %arg2[%dma_wait3A_458, %dma_wait3A_459] : memref<10240x32xf32, #tpu.memory_space<hbm>> -> memref<128x32xf32, #tpu.memory_space<hbm>>
    tpu.wait_dma2 semaphore(%arg20 : memref<!tpu.dma_semaphore, #tpu.memory_space<semaphore_mem>>) src(%dma_wait3A_460 : memref<128x32xf32, #tpu.memory_space<hbm>>) dst(%dma_wait3A_457 : memref<128x32xf32, #tpu.memory_space<vmem>>)
    %dma_start3A_461 = arith.constant 10 : i32
    %dma_start3A_462 = arith.constant 75 : i32
    %dma_start3A_463 = arith.constant 0 : i32
    %dma_start3A_464 = arith.constant 0 : i32
    %dma_start3A_465 = tpu.memref_slice %arg7[%dma_start3A_461, %dma_start3A_463, %dma_start3A_464] : memref<13x128x32xf32, #tpu.memory_space<vmem>> -> memref<1x128x32xf32, #tpu.memory_space<vmem>>
    %dma_start3A_466 = tpu.memref_squeeze %dma_start3A_465 : memref<1x128x32xf32, #tpu.memory_space<vmem>> -> memref<128x32xf32, #tpu.memory_space<vmem>>
    %dma_start3A_467 = arith.constant 0 : i32
    %dma_start3A_468 = tpu.memref_slice %arg6[%dma_start3A_462, %dma_start3A_467] : memref<79x128xi32, #tpu.memory_space<vmem>> -> memref<1x128xi32, #tpu.memory_space<vmem>>
    %dma_start3A_469 = tpu.memref_squeeze %dma_start3A_468 : memref<1x128xi32, #tpu.memory_space<vmem>> -> memref<128xi32, #tpu.memory_space<vmem>>
    %dma_start3A_470 = arith.constant 0 : i32
    %dma_start3A_471 = arith.constant 0 : i32
    %dma_start3A_472 = tpu.memref_slice %arg9[%dma_start3A_470, %dma_start3A_471] : memref<10000x32xf32, #tpu.memory_space<vmem_shared>> -> memref<10000x32xf32, #tpu.memory_space<vmem_shared>>
    tpu.enqueue_indirect_dma source(%dma_start3A_466 : memref<128x32xf32, #tpu.memory_space<vmem>>) target(%dma_start3A_472 : memref<10000x32xf32, #tpu.memory_space<vmem_shared>>) offsets(%dma_start3A_469 : memref<128xi32, #tpu.memory_space<vmem>>) semaphore(%arg33 : memref<!tpu.dma_semaphore, #tpu.memory_space<semaphore_mem>>) {add = true}
    %dma_wait3A_473 = arith.constant 0 : i32
    %dma_wait3A_474 = arith.constant 0 : i32
    %dma_wait3A_475 = arith.constant 0 : i32
    %dma_wait3A_476 = tpu.memref_slice %arg7[%dma_wait3A_473, %dma_wait3A_474, %dma_wait3A_475] : memref<13x128x32xf32, #tpu.memory_space<vmem>> -> memref<1x128x32xf32, #tpu.memory_space<vmem>>
    %dma_wait3A_477 = tpu.memref_squeeze %dma_wait3A_476 : memref<1x128x32xf32, #tpu.memory_space<vmem>> -> memref<128x32xf32, #tpu.memory_space<vmem>>
    %dma_wait3A_478 = arith.constant 0 : i32
    %dma_wait3A_479 = arith.constant 0 : i32
    %dma_wait3A_480 = tpu.memref_slice %arg2[%dma_wait3A_478, %dma_wait3A_479] : memref<10240x32xf32, #tpu.memory_space<hbm>> -> memref<128x32xf32, #tpu.memory_space<hbm>>
    %dma_wait3A_481 = arith.constant 0 : i32
    %dma_wait3A_482 = arith.constant 0 : i32
    %dma_wait3A_483 = tpu.memref_slice %arg7[%dma_wait3A_473, %dma_wait3A_481, %dma_wait3A_482] : memref<13x128x32xf32, #tpu.memory_space<vmem>> -> memref<1x128x32xf32, #tpu.memory_space<vmem>>
    %dma_wait3A_484 = tpu.memref_squeeze %dma_wait3A_483 : memref<1x128x32xf32, #tpu.memory_space<vmem>> -> memref<128x32xf32, #tpu.memory_space<vmem>>
    %dma_wait3A_485 = arith.constant 0 : i32
    %dma_wait3A_486 = arith.constant 0 : i32
    %dma_wait3A_487 = tpu.memref_slice %arg2[%dma_wait3A_485, %dma_wait3A_486] : memref<10240x32xf32, #tpu.memory_space<hbm>> -> memref<128x32xf32, #tpu.memory_space<hbm>>
    tpu.wait_dma2 semaphore(%arg21 : memref<!tpu.dma_semaphore, #tpu.memory_space<semaphore_mem>>) src(%dma_wait3A_487 : memref<128x32xf32, #tpu.memory_space<hbm>>) dst(%dma_wait3A_484 : memref<128x32xf32, #tpu.memory_space<vmem>>)
    %dma_start3A_488 = arith.constant 11 : i32
    %dma_start3A_489 = arith.constant 76 : i32
    %dma_start3A_490 = arith.constant 0 : i32
    %dma_start3A_491 = arith.constant 0 : i32
    %dma_start3A_492 = tpu.memref_slice %arg7[%dma_start3A_488, %dma_start3A_490, %dma_start3A_491] : memref<13x128x32xf32, #tpu.memory_space<vmem>> -> memref<1x128x32xf32, #tpu.memory_space<vmem>>
    %dma_start3A_493 = tpu.memref_squeeze %dma_start3A_492 : memref<1x128x32xf32, #tpu.memory_space<vmem>> -> memref<128x32xf32, #tpu.memory_space<vmem>>
    %dma_start3A_494 = arith.constant 0 : i32
    %dma_start3A_495 = tpu.memref_slice %arg6[%dma_start3A_489, %dma_start3A_494] : memref<79x128xi32, #tpu.memory_space<vmem>> -> memref<1x128xi32, #tpu.memory_space<vmem>>
    %dma_start3A_496 = tpu.memref_squeeze %dma_start3A_495 : memref<1x128xi32, #tpu.memory_space<vmem>> -> memref<128xi32, #tpu.memory_space<vmem>>
    %dma_start3A_497 = arith.constant 0 : i32
    %dma_start3A_498 = arith.constant 0 : i32
    %dma_start3A_499 = tpu.memref_slice %arg9[%dma_start3A_497, %dma_start3A_498] : memref<10000x32xf32, #tpu.memory_space<vmem_shared>> -> memref<10000x32xf32, #tpu.memory_space<vmem_shared>>
    tpu.enqueue_indirect_dma source(%dma_start3A_493 : memref<128x32xf32, #tpu.memory_space<vmem>>) target(%dma_start3A_499 : memref<10000x32xf32, #tpu.memory_space<vmem_shared>>) offsets(%dma_start3A_496 : memref<128xi32, #tpu.memory_space<vmem>>) semaphore(%arg34 : memref<!tpu.dma_semaphore, #tpu.memory_space<semaphore_mem>>) {add = true}
    %dma_wait3A_500 = arith.constant 0 : i32
    %dma_wait3A_501 = arith.constant 0 : i32
    %dma_wait3A_502 = arith.constant 0 : i32
    %dma_wait3A_503 = tpu.memref_slice %arg7[%dma_wait3A_500, %dma_wait3A_501, %dma_wait3A_502] : memref<13x128x32xf32, #tpu.memory_space<vmem>> -> memref<1x128x32xf32, #tpu.memory_space<vmem>>
    %dma_wait3A_504 = tpu.memref_squeeze %dma_wait3A_503 : memref<1x128x32xf32, #tpu.memory_space<vmem>> -> memref<128x32xf32, #tpu.memory_space<vmem>>
    %dma_wait3A_505 = arith.constant 0 : i32
    %dma_wait3A_506 = arith.constant 0 : i32
    %dma_wait3A_507 = tpu.memref_slice %arg2[%dma_wait3A_505, %dma_wait3A_506] : memref<10240x32xf32, #tpu.memory_space<hbm>> -> memref<128x32xf32, #tpu.memory_space<hbm>>
    %dma_wait3A_508 = arith.constant 0 : i32
    %dma_wait3A_509 = arith.constant 0 : i32
    %dma_wait3A_510 = tpu.memref_slice %arg7[%dma_wait3A_500, %dma_wait3A_508, %dma_wait3A_509] : memref<13x128x32xf32, #tpu.memory_space<vmem>> -> memref<1x128x32xf32, #tpu.memory_space<vmem>>
    %dma_wait3A_511 = tpu.memref_squeeze %dma_wait3A_510 : memref<1x128x32xf32, #tpu.memory_space<vmem>> -> memref<128x32xf32, #tpu.memory_space<vmem>>
    %dma_wait3A_512 = arith.constant 0 : i32
    %dma_wait3A_513 = arith.constant 0 : i32
    %dma_wait3A_514 = tpu.memref_slice %arg2[%dma_wait3A_512, %dma_wait3A_513] : memref<10240x32xf32, #tpu.memory_space<hbm>> -> memref<128x32xf32, #tpu.memory_space<hbm>>
    tpu.wait_dma2 semaphore(%arg22 : memref<!tpu.dma_semaphore, #tpu.memory_space<semaphore_mem>>) src(%dma_wait3A_514 : memref<128x32xf32, #tpu.memory_space<hbm>>) dst(%dma_wait3A_511 : memref<128x32xf32, #tpu.memory_space<vmem>>)
    %dma_start3A_515 = arith.constant 12 : i32
    %dma_start3A_516 = arith.constant 77 : i32
    %dma_start3A_517 = arith.constant 0 : i32
    %dma_start3A_518 = arith.constant 0 : i32
    %dma_start3A_519 = tpu.memref_slice %arg7[%dma_start3A_515, %dma_start3A_517, %dma_start3A_518] : memref<13x128x32xf32, #tpu.memory_space<vmem>> -> memref<1x128x32xf32, #tpu.memory_space<vmem>>
    %dma_start3A_520 = tpu.memref_squeeze %dma_start3A_519 : memref<1x128x32xf32, #tpu.memory_space<vmem>> -> memref<128x32xf32, #tpu.memory_space<vmem>>
    %dma_start3A_521 = arith.constant 0 : i32
    %dma_start3A_522 = tpu.memref_slice %arg6[%dma_start3A_516, %dma_start3A_521] : memref<79x128xi32, #tpu.memory_space<vmem>> -> memref<1x128xi32, #tpu.memory_space<vmem>>
    %dma_start3A_523 = tpu.memref_squeeze %dma_start3A_522 : memref<1x128xi32, #tpu.memory_space<vmem>> -> memref<128xi32, #tpu.memory_space<vmem>>
    %dma_start3A_524 = arith.constant 0 : i32
    %dma_start3A_525 = arith.constant 0 : i32
    %dma_start3A_526 = tpu.memref_slice %arg9[%dma_start3A_524, %dma_start3A_525] : memref<10000x32xf32, #tpu.memory_space<vmem_shared>> -> memref<10000x32xf32, #tpu.memory_space<vmem_shared>>
    tpu.enqueue_indirect_dma source(%dma_start3A_520 : memref<128x32xf32, #tpu.memory_space<vmem>>) target(%dma_start3A_526 : memref<10000x32xf32, #tpu.memory_space<vmem_shared>>) offsets(%dma_start3A_523 : memref<128xi32, #tpu.memory_space<vmem>>) semaphore(%arg35 : memref<!tpu.dma_semaphore, #tpu.memory_space<semaphore_mem>>) {add = true}
    %lt3A_527 = arith.constant 4 : i32
    %lt3A_528 = arith.cmpi slt, %add3A, %lt3A_527 : i32
    %convert_element_type3A_529 = arith.extui %lt3A_528 : i1 to i32
    %cond3A_530 = arith.constant 0 : i32
    %cond3A_531 = arith.cmpi ne, %convert_element_type3A_529, %cond3A_530 : i32
    scf.if %cond3A_531 {
      %dma_wait3A_728 = arith.constant 0 : i32
      %dma_wait3A_729 = arith.constant 0 : i32
      %dma_wait3A_730 = arith.constant 0 : i32
      %dma_wait3A_731 = tpu.memref_slice %arg7[%dma_wait3A_728, %dma_wait3A_729, %dma_wait3A_730] : memref<13x128x32xf32, #tpu.memory_space<vmem>> -> memref<1x128x32xf32, #tpu.memory_space<vmem>>
      %dma_wait3A_732 = tpu.memref_squeeze %dma_wait3A_731 : memref<1x128x32xf32, #tpu.memory_space<vmem>> -> memref<128x32xf32, #tpu.memory_space<vmem>>
      %dma_wait3A_733 = arith.constant 0 : i32
      %dma_wait3A_734 = arith.constant 0 : i32
      %dma_wait3A_735 = tpu.memref_slice %arg2[%dma_wait3A_733, %dma_wait3A_734] : memref<10240x32xf32, #tpu.memory_space<hbm>> -> memref<128x32xf32, #tpu.memory_space<hbm>>
      %dma_wait3A_736 = arith.constant 0 : i32
      %dma_wait3A_737 = arith.constant 0 : i32
      %dma_wait3A_738 = tpu.memref_slice %arg7[%dma_wait3A_728, %dma_wait3A_736, %dma_wait3A_737] : memref<13x128x32xf32, #tpu.memory_space<vmem>> -> memref<1x128x32xf32, #tpu.memory_space<vmem>>
      %dma_wait3A_739 = tpu.memref_squeeze %dma_wait3A_738 : memref<1x128x32xf32, #tpu.memory_space<vmem>> -> memref<128x32xf32, #tpu.memory_space<vmem>>
      %dma_wait3A_740 = arith.constant 0 : i32
      %dma_wait3A_741 = arith.constant 0 : i32
      %dma_wait3A_742 = tpu.memref_slice %arg2[%dma_wait3A_740, %dma_wait3A_741] : memref<10240x32xf32, #tpu.memory_space<hbm>> -> memref<128x32xf32, #tpu.memory_space<hbm>>
      tpu.wait_dma2 semaphore(%arg23 : memref<!tpu.dma_semaphore, #tpu.memory_space<semaphore_mem>>) src(%dma_wait3A_742 : memref<128x32xf32, #tpu.memory_space<hbm>>) dst(%dma_wait3A_739 : memref<128x32xf32, #tpu.memory_space<vmem>>)
      %dma_start3A_743 = arith.constant 78 : i32
      %dma_start3A_744 = arith.constant 0 : i32
      %dma_start3A_745 = arith.constant 0 : i32
      %dma_start3A_746 = arith.constant 0 : i32
      %dma_start3A_747 = tpu.memref_slice %arg7[%dma_start3A_744, %dma_start3A_745, %dma_start3A_746] : memref<13x128x32xf32, #tpu.memory_space<vmem>> -> memref<1x128x32xf32, #tpu.memory_space<vmem>>
      %dma_start3A_748 = tpu.memref_squeeze %dma_start3A_747 : memref<1x128x32xf32, #tpu.memory_space<vmem>> -> memref<128x32xf32, #tpu.memory_space<vmem>>
      %dma_start3A_749 = arith.constant 0 : i32
      %dma_start3A_750 = tpu.memref_slice %arg5[%dma_start3A_743, %dma_start3A_749] : memref<79x128xi32, #tpu.memory_space<vmem>> -> memref<1x128xi32, #tpu.memory_space<vmem>>
      %dma_start3A_751 = tpu.memref_squeeze %dma_start3A_750 : memref<1x128xi32, #tpu.memory_space<vmem>> -> memref<128xi32, #tpu.memory_space<vmem>>
      %dma_start3A_752 = arith.constant 0 : i32
      %dma_start3A_753 = arith.constant 0 : i32
      %dma_start3A_754 = tpu.memref_slice %arg2[%dma_start3A_752, %dma_start3A_753] : memref<10240x32xf32, #tpu.memory_space<hbm>> -> memref<10240x32xf32, #tpu.memory_space<hbm>>
      tpu.enqueue_indirect_dma source(%dma_start3A_754 : memref<10240x32xf32, #tpu.memory_space<hbm>>) target(%dma_start3A_748 : memref<128x32xf32, #tpu.memory_space<vmem>>) offsets(%dma_start3A_751 : memref<128xi32, #tpu.memory_space<vmem>>) semaphore(%arg10 : memref<!tpu.dma_semaphore, #tpu.memory_space<semaphore_mem>>)
      %dma_wait3A_755 = arith.constant 0 : i32
      %dma_wait3A_756 = arith.constant 0 : i32
      %dma_wait3A_757 = arith.constant 0 : i32
      %dma_wait3A_758 = tpu.memref_slice %arg7[%dma_wait3A_755, %dma_wait3A_756, %dma_wait3A_757] : memref<13x128x32xf32, #tpu.memory_space<vmem>> -> memref<1x128x32xf32, #tpu.memory_space<vmem>>
      %dma_wait3A_759 = tpu.memref_squeeze %dma_wait3A_758 : memref<1x128x32xf32, #tpu.memory_space<vmem>> -> memref<128x32xf32, #tpu.memory_space<vmem>>
      %dma_wait3A_760 = arith.constant 0 : i32
      %dma_wait3A_761 = arith.constant 0 : i32
      %dma_wait3A_762 = tpu.memref_slice %arg2[%dma_wait3A_760, %dma_wait3A_761] : memref<10240x32xf32, #tpu.memory_space<hbm>> -> memref<128x32xf32, #tpu.memory_space<hbm>>
      %dma_wait3A_763 = arith.constant 0 : i32
      %dma_wait3A_764 = arith.constant 0 : i32
      %dma_wait3A_765 = tpu.memref_slice %arg7[%dma_wait3A_755, %dma_wait3A_763, %dma_wait3A_764] : memref<13x128x32xf32, #tpu.memory_space<vmem>> -> memref<1x128x32xf32, #tpu.memory_space<vmem>>
      %dma_wait3A_766 = tpu.memref_squeeze %dma_wait3A_765 : memref<1x128x32xf32, #tpu.memory_space<vmem>> -> memref<128x32xf32, #tpu.memory_space<vmem>>
      %dma_wait3A_767 = arith.constant 0 : i32
      %dma_wait3A_768 = arith.constant 0 : i32
      %dma_wait3A_769 = tpu.memref_slice %arg2[%dma_wait3A_767, %dma_wait3A_768] : memref<10240x32xf32, #tpu.memory_space<hbm>> -> memref<128x32xf32, #tpu.memory_space<hbm>>
      tpu.wait_dma2 semaphore(%arg10 : memref<!tpu.dma_semaphore, #tpu.memory_space<semaphore_mem>>) src(%dma_wait3A_769 : memref<128x32xf32, #tpu.memory_space<hbm>>) dst(%dma_wait3A_766 : memref<128x32xf32, #tpu.memory_space<vmem>>)
      %dma_start3A_770 = arith.constant 0 : i32
      %dma_start3A_771 = arith.constant 78 : i32
      %dma_start3A_772 = arith.constant 0 : i32
      %dma_start3A_773 = arith.constant 0 : i32
      %dma_start3A_774 = tpu.memref_slice %arg7[%dma_start3A_770, %dma_start3A_772, %dma_start3A_773] : memref<13x128x32xf32, #tpu.memory_space<vmem>> -> memref<1x128x32xf32, #tpu.memory_space<vmem>>
      %dma_start3A_775 = tpu.memref_squeeze %dma_start3A_774 : memref<1x128x32xf32, #tpu.memory_space<vmem>> -> memref<128x32xf32, #tpu.memory_space<vmem>>
      %dma_start3A_776 = arith.constant 0 : i32
      %dma_start3A_777 = tpu.memref_slice %arg6[%dma_start3A_771, %dma_start3A_776] : memref<79x128xi32, #tpu.memory_space<vmem>> -> memref<1x128xi32, #tpu.memory_space<vmem>>
      %dma_start3A_778 = tpu.memref_squeeze %dma_start3A_777 : memref<1x128xi32, #tpu.memory_space<vmem>> -> memref<128xi32, #tpu.memory_space<vmem>>
      %dma_start3A_779 = arith.constant 0 : i32
      %dma_start3A_780 = arith.constant 0 : i32
      %dma_start3A_781 = tpu.memref_slice %arg9[%dma_start3A_779, %dma_start3A_780] : memref<10000x32xf32, #tpu.memory_space<vmem_shared>> -> memref<10000x32xf32, #tpu.memory_space<vmem_shared>>
      tpu.enqueue_indirect_dma source(%dma_start3A_775 : memref<128x32xf32, #tpu.memory_space<vmem>>) target(%dma_start3A_781 : memref<10000x32xf32, #tpu.memory_space<vmem_shared>>) offsets(%dma_start3A_778 : memref<128xi32, #tpu.memory_space<vmem>>) semaphore(%arg23 : memref<!tpu.dma_semaphore, #tpu.memory_space<semaphore_mem>>) {add = true}
    } else {
    }
    %dma_wait3A_532 = arith.constant 0 : i32
    %dma_wait3A_533 = arith.constant 0 : i32
    %dma_wait3A_534 = arith.constant 0 : i32
    %dma_wait3A_535 = tpu.memref_slice %arg7[%dma_wait3A_532, %dma_wait3A_533, %dma_wait3A_534] : memref<13x128x32xf32, #tpu.memory_space<vmem>> -> memref<1x128x32xf32, #tpu.memory_space<vmem>>
    %dma_wait3A_536 = tpu.memref_squeeze %dma_wait3A_535 : memref<1x128x32xf32, #tpu.memory_space<vmem>> -> memref<128x32xf32, #tpu.memory_space<vmem>>
    %dma_wait3A_537 = arith.constant 0 : i32
    %dma_wait3A_538 = arith.constant 0 : i32
    %dma_wait3A_539 = tpu.memref_slice %arg2[%dma_wait3A_537, %dma_wait3A_538] : memref<10240x32xf32, #tpu.memory_space<hbm>> -> memref<128x32xf32, #tpu.memory_space<hbm>>
    %dma_wait3A_540 = arith.constant 0 : i32
    %dma_wait3A_541 = arith.constant 0 : i32
    %dma_wait3A_542 = tpu.memref_slice %arg7[%dma_wait3A_532, %dma_wait3A_540, %dma_wait3A_541] : memref<13x128x32xf32, #tpu.memory_space<vmem>> -> memref<1x128x32xf32, #tpu.memory_space<vmem>>
    %dma_wait3A_543 = tpu.memref_squeeze %dma_wait3A_542 : memref<1x128x32xf32, #tpu.memory_space<vmem>> -> memref<128x32xf32, #tpu.memory_space<vmem>>
    %dma_wait3A_544 = arith.constant 0 : i32
    %dma_wait3A_545 = arith.constant 0 : i32
    %dma_wait3A_546 = tpu.memref_slice %arg2[%dma_wait3A_544, %dma_wait3A_545] : memref<10240x32xf32, #tpu.memory_space<hbm>> -> memref<128x32xf32, #tpu.memory_space<hbm>>
    tpu.wait_dma2 semaphore(%arg23 : memref<!tpu.dma_semaphore, #tpu.memory_space<semaphore_mem>>) src(%dma_wait3A_546 : memref<128x32xf32, #tpu.memory_space<hbm>>) dst(%dma_wait3A_543 : memref<128x32xf32, #tpu.memory_space<vmem>>)
    %dma_wait3A_547 = arith.constant 0 : i32
    %dma_wait3A_548 = arith.constant 0 : i32
    %dma_wait3A_549 = arith.constant 0 : i32
    %dma_wait3A_550 = tpu.memref_slice %arg7[%dma_wait3A_547, %dma_wait3A_548, %dma_wait3A_549] : memref<13x128x32xf32, #tpu.memory_space<vmem>> -> memref<1x128x32xf32, #tpu.memory_space<vmem>>
    %dma_wait3A_551 = tpu.memref_squeeze %dma_wait3A_550 : memref<1x128x32xf32, #tpu.memory_space<vmem>> -> memref<128x32xf32, #tpu.memory_space<vmem>>
    %dma_wait3A_552 = arith.constant 0 : i32
    %dma_wait3A_553 = arith.constant 0 : i32
    %dma_wait3A_554 = tpu.memref_slice %arg2[%dma_wait3A_552, %dma_wait3A_553] : memref<10240x32xf32, #tpu.memory_space<hbm>> -> memref<128x32xf32, #tpu.memory_space<hbm>>
    %dma_wait3A_555 = arith.constant 0 : i32
    %dma_wait3A_556 = arith.constant 0 : i32
    %dma_wait3A_557 = tpu.memref_slice %arg7[%dma_wait3A_547, %dma_wait3A_555, %dma_wait3A_556] : memref<13x128x32xf32, #tpu.memory_space<vmem>> -> memref<1x128x32xf32, #tpu.memory_space<vmem>>
    %dma_wait3A_558 = tpu.memref_squeeze %dma_wait3A_557 : memref<1x128x32xf32, #tpu.memory_space<vmem>> -> memref<128x32xf32, #tpu.memory_space<vmem>>
    %dma_wait3A_559 = arith.constant 0 : i32
    %dma_wait3A_560 = arith.constant 0 : i32
    %dma_wait3A_561 = tpu.memref_slice %arg2[%dma_wait3A_559, %dma_wait3A_560] : memref<10240x32xf32, #tpu.memory_space<hbm>> -> memref<128x32xf32, #tpu.memory_space<hbm>>
    tpu.wait_dma2 semaphore(%arg24 : memref<!tpu.dma_semaphore, #tpu.memory_space<semaphore_mem>>) src(%dma_wait3A_561 : memref<128x32xf32, #tpu.memory_space<hbm>>) dst(%dma_wait3A_558 : memref<128x32xf32, #tpu.memory_space<vmem>>)
    %dma_wait3A_562 = arith.constant 0 : i32
    %dma_wait3A_563 = arith.constant 0 : i32
    %dma_wait3A_564 = arith.constant 0 : i32
    %dma_wait3A_565 = tpu.memref_slice %arg7[%dma_wait3A_562, %dma_wait3A_563, %dma_wait3A_564] : memref<13x128x32xf32, #tpu.memory_space<vmem>> -> memref<1x128x32xf32, #tpu.memory_space<vmem>>
    %dma_wait3A_566 = tpu.memref_squeeze %dma_wait3A_565 : memref<1x128x32xf32, #tpu.memory_space<vmem>> -> memref<128x32xf32, #tpu.memory_space<vmem>>
    %dma_wait3A_567 = arith.constant 0 : i32
    %dma_wait3A_568 = arith.constant 0 : i32
    %dma_wait3A_569 = tpu.memref_slice %arg2[%dma_wait3A_567, %dma_wait3A_568] : memref<10240x32xf32, #tpu.memory_space<hbm>> -> memref<128x32xf32, #tpu.memory_space<hbm>>
    %dma_wait3A_570 = arith.constant 0 : i32
    %dma_wait3A_571 = arith.constant 0 : i32
    %dma_wait3A_572 = tpu.memref_slice %arg7[%dma_wait3A_562, %dma_wait3A_570, %dma_wait3A_571] : memref<13x128x32xf32, #tpu.memory_space<vmem>> -> memref<1x128x32xf32, #tpu.memory_space<vmem>>
    %dma_wait3A_573 = tpu.memref_squeeze %dma_wait3A_572 : memref<1x128x32xf32, #tpu.memory_space<vmem>> -> memref<128x32xf32, #tpu.memory_space<vmem>>
    %dma_wait3A_574 = arith.constant 0 : i32
    %dma_wait3A_575 = arith.constant 0 : i32
    %dma_wait3A_576 = tpu.memref_slice %arg2[%dma_wait3A_574, %dma_wait3A_575] : memref<10240x32xf32, #tpu.memory_space<hbm>> -> memref<128x32xf32, #tpu.memory_space<hbm>>
    tpu.wait_dma2 semaphore(%arg25 : memref<!tpu.dma_semaphore, #tpu.memory_space<semaphore_mem>>) src(%dma_wait3A_576 : memref<128x32xf32, #tpu.memory_space<hbm>>) dst(%dma_wait3A_573 : memref<128x32xf32, #tpu.memory_space<vmem>>)
    %dma_wait3A_577 = arith.constant 0 : i32
    %dma_wait3A_578 = arith.constant 0 : i32
    %dma_wait3A_579 = arith.constant 0 : i32
    %dma_wait3A_580 = tpu.memref_slice %arg7[%dma_wait3A_577, %dma_wait3A_578, %dma_wait3A_579] : memref<13x128x32xf32, #tpu.memory_space<vmem>> -> memref<1x128x32xf32, #tpu.memory_space<vmem>>
    %dma_wait3A_581 = tpu.memref_squeeze %dma_wait3A_580 : memref<1x128x32xf32, #tpu.memory_space<vmem>> -> memref<128x32xf32, #tpu.memory_space<vmem>>
    %dma_wait3A_582 = arith.constant 0 : i32
    %dma_wait3A_583 = arith.constant 0 : i32
    %dma_wait3A_584 = tpu.memref_slice %arg2[%dma_wait3A_582, %dma_wait3A_583] : memref<10240x32xf32, #tpu.memory_space<hbm>> -> memref<128x32xf32, #tpu.memory_space<hbm>>
    %dma_wait3A_585 = arith.constant 0 : i32
    %dma_wait3A_586 = arith.constant 0 : i32
    %dma_wait3A_587 = tpu.memref_slice %arg7[%dma_wait3A_577, %dma_wait3A_585, %dma_wait3A_586] : memref<13x128x32xf32, #tpu.memory_space<vmem>> -> memref<1x128x32xf32, #tpu.memory_space<vmem>>
    %dma_wait3A_588 = tpu.memref_squeeze %dma_wait3A_587 : memref<1x128x32xf32, #tpu.memory_space<vmem>> -> memref<128x32xf32, #tpu.memory_space<vmem>>
    %dma_wait3A_589 = arith.constant 0 : i32
    %dma_wait3A_590 = arith.constant 0 : i32
    %dma_wait3A_591 = tpu.memref_slice %arg2[%dma_wait3A_589, %dma_wait3A_590] : memref<10240x32xf32, #tpu.memory_space<hbm>> -> memref<128x32xf32, #tpu.memory_space<hbm>>
    tpu.wait_dma2 semaphore(%arg26 : memref<!tpu.dma_semaphore, #tpu.memory_space<semaphore_mem>>) src(%dma_wait3A_591 : memref<128x32xf32, #tpu.memory_space<hbm>>) dst(%dma_wait3A_588 : memref<128x32xf32, #tpu.memory_space<vmem>>)
    %dma_wait3A_592 = arith.constant 0 : i32
    %dma_wait3A_593 = arith.constant 0 : i32
    %dma_wait3A_594 = arith.constant 0 : i32
    %dma_wait3A_595 = tpu.memref_slice %arg7[%dma_wait3A_592, %dma_wait3A_593, %dma_wait3A_594] : memref<13x128x32xf32, #tpu.memory_space<vmem>> -> memref<1x128x32xf32, #tpu.memory_space<vmem>>
    %dma_wait3A_596 = tpu.memref_squeeze %dma_wait3A_595 : memref<1x128x32xf32, #tpu.memory_space<vmem>> -> memref<128x32xf32, #tpu.memory_space<vmem>>
    %dma_wait3A_597 = arith.constant 0 : i32
    %dma_wait3A_598 = arith.constant 0 : i32
    %dma_wait3A_599 = tpu.memref_slice %arg2[%dma_wait3A_597, %dma_wait3A_598] : memref<10240x32xf32, #tpu.memory_space<hbm>> -> memref<128x32xf32, #tpu.memory_space<hbm>>
    %dma_wait3A_600 = arith.constant 0 : i32
    %dma_wait3A_601 = arith.constant 0 : i32
    %dma_wait3A_602 = tpu.memref_slice %arg7[%dma_wait3A_592, %dma_wait3A_600, %dma_wait3A_601] : memref<13x128x32xf32, #tpu.memory_space<vmem>> -> memref<1x128x32xf32, #tpu.memory_space<vmem>>
    %dma_wait3A_603 = tpu.memref_squeeze %dma_wait3A_602 : memref<1x128x32xf32, #tpu.memory_space<vmem>> -> memref<128x32xf32, #tpu.memory_space<vmem>>
    %dma_wait3A_604 = arith.constant 0 : i32
    %dma_wait3A_605 = arith.constant 0 : i32
    %dma_wait3A_606 = tpu.memref_slice %arg2[%dma_wait3A_604, %dma_wait3A_605] : memref<10240x32xf32, #tpu.memory_space<hbm>> -> memref<128x32xf32, #tpu.memory_space<hbm>>
    tpu.wait_dma2 semaphore(%arg27 : memref<!tpu.dma_semaphore, #tpu.memory_space<semaphore_mem>>) src(%dma_wait3A_606 : memref<128x32xf32, #tpu.memory_space<hbm>>) dst(%dma_wait3A_603 : memref<128x32xf32, #tpu.memory_space<vmem>>)
    %dma_wait3A_607 = arith.constant 0 : i32
    %dma_wait3A_608 = arith.constant 0 : i32
    %dma_wait3A_609 = arith.constant 0 : i32
    %dma_wait3A_610 = tpu.memref_slice %arg7[%dma_wait3A_607, %dma_wait3A_608, %dma_wait3A_609] : memref<13x128x32xf32, #tpu.memory_space<vmem>> -> memref<1x128x32xf32, #tpu.memory_space<vmem>>
    %dma_wait3A_611 = tpu.memref_squeeze %dma_wait3A_610 : memref<1x128x32xf32, #tpu.memory_space<vmem>> -> memref<128x32xf32, #tpu.memory_space<vmem>>
    %dma_wait3A_612 = arith.constant 0 : i32
    %dma_wait3A_613 = arith.constant 0 : i32
    %dma_wait3A_614 = tpu.memref_slice %arg2[%dma_wait3A_612, %dma_wait3A_613] : memref<10240x32xf32, #tpu.memory_space<hbm>> -> memref<128x32xf32, #tpu.memory_space<hbm>>
    %dma_wait3A_615 = arith.constant 0 : i32
    %dma_wait3A_616 = arith.constant 0 : i32
    %dma_wait3A_617 = tpu.memref_slice %arg7[%dma_wait3A_607, %dma_wait3A_615, %dma_wait3A_616] : memref<13x128x32xf32, #tpu.memory_space<vmem>> -> memref<1x128x32xf32, #tpu.memory_space<vmem>>
    %dma_wait3A_618 = tpu.memref_squeeze %dma_wait3A_617 : memref<1x128x32xf32, #tpu.memory_space<vmem>> -> memref<128x32xf32, #tpu.memory_space<vmem>>
    %dma_wait3A_619 = arith.constant 0 : i32
    %dma_wait3A_620 = arith.constant 0 : i32
    %dma_wait3A_621 = tpu.memref_slice %arg2[%dma_wait3A_619, %dma_wait3A_620] : memref<10240x32xf32, #tpu.memory_space<hbm>> -> memref<128x32xf32, #tpu.memory_space<hbm>>
    tpu.wait_dma2 semaphore(%arg28 : memref<!tpu.dma_semaphore, #tpu.memory_space<semaphore_mem>>) src(%dma_wait3A_621 : memref<128x32xf32, #tpu.memory_space<hbm>>) dst(%dma_wait3A_618 : memref<128x32xf32, #tpu.memory_space<vmem>>)
    %dma_wait3A_622 = arith.constant 0 : i32
    %dma_wait3A_623 = arith.constant 0 : i32
    %dma_wait3A_624 = arith.constant 0 : i32
    %dma_wait3A_625 = tpu.memref_slice %arg7[%dma_wait3A_622, %dma_wait3A_623, %dma_wait3A_624] : memref<13x128x32xf32, #tpu.memory_space<vmem>> -> memref<1x128x32xf32, #tpu.memory_space<vmem>>
    %dma_wait3A_626 = tpu.memref_squeeze %dma_wait3A_625 : memref<1x128x32xf32, #tpu.memory_space<vmem>> -> memref<128x32xf32, #tpu.memory_space<vmem>>
    %dma_wait3A_627 = arith.constant 0 : i32
    %dma_wait3A_628 = arith.constant 0 : i32
    %dma_wait3A_629 = tpu.memref_slice %arg2[%dma_wait3A_627, %dma_wait3A_628] : memref<10240x32xf32, #tpu.memory_space<hbm>> -> memref<128x32xf32, #tpu.memory_space<hbm>>
    %dma_wait3A_630 = arith.constant 0 : i32
    %dma_wait3A_631 = arith.constant 0 : i32
    %dma_wait3A_632 = tpu.memref_slice %arg7[%dma_wait3A_622, %dma_wait3A_630, %dma_wait3A_631] : memref<13x128x32xf32, #tpu.memory_space<vmem>> -> memref<1x128x32xf32, #tpu.memory_space<vmem>>
    %dma_wait3A_633 = tpu.memref_squeeze %dma_wait3A_632 : memref<1x128x32xf32, #tpu.memory_space<vmem>> -> memref<128x32xf32, #tpu.memory_space<vmem>>
    %dma_wait3A_634 = arith.constant 0 : i32
    %dma_wait3A_635 = arith.constant 0 : i32
    %dma_wait3A_636 = tpu.memref_slice %arg2[%dma_wait3A_634, %dma_wait3A_635] : memref<10240x32xf32, #tpu.memory_space<hbm>> -> memref<128x32xf32, #tpu.memory_space<hbm>>
    tpu.wait_dma2 semaphore(%arg29 : memref<!tpu.dma_semaphore, #tpu.memory_space<semaphore_mem>>) src(%dma_wait3A_636 : memref<128x32xf32, #tpu.memory_space<hbm>>) dst(%dma_wait3A_633 : memref<128x32xf32, #tpu.memory_space<vmem>>)
    %dma_wait3A_637 = arith.constant 0 : i32
    %dma_wait3A_638 = arith.constant 0 : i32
    %dma_wait3A_639 = arith.constant 0 : i32
    %dma_wait3A_640 = tpu.memref_slice %arg7[%dma_wait3A_637, %dma_wait3A_638, %dma_wait3A_639] : memref<13x128x32xf32, #tpu.memory_space<vmem>> -> memref<1x128x32xf32, #tpu.memory_space<vmem>>
    %dma_wait3A_641 = tpu.memref_squeeze %dma_wait3A_640 : memref<1x128x32xf32, #tpu.memory_space<vmem>> -> memref<128x32xf32, #tpu.memory_space<vmem>>
    %dma_wait3A_642 = arith.constant 0 : i32
    %dma_wait3A_643 = arith.constant 0 : i32
    %dma_wait3A_644 = tpu.memref_slice %arg2[%dma_wait3A_642, %dma_wait3A_643] : memref<10240x32xf32, #tpu.memory_space<hbm>> -> memref<128x32xf32, #tpu.memory_space<hbm>>
    %dma_wait3A_645 = arith.constant 0 : i32
    %dma_wait3A_646 = arith.constant 0 : i32
    %dma_wait3A_647 = tpu.memref_slice %arg7[%dma_wait3A_637, %dma_wait3A_645, %dma_wait3A_646] : memref<13x128x32xf32, #tpu.memory_space<vmem>> -> memref<1x128x32xf32, #tpu.memory_space<vmem>>
    %dma_wait3A_648 = tpu.memref_squeeze %dma_wait3A_647 : memref<1x128x32xf32, #tpu.memory_space<vmem>> -> memref<128x32xf32, #tpu.memory_space<vmem>>
    %dma_wait3A_649 = arith.constant 0 : i32
    %dma_wait3A_650 = arith.constant 0 : i32
    %dma_wait3A_651 = tpu.memref_slice %arg2[%dma_wait3A_649, %dma_wait3A_650] : memref<10240x32xf32, #tpu.memory_space<hbm>> -> memref<128x32xf32, #tpu.memory_space<hbm>>
    tpu.wait_dma2 semaphore(%arg30 : memref<!tpu.dma_semaphore, #tpu.memory_space<semaphore_mem>>) src(%dma_wait3A_651 : memref<128x32xf32, #tpu.memory_space<hbm>>) dst(%dma_wait3A_648 : memref<128x32xf32, #tpu.memory_space<vmem>>)
    %dma_wait3A_652 = arith.constant 0 : i32
    %dma_wait3A_653 = arith.constant 0 : i32
    %dma_wait3A_654 = arith.constant 0 : i32
    %dma_wait3A_655 = tpu.memref_slice %arg7[%dma_wait3A_652, %dma_wait3A_653, %dma_wait3A_654] : memref<13x128x32xf32, #tpu.memory_space<vmem>> -> memref<1x128x32xf32, #tpu.memory_space<vmem>>
    %dma_wait3A_656 = tpu.memref_squeeze %dma_wait3A_655 : memref<1x128x32xf32, #tpu.memory_space<vmem>> -> memref<128x32xf32, #tpu.memory_space<vmem>>
    %dma_wait3A_657 = arith.constant 0 : i32
    %dma_wait3A_658 = arith.constant 0 : i32
    %dma_wait3A_659 = tpu.memref_slice %arg2[%dma_wait3A_657, %dma_wait3A_658] : memref<10240x32xf32, #tpu.memory_space<hbm>> -> memref<128x32xf32, #tpu.memory_space<hbm>>
    %dma_wait3A_660 = arith.constant 0 : i32
    %dma_wait3A_661 = arith.constant 0 : i32
    %dma_wait3A_662 = tpu.memref_slice %arg7[%dma_wait3A_652, %dma_wait3A_660, %dma_wait3A_661] : memref<13x128x32xf32, #tpu.memory_space<vmem>> -> memref<1x128x32xf32, #tpu.memory_space<vmem>>
    %dma_wait3A_663 = tpu.memref_squeeze %dma_wait3A_662 : memref<1x128x32xf32, #tpu.memory_space<vmem>> -> memref<128x32xf32, #tpu.memory_space<vmem>>
    %dma_wait3A_664 = arith.constant 0 : i32
    %dma_wait3A_665 = arith.constant 0 : i32
    %dma_wait3A_666 = tpu.memref_slice %arg2[%dma_wait3A_664, %dma_wait3A_665] : memref<10240x32xf32, #tpu.memory_space<hbm>> -> memref<128x32xf32, #tpu.memory_space<hbm>>
    tpu.wait_dma2 semaphore(%arg31 : memref<!tpu.dma_semaphore, #tpu.memory_space<semaphore_mem>>) src(%dma_wait3A_666 : memref<128x32xf32, #tpu.memory_space<hbm>>) dst(%dma_wait3A_663 : memref<128x32xf32, #tpu.memory_space<vmem>>)
    %dma_wait3A_667 = arith.constant 0 : i32
    %dma_wait3A_668 = arith.constant 0 : i32
    %dma_wait3A_669 = arith.constant 0 : i32
    %dma_wait3A_670 = tpu.memref_slice %arg7[%dma_wait3A_667, %dma_wait3A_668, %dma_wait3A_669] : memref<13x128x32xf32, #tpu.memory_space<vmem>> -> memref<1x128x32xf32, #tpu.memory_space<vmem>>
    %dma_wait3A_671 = tpu.memref_squeeze %dma_wait3A_670 : memref<1x128x32xf32, #tpu.memory_space<vmem>> -> memref<128x32xf32, #tpu.memory_space<vmem>>
    %dma_wait3A_672 = arith.constant 0 : i32
    %dma_wait3A_673 = arith.constant 0 : i32
    %dma_wait3A_674 = tpu.memref_slice %arg2[%dma_wait3A_672, %dma_wait3A_673] : memref<10240x32xf32, #tpu.memory_space<hbm>> -> memref<128x32xf32, #tpu.memory_space<hbm>>
    %dma_wait3A_675 = arith.constant 0 : i32
    %dma_wait3A_676 = arith.constant 0 : i32
    %dma_wait3A_677 = tpu.memref_slice %arg7[%dma_wait3A_667, %dma_wait3A_675, %dma_wait3A_676] : memref<13x128x32xf32, #tpu.memory_space<vmem>> -> memref<1x128x32xf32, #tpu.memory_space<vmem>>
    %dma_wait3A_678 = tpu.memref_squeeze %dma_wait3A_677 : memref<1x128x32xf32, #tpu.memory_space<vmem>> -> memref<128x32xf32, #tpu.memory_space<vmem>>
    %dma_wait3A_679 = arith.constant 0 : i32
    %dma_wait3A_680 = arith.constant 0 : i32
    %dma_wait3A_681 = tpu.memref_slice %arg2[%dma_wait3A_679, %dma_wait3A_680] : memref<10240x32xf32, #tpu.memory_space<hbm>> -> memref<128x32xf32, #tpu.memory_space<hbm>>
    tpu.wait_dma2 semaphore(%arg32 : memref<!tpu.dma_semaphore, #tpu.memory_space<semaphore_mem>>) src(%dma_wait3A_681 : memref<128x32xf32, #tpu.memory_space<hbm>>) dst(%dma_wait3A_678 : memref<128x32xf32, #tpu.memory_space<vmem>>)
    %dma_wait3A_682 = arith.constant 0 : i32
    %dma_wait3A_683 = arith.constant 0 : i32
    %dma_wait3A_684 = arith.constant 0 : i32
    %dma_wait3A_685 = tpu.memref_slice %arg7[%dma_wait3A_682, %dma_wait3A_683, %dma_wait3A_684] : memref<13x128x32xf32, #tpu.memory_space<vmem>> -> memref<1x128x32xf32, #tpu.memory_space<vmem>>
    %dma_wait3A_686 = tpu.memref_squeeze %dma_wait3A_685 : memref<1x128x32xf32, #tpu.memory_space<vmem>> -> memref<128x32xf32, #tpu.memory_space<vmem>>
    %dma_wait3A_687 = arith.constant 0 : i32
    %dma_wait3A_688 = arith.constant 0 : i32
    %dma_wait3A_689 = tpu.memref_slice %arg2[%dma_wait3A_687, %dma_wait3A_688] : memref<10240x32xf32, #tpu.memory_space<hbm>> -> memref<128x32xf32, #tpu.memory_space<hbm>>
    %dma_wait3A_690 = arith.constant 0 : i32
    %dma_wait3A_691 = arith.constant 0 : i32
    %dma_wait3A_692 = tpu.memref_slice %arg7[%dma_wait3A_682, %dma_wait3A_690, %dma_wait3A_691] : memref<13x128x32xf32, #tpu.memory_space<vmem>> -> memref<1x128x32xf32, #tpu.memory_space<vmem>>
    %dma_wait3A_693 = tpu.memref_squeeze %dma_wait3A_692 : memref<1x128x32xf32, #tpu.memory_space<vmem>> -> memref<128x32xf32, #tpu.memory_space<vmem>>
    %dma_wait3A_694 = arith.constant 0 : i32
    %dma_wait3A_695 = arith.constant 0 : i32
    %dma_wait3A_696 = tpu.memref_slice %arg2[%dma_wait3A_694, %dma_wait3A_695] : memref<10240x32xf32, #tpu.memory_space<hbm>> -> memref<128x32xf32, #tpu.memory_space<hbm>>
    tpu.wait_dma2 semaphore(%arg33 : memref<!tpu.dma_semaphore, #tpu.memory_space<semaphore_mem>>) src(%dma_wait3A_696 : memref<128x32xf32, #tpu.memory_space<hbm>>) dst(%dma_wait3A_693 : memref<128x32xf32, #tpu.memory_space<vmem>>)
    %dma_wait3A_697 = arith.constant 0 : i32
    %dma_wait3A_698 = arith.constant 0 : i32
    %dma_wait3A_699 = arith.constant 0 : i32
    %dma_wait3A_700 = tpu.memref_slice %arg7[%dma_wait3A_697, %dma_wait3A_698, %dma_wait3A_699] : memref<13x128x32xf32, #tpu.memory_space<vmem>> -> memref<1x128x32xf32, #tpu.memory_space<vmem>>
    %dma_wait3A_701 = tpu.memref_squeeze %dma_wait3A_700 : memref<1x128x32xf32, #tpu.memory_space<vmem>> -> memref<128x32xf32, #tpu.memory_space<vmem>>
    %dma_wait3A_702 = arith.constant 0 : i32
    %dma_wait3A_703 = arith.constant 0 : i32
    %dma_wait3A_704 = tpu.memref_slice %arg2[%dma_wait3A_702, %dma_wait3A_703] : memref<10240x32xf32, #tpu.memory_space<hbm>> -> memref<128x32xf32, #tpu.memory_space<hbm>>
    %dma_wait3A_705 = arith.constant 0 : i32
    %dma_wait3A_706 = arith.constant 0 : i32
    %dma_wait3A_707 = tpu.memref_slice %arg7[%dma_wait3A_697, %dma_wait3A_705, %dma_wait3A_706] : memref<13x128x32xf32, #tpu.memory_space<vmem>> -> memref<1x128x32xf32, #tpu.memory_space<vmem>>
    %dma_wait3A_708 = tpu.memref_squeeze %dma_wait3A_707 : memref<1x128x32xf32, #tpu.memory_space<vmem>> -> memref<128x32xf32, #tpu.memory_space<vmem>>
    %dma_wait3A_709 = arith.constant 0 : i32
    %dma_wait3A_710 = arith.constant 0 : i32
    %dma_wait3A_711 = tpu.memref_slice %arg2[%dma_wait3A_709, %dma_wait3A_710] : memref<10240x32xf32, #tpu.memory_space<hbm>> -> memref<128x32xf32, #tpu.memory_space<hbm>>
    tpu.wait_dma2 semaphore(%arg34 : memref<!tpu.dma_semaphore, #tpu.memory_space<semaphore_mem>>) src(%dma_wait3A_711 : memref<128x32xf32, #tpu.memory_space<hbm>>) dst(%dma_wait3A_708 : memref<128x32xf32, #tpu.memory_space<vmem>>)
    %dma_wait3A_712 = arith.constant 0 : i32
    %dma_wait3A_713 = arith.constant 0 : i32
    %dma_wait3A_714 = arith.constant 0 : i32
    %dma_wait3A_715 = tpu.memref_slice %arg7[%dma_wait3A_712, %dma_wait3A_713, %dma_wait3A_714] : memref<13x128x32xf32, #tpu.memory_space<vmem>> -> memref<1x128x32xf32, #tpu.memory_space<vmem>>
    %dma_wait3A_716 = tpu.memref_squeeze %dma_wait3A_715 : memref<1x128x32xf32, #tpu.memory_space<vmem>> -> memref<128x32xf32, #tpu.memory_space<vmem>>
    %dma_wait3A_717 = arith.constant 0 : i32
    %dma_wait3A_718 = arith.constant 0 : i32
    %dma_wait3A_719 = tpu.memref_slice %arg2[%dma_wait3A_717, %dma_wait3A_718] : memref<10240x32xf32, #tpu.memory_space<hbm>> -> memref<128x32xf32, #tpu.memory_space<hbm>>
    %dma_wait3A_720 = arith.constant 0 : i32
    %dma_wait3A_721 = arith.constant 0 : i32
    %dma_wait3A_722 = tpu.memref_slice %arg7[%dma_wait3A_712, %dma_wait3A_720, %dma_wait3A_721] : memref<13x128x32xf32, #tpu.memory_space<vmem>> -> memref<1x128x32xf32, #tpu.memory_space<vmem>>
    %dma_wait3A_723 = tpu.memref_squeeze %dma_wait3A_722 : memref<1x128x32xf32, #tpu.memory_space<vmem>> -> memref<128x32xf32, #tpu.memory_space<vmem>>
    %dma_wait3A_724 = arith.constant 0 : i32
    %dma_wait3A_725 = arith.constant 0 : i32
    %dma_wait3A_726 = tpu.memref_slice %arg2[%dma_wait3A_724, %dma_wait3A_725] : memref<10240x32xf32, #tpu.memory_space<hbm>> -> memref<128x32xf32, #tpu.memory_space<hbm>>
    tpu.wait_dma2 semaphore(%arg35 : memref<!tpu.dma_semaphore, #tpu.memory_space<semaphore_mem>>) src(%dma_wait3A_726 : memref<128x32xf32, #tpu.memory_space<hbm>>) dst(%dma_wait3A_723 : memref<128x32xf32, #tpu.memory_space<vmem>>)
    %barrier3A_727 = arith.constant 0 : index
    tpu.barrier barrier_id(%barrier3A_727)
    "tpu.region"() ({
      %run_scoped3A_728 = tpu.sem_alloc : memref<!tpu.dma_semaphore, #tpu.memory_space<semaphore_mem>>
      %dma_start3A_729 = arith.constant 0 : i32
      %dma_start3A_730 = tpu.memref_slice %arg9[%mul3A_8, %dma_start3A_729] : memref<10000x32xf32, #tpu.memory_space<vmem_shared>> -> memref<640x32xf32, #tpu.memory_space<vmem_shared>>
      %dma_start3A_731 = arith.constant 0 : i32
      %dma_start3A_732 = tpu.memref_slice %arg9[%mul3A_8, %dma_start3A_731] : memref<10000x32xf32, #tpu.memory_space<vmem_shared>> -> memref<640x32xf32, #tpu.memory_space<vmem_shared>>
      tpu.enqueue_dma source(%dma_start3A_732 : memref<640x32xf32, #tpu.memory_space<vmem_shared>>) target(%arg8 : memref<640x32xf32, #tpu.memory_space<vmem>>) target_semaphore(%run_scoped3A_728 : memref<!tpu.dma_semaphore, #tpu.memory_space<semaphore_mem>>)
      %dma_wait3A_733 = arith.constant 0 : i32
      %dma_wait3A_734 = tpu.memref_slice %arg9[%mul3A_8, %dma_wait3A_733] : memref<10000x32xf32, #tpu.memory_space<vmem_shared>> -> memref<640x32xf32, #tpu.memory_space<vmem_shared>>
      %dma_wait3A_735 = arith.constant 0 : i32
      %dma_wait3A_736 = tpu.memref_slice %arg9[%mul3A_8, %dma_wait3A_735] : memref<10000x32xf32, #tpu.memory_space<vmem_shared>> -> memref<640x32xf32, #tpu.memory_space<vmem_shared>>
      tpu.wait_dma2 semaphore(%run_scoped3A_728 : memref<!tpu.dma_semaphore, #tpu.memory_space<semaphore_mem>>) src(%dma_wait3A_736 : memref<640x32xf32, #tpu.memory_space<vmem_shared>>) dst(%arg8 : memref<640x32xf32, #tpu.memory_space<vmem>>)
      tpu.yield
    }) : () -> ()
    "tpu.region"() ({
      %run_scoped3A_728 = tpu.sem_alloc : memref<!tpu.dma_semaphore, #tpu.memory_space<semaphore_mem>>
      %dma_start3A_729 = arith.constant 0 : i32
      %dma_start3A_730 = tpu.memref_slice %arg4[%arg0, %mul3A_8, %dma_start3A_729] : memref<2x10240x32xf32, #tpu.memory_space<hbm>> -> memref<1x640x32xf32, #tpu.memory_space<hbm>>
      %dma_start3A_731 = tpu.memref_squeeze %dma_start3A_730 : memref<1x640x32xf32, #tpu.memory_space<hbm>> -> memref<640x32xf32, #tpu.memory_space<hbm>>
      %dma_start3A_732 = arith.constant 0 : i32
      %dma_start3A_733 = tpu.memref_slice %arg4[%arg0, %mul3A_8, %dma_start3A_732] : memref<2x10240x32xf32, #tpu.memory_space<hbm>> -> memref<1x640x32xf32, #tpu.memory_space<hbm>>
      %dma_start3A_734 = tpu.memref_squeeze %dma_start3A_733 : memref<1x640x32xf32, #tpu.memory_space<hbm>> -> memref<640x32xf32, #tpu.memory_space<hbm>>
      tpu.enqueue_dma source(%arg8 : memref<640x32xf32, #tpu.memory_space<vmem>>) target(%dma_start3A_734 : memref<640x32xf32, #tpu.memory_space<hbm>>) target_semaphore(%run_scoped3A_728 : memref<!tpu.dma_semaphore, #tpu.memory_space<semaphore_mem>>)
      %dma_wait3A_735 = arith.constant 0 : i32
      %dma_wait3A_736 = tpu.memref_slice %arg4[%arg0, %mul3A_8, %dma_wait3A_735] : memref<2x10240x32xf32, #tpu.memory_space<hbm>> -> memref<1x640x32xf32, #tpu.memory_space<hbm>>
      %dma_wait3A_737 = tpu.memref_squeeze %dma_wait3A_736 : memref<1x640x32xf32, #tpu.memory_space<hbm>> -> memref<640x32xf32, #tpu.memory_space<hbm>>
      %dma_wait3A_738 = arith.constant 0 : i32
      %dma_wait3A_739 = tpu.memref_slice %arg4[%arg0, %mul3A_8, %dma_wait3A_738] : memref<2x10240x32xf32, #tpu.memory_space<hbm>> -> memref<1x640x32xf32, #tpu.memory_space<hbm>>
      %dma_wait3A_740 = tpu.memref_squeeze %dma_wait3A_739 : memref<1x640x32xf32, #tpu.memory_space<hbm>> -> memref<640x32xf32, #tpu.memory_space<hbm>>
      tpu.wait_dma2 semaphore(%run_scoped3A_728 : memref<!tpu.dma_semaphore, #tpu.memory_space<semaphore_mem>>) src(%arg8 : memref<640x32xf32, #tpu.memory_space<vmem>>) dst(%dma_wait3A_740 : memref<640x32xf32, #tpu.memory_space<hbm>>)
      tpu.yield
    }) : () -> ()
    return
  }
}

module attributes {stable_mosaic.version = 14 : i64} {
  func.func @_proj_body(%arg0: i32, %arg1: memref<2560x512xf32, #tpu.memory_space<vmem>>, %arg2: memref<512x128xf32, #tpu.memory_space<vmem>>, %arg3: memref<2560x128xf32, #tpu.memory_space<vmem>>) attributes {dimension_semantics = [#tpu.dimension_semantics<arbitrary>], iteration_bounds = array<i64: 1>, scalar_prefetch = 0 : i64, scratch_operands = 0 : i64, tpu.core_type = #tpu.core_type<tc>, window_params = [{transform_indices = @transform_0, window_bounds = array<i64: 2560, 512>}, {pipeline_mode = #tpu.pipeline_mode<synchronous>, transform_indices = @transform_1, window_bounds = array<i64: 512, 128>}, {transform_indices = @transform_2, window_bounds = array<i64: 2560, 128>}]} {
    %get3A = arith.constant 0 : index
    %get3A_0 = arith.constant 0 : index
    %get3A_1 = vector.load %arg1[%get3A, %get3A_0] : memref<2560x512xf32, #tpu.memory_space<vmem>>, vector<2560x512xf32>
    %get3A_2 = arith.constant 0 : index
    %get3A_3 = arith.constant 0 : index
    %get3A_4 = vector.load %arg2[%get3A_2, %get3A_3] : memref<512x128xf32, #tpu.memory_space<vmem>>, vector<512x128xf32>
    %dot_general3A = arith.constant dense<0.000000e+00> : vector<2560x128xf32>
    %dot_general3A_5 = tpu.matmul %get3A_1, %get3A_4, %dot_general3A {dimension_numbers = #tpu.dot_dimension_numbers<[1], [0], [0], [1], [0, 0, 1, 1], [], []>, transpose_lhs_hint = false} : vector<2560x512xf32>, vector<512x128xf32>, vector<2560x128xf32> -> vector<2560x128xf32>
    %swap3A = arith.constant 0 : index
    %swap3A_6 = arith.constant 0 : index
    %swap3A_7 = vector.load %arg3[%swap3A, %swap3A_6] : memref<2560x128xf32, #tpu.memory_space<vmem>>, vector<2560x128xf32>
    tpu.vector_store %arg3[%swap3A, %swap3A_6], %dot_general3A_5 {strides = array<i32>} : memref<2560x128xf32, #tpu.memory_space<vmem>>, vector<2560x128xf32>,
    return
  }
  func.func @transform_0(%arg0: i32) -> (i32, i32) {
    %c0_i32 = arith.constant 0 : i32
    %c0_i32_0 = arith.constant 0 : i32
    return %arg0, %c0_i32 : i32, i32
  }
  func.func @transform_1(%arg0: i32) -> (i32, i32) {
    %c0_i32 = arith.constant 0 : i32
    %c0_i32_0 = arith.constant 0 : i32
    %c0_i32_1 = arith.constant 0 : i32
    return %c0_i32, %c0_i32_0 : i32, i32
  }
  func.func @transform_2(%arg0: i32) -> (i32, i32) {
    %c0_i32 = arith.constant 0 : i32
    %c0_i32_0 = arith.constant 0 : i32
    return %arg0, %c0_i32 : i32, i32
  }
}

module attributes {stable_mosaic.version = 14 : i64} {
  func.func @_mlp_body(%arg0: i32, %arg1: memref<2560x128xf32, #tpu.memory_space<vmem>>, %arg2: memref<1x2560x128xf32, #tpu.memory_space<vmem>>, %arg3: memref<1x2560x128xf32, #tpu.memory_space<vmem>>, %arg4: memref<1x128xf32, #tpu.memory_space<vmem>>, %arg5: memref<128x128xf32, #tpu.memory_space<vmem>>, %arg6: memref<1x128xf32, #tpu.memory_space<vmem>>, %arg7: memref<128x384xf32, #tpu.memory_space<vmem>>, %arg8: memref<1x384xf32, #tpu.memory_space<vmem>>, %arg9: memref<384x4xf32, #tpu.memory_space<vmem>>, %arg10: memref<1x4xf32, #tpu.memory_space<vmem>>, %arg11: memref<2560x4xf32, #tpu.memory_space<vmem>>) attributes {dimension_semantics = [#tpu.dimension_semantics<arbitrary>], iteration_bounds = array<i64: 1>, scalar_prefetch = 0 : i64, scratch_operands = 0 : i64, tpu.core_type = #tpu.core_type<tc>, window_params = [{transform_indices = @transform_0, window_bounds = array<i64: 2560, 128>}, {transform_indices = @transform_1, window_bounds = array<i64: 1, 2560, 128>}, {transform_indices = @transform_2, window_bounds = array<i64: 1, 2560, 128>}, {pipeline_mode = #tpu.pipeline_mode<synchronous>, transform_indices = @transform_3, window_bounds = array<i64: 1, 128>}, {pipeline_mode = #tpu.pipeline_mode<synchronous>, transform_indices = @transform_4, window_bounds = array<i64: 128, 128>}, {pipeline_mode = #tpu.pipeline_mode<synchronous>, transform_indices = @transform_5, window_bounds = array<i64: 1, 128>}, {pipeline_mode = #tpu.pipeline_mode<synchronous>, transform_indices = @transform_6, window_bounds = array<i64: 128, 384>}, {pipeline_mode = #tpu.pipeline_mode<synchronous>, transform_indices = @transform_7, window_bounds = array<i64: 1, 384>}, {pipeline_mode = #tpu.pipeline_mode<synchronous>, transform_indices = @transform_8, window_bounds = array<i64: 384, 4>}, {pipeline_mode = #tpu.pipeline_mode<synchronous>, transform_indices = @transform_9, window_bounds = array<i64: 1, 4>}, {transform_indices = @transform_10, window_bounds = array<i64: 2560, 4>}]} {
    %get3A = arith.constant 0 : index
    %get3A_0 = arith.constant 0 : index
    %get3A_1 = vector.load %arg1[%get3A, %get3A_0] : memref<2560x128xf32, #tpu.memory_space<vmem>>, vector<2560x128xf32>
    %get3A_2 = arith.constant 0 : index
    %get3A_3 = arith.constant 0 : index
    %get3A_4 = arith.constant 0 : index
    %get3A_5 = vector.load %arg2[%get3A_2, %get3A_3, %get3A_4] : memref<1x2560x128xf32, #tpu.memory_space<vmem>>, vector<1x2560x128xf32>
    %get3A_6 = vector.shape_cast %get3A_5 : vector<1x2560x128xf32> to vector<2560x128xf32>
    %add3A = arith.addf %get3A_1, %get3A_6 : vector<2560x128xf32>
    %get3A_7 = arith.constant 0 : index
    %get3A_8 = arith.constant 0 : index
    %get3A_9 = arith.constant 0 : index
    %get3A_10 = vector.load %arg3[%get3A_7, %get3A_8, %get3A_9] : memref<1x2560x128xf32, #tpu.memory_space<vmem>>, vector<1x2560x128xf32>
    %get3A_11 = vector.shape_cast %get3A_10 : vector<1x2560x128xf32> to vector<2560x128xf32>
    %add3A_12 = arith.addf %add3A, %get3A_11 : vector<2560x128xf32>
    %get3A_13 = arith.constant 0 : index
    %get3A_14 = arith.constant 0 : index
    %get3A_15 = vector.load %arg4[%get3A_13, %get3A_14] : memref<1x128xf32, #tpu.memory_space<vmem>>, vector<1x128xf32>
    %add3A_16 = vector.broadcast %get3A_15 : vector<1x128xf32> to vector<2560x128xf32>
    %add3A_17 = arith.addf %add3A_12, %add3A_16 : vector<2560x128xf32>
    %max3A = arith.constant 0.000000e+00 : f32
    %max3A_18 = vector.broadcast %max3A : f32 to vector<2560x128xf32>
    %max3A_19 = arith.maximumf %add3A_17, %max3A_18 : vector<2560x128xf32>
    %get3A_20 = arith.constant 0 : index
    %get3A_21 = arith.constant 0 : index
    %get3A_22 = vector.load %arg5[%get3A_20, %get3A_21] : memref<128x128xf32, #tpu.memory_space<vmem>>, vector<128x128xf32>
    %dot_general3A = arith.constant dense<0.000000e+00> : vector<2560x128xf32>
    %dot_general3A_23 = tpu.matmul %max3A_19, %get3A_22, %dot_general3A {dimension_numbers = #tpu.dot_dimension_numbers<[1], [0], [0], [1], [0, 0, 1, 1], [], []>, transpose_lhs_hint = false} : vector<2560x128xf32>, vector<128x128xf32>, vector<2560x128xf32> -> vector<2560x128xf32>
    %get3A_24 = arith.constant 0 : index
    %get3A_25 = arith.constant 0 : index
    %get3A_26 = vector.load %arg6[%get3A_24, %get3A_25] : memref<1x128xf32, #tpu.memory_space<vmem>>, vector<1x128xf32>
    %add3A_27 = vector.broadcast %get3A_26 : vector<1x128xf32> to vector<2560x128xf32>
    %add3A_28 = arith.addf %dot_general3A_23, %add3A_27 : vector<2560x128xf32>
    %max3A_29 = arith.constant 0.000000e+00 : f32
    %max3A_30 = vector.broadcast %max3A_29 : f32 to vector<2560x128xf32>
    %max3A_31 = arith.maximumf %add3A_28, %max3A_30 : vector<2560x128xf32>
    %get3A_32 = arith.constant 0 : index
    %get3A_33 = arith.constant 0 : index
    %get3A_34 = vector.load %arg7[%get3A_32, %get3A_33] : memref<128x384xf32, #tpu.memory_space<vmem>>, vector<128x384xf32>
    %dot_general3A_35 = arith.constant dense<0.000000e+00> : vector<2560x384xf32>
    %dot_general3A_36 = tpu.matmul %max3A_31, %get3A_34, %dot_general3A_35 {dimension_numbers = #tpu.dot_dimension_numbers<[1], [0], [0], [1], [0, 0, 1, 1], [], []>, transpose_lhs_hint = false} : vector<2560x128xf32>, vector<128x384xf32>, vector<2560x384xf32> -> vector<2560x384xf32>
    %get3A_37 = arith.constant 0 : index
    %get3A_38 = arith.constant 0 : index
    %get3A_39 = vector.load %arg8[%get3A_37, %get3A_38] : memref<1x384xf32, #tpu.memory_space<vmem>>, vector<1x384xf32>
    %add3A_40 = vector.broadcast %get3A_39 : vector<1x384xf32> to vector<2560x384xf32>
    %add3A_41 = arith.addf %dot_general3A_36, %add3A_40 : vector<2560x384xf32>
    %max3A_42 = arith.constant 0.000000e+00 : f32
    %max3A_43 = vector.broadcast %max3A_42 : f32 to vector<2560x384xf32>
    %max3A_44 = arith.maximumf %add3A_41, %max3A_43 : vector<2560x384xf32>
    %get3A_45 = arith.constant 0 : index
    %get3A_46 = arith.constant 0 : index
    %get3A_47 = vector.load %arg9[%get3A_45, %get3A_46] : memref<384x4xf32, #tpu.memory_space<vmem>>, vector<384x4xf32>
    %dot_general3A_48 = arith.constant dense<0.000000e+00> : vector<2560x4xf32>
    %dot_general3A_49 = tpu.matmul %max3A_44, %get3A_47, %dot_general3A_48 {dimension_numbers = #tpu.dot_dimension_numbers<[1], [0], [0], [1], [0, 0, 1, 1], [], []>, transpose_lhs_hint = false} : vector<2560x384xf32>, vector<384x4xf32>, vector<2560x4xf32> -> vector<2560x4xf32>
    %get3A_50 = arith.constant 0 : index
    %get3A_51 = arith.constant 0 : index
    %get3A_52 = vector.load %arg10[%get3A_50, %get3A_51] : memref<1x4xf32, #tpu.memory_space<vmem>>, vector<1x4xf32>
    %add3A_53 = vector.broadcast %get3A_52 : vector<1x4xf32> to vector<2560x4xf32>
    %add3A_54 = arith.addf %dot_general3A_49, %add3A_53 : vector<2560x4xf32>
    %swap3A = arith.constant 0 : index
    %swap3A_55 = arith.constant 0 : index
    %swap3A_56 = vector.load %arg11[%swap3A, %swap3A_55] : memref<2560x4xf32, #tpu.memory_space<vmem>>, vector<2560x4xf32>
    tpu.vector_store %arg11[%swap3A, %swap3A_55], %add3A_54 {strides = array<i32>} : memref<2560x4xf32, #tpu.memory_space<vmem>>, vector<2560x4xf32>,
    return
  }
  func.func @transform_0(%arg0: i32) -> (i32, i32) {
    %c0_i32 = arith.constant 0 : i32
    %c0_i32_0 = arith.constant 0 : i32
    return %arg0, %c0_i32 : i32, i32
  }
  func.func @transform_1(%arg0: i32) -> (i32, i32, i32) {
    %c0_i32 = arith.constant 0 : i32
    %c0_i32_0 = arith.constant 0 : i32
    %c0_i32_1 = arith.constant 0 : i32
    return %c0_i32, %arg0, %c0_i32_0 : i32, i32, i32
  }
  func.func @transform_2(%arg0: i32) -> (i32, i32, i32) {
    %c1_i32 = arith.constant 1 : i32
    %c0_i32 = arith.constant 0 : i32
    %c0_i32_0 = arith.constant 0 : i32
    return %c1_i32, %arg0, %c0_i32 : i32, i32, i32
  }
  func.func @transform_3(%arg0: i32) -> (i32, i32) {
    %c0_i32 = arith.constant 0 : i32
    %c0_i32_0 = arith.constant 0 : i32
    %c0_i32_1 = arith.constant 0 : i32
    return %c0_i32, %c0_i32_0 : i32, i32
  }
  func.func @transform_4(%arg0: i32) -> (i32, i32) {
    %c0_i32 = arith.constant 0 : i32
    %c0_i32_0 = arith.constant 0 : i32
    %c0_i32_1 = arith.constant 0 : i32
    return %c0_i32, %c0_i32_0 : i32, i32
  }
  func.func @transform_5(%arg0: i32) -> (i32, i32) {
    %c0_i32 = arith.constant 0 : i32
    %c0_i32_0 = arith.constant 0 : i32
    %c0_i32_1 = arith.constant 0 : i32
    return %c0_i32, %c0_i32_0 : i32, i32
  }
  func.func @transform_6(%arg0: i32) -> (i32, i32) {
    %c0_i32 = arith.constant 0 : i32
    %c0_i32_0 = arith.constant 0 : i32
    %c0_i32_1 = arith.constant 0 : i32
    return %c0_i32, %c0_i32_0 : i32, i32
  }
  func.func @transform_7(%arg0: i32) -> (i32, i32) {
    %c0_i32 = arith.constant 0 : i32
    %c0_i32_0 = arith.constant 0 : i32
    %c0_i32_1 = arith.constant 0 : i32
    return %c0_i32, %c0_i32_0 : i32, i32
  }
  func.func @transform_8(%arg0: i32) -> (i32, i32) {
    %c0_i32 = arith.constant 0 : i32
    %c0_i32_0 = arith.constant 0 : i32
    %c0_i32_1 = arith.constant 0 : i32
    return %c0_i32, %c0_i32_0 : i32, i32
  }
  func.func @transform_9(%arg0: i32) -> (i32, i32) {
    %c0_i32 = arith.constant 0 : i32
    %c0_i32_0 = arith.constant 0 : i32
    %c0_i32_1 = arith.constant 0 : i32
    return %c0_i32, %c0_i32_0 : i32, i32
  }
  func.func @transform_10(%arg0: i32) -> (i32, i32) {
    %c0_i32 = arith.constant 0 : i32
    %c0_i32_0 = arith.constant 0 : i32
    return %arg0, %c0_i32 : i32, i32
  }
}

</mosaic_0001>

<sc_bundles>
// kernel: kernel.5.cloned.1.call-start
scs
__scs_entry_jumppad:
0x0: {  	(pc) =	sbr.rel $0x88, $3  }
0x1: {  	(tag) =	ssettag $0x0;
	lr =	simm.s32 $0x1  }
0x2: {  	[smem:$0x3F95] =	sst lr;
	_ =	strace $0xD0000000  }
0x3: {  	_ = 	snop  }
0x4: {  	_ = 	snop  }
0x5: {  	_ = 	snop  }
0x6: {  	_ = 	snop  }
0x7: {  	_ = 	snop  }
__scs_overlays_trampoline_lowered:
0x8: {  	[smem:$0x3FA4] =	sst s0  }
0x9: {  	[smem:$0x3FA5] =	sst s1  }
0xa: {  	[smem:$0x3FA6] =	sst s2  }
0xb: {  	[smem:$0x3FA7] =	sst s3  }
0xc: {  	[smem:$0x3FA8] =	sst s4  }
0xd: {  	[smem:$0x3FA9] =	sst s5  }
0xe: {  	[smem:$0x3FAA] =	sst s6  }
0xf: {  	[smem:$0x3FAB] =	sst s7  }
0x10: {  	[smem:$0x3FAC] =	sst s8  }
0x11: {  	[smem:$0x3FAD] =	sst s9;
	s0 =	simm.s32 @!p0 $0x0  }
0x12: {  	s1 =	sld [smem:$0x3F93];
	s0 =	simm.s32 @p0 $0x1  }
0x13: {  	[smem:$0x3FAE] =	sst s0;
	s0 =	simm.s32 @!p1 $0x0  }
0x14: {  	s2 =	sld [smem:$0x3F92];
	s0 =	simm.s32 @p1 $0x1  }
0x15: {  	[smem:$0x3FAF] =	sst s0;
	s0 =	simm.s32 @!p2 $0x0  }
0x16: {  	s3 =	sld [smem:$0x3FDB];
	s0 =	simm.s32 @p2 $0x1  }
0x17: {  	s4 =	simm.s32 $0x1BF5;
	[smem:$0x3FB1] =	sst s0  }
0x18: {  	s0 =	sld [smem:$0x3F94];
	_ =	swait.ge [sflag:s4], $0x0  }
0x19: {  	s7 =	sld [smem:$0x3F95]  }
0x1a: {  	s8 =	sadd.s32 $0xFFFFE003, lr  }
0x1b: {  	s9 =	sadd.s32 $0xFFFFFEF7, lr;
	s5 =	simm.s32 $0xFFFFFFFF;
	p2 =	slt.u32 s8, $0xFFFFF086  }
0x1c: {  	p1 =	slt.u32 s9, $0xF7A;
	s5 =	simm.s32 @!p2 $0x0  }
0x1d: {  	s5 =	simm.s32 @p1 $0x1;
	p0 =	seq.s32 s7, s2  }
0x1e: {  	s7 =	smul.u32 @!p0 $0xF7A, s2;
	p2 =	seq.s32 @!p0 s5, $0x0  }
0x1f: {  	s9 =	smul.u32 $0xF7A, s1;
	s8 =	simm.s32 @!p0 $0x1BF5;
	p2 =	por !p2, p0  }
0x20: {  	[sflag:s8] =	ssyncset.s32 @!p0 $0xFFFFF086;
	s6 =	sadd.s32 @!p0 s3, s7;
	s7 =	simm.s32 @!p0 $0x108  }
0x21: {  	s3 =	sadd.s32 s3, s9;
	s6 =	sadd.s32 @!p0 $0x88, s6;
	s7 =	simm.s32 @p2 $0x1082  }
0x22: {  	[simem:s7], [sflag:s8] =	dma.local @!p0 [hbm:s6], $0xF7A  }
0x23: {  	s9 =	sor.u32 $0xD0000000, s2;
	s6 =	simm.s32 $0x108;
	_ =	swait.ge @!p0 [sflag:s8], $0x0  }
0x24: {  	s3 =	sadd.s32 $0x88, s3;
	s6 =	simm.s32 @!p1 $0x1082;
	[sflag:s4] =	ssyncset.s32 $0xFFFFF086  }
0x25: {  	[simem:s6], [sflag:s4] =	dma.local [hbm:s3], $0xF7A  }
0x26: {  	[smem:$0x3F95] =	sst s1;
	(tag) =	ssettag s2;
	_ =	strace s9  }
0x27: {  	s1 =	sld [smem:$0x3FA5]  }
0x28: {  	s2 =	sld [smem:$0x3FA6]  }
0x29: {  	s4 =	sld [smem:$0x3FA8]  }
0x2a: {  	p0 =	seq.s32 s5, $0x0;
	s5 =	sld [smem:$0x3FA9]  }
0x2b: {  	s6 =	sld [smem:$0x3FAA]  }
0x2c: {  	s7 =	sld [smem:$0x3FAB]  }
0x2d: {  	s3 =	simm.s32 $0x108;
	s8 =	sld [smem:$0x3FAC]  }
0x2e: {  	s3 =	simm.s32 @!p0 $0x1082;
	s9 =	sld [smem:$0x3FAD]  }
0x2f: {  	lr =	sadd.s32 s0, s3;
	s0 =	sld [smem:$0x3FA4]  }
0x30: {  	s3 =	sld [smem:$0x3FA7]  }
0x31: {  	[smem:$0x3FB0] =	sst s10  }
0x32: {  	s10 =	sld [smem:$0x3FAE];
	_ =	sdelay $0x3  }
0x33: {  	p0 =	seq.s32 s10, $0x1;
	s10 =	sld [smem:$0x3FB0];
	_ =	sdelay $0x3  }
0x34: {  	[smem:$0x3FB0] =	sst s10  }
0x35: {  	s10 =	sld [smem:$0x3FAF];
	_ =	sdelay $0x3  }
0x36: {  	p1 =	seq.s32 s10, $0x1;
	s10 =	sld [smem:$0x3FB0];
	_ =	sdelay $0x3  }
0x37: {  	[smem:$0x3FB0] =	sst s10  }
0x38: {  	s10 =	sld [smem:$0x3FB1]  }
0x39: {  	_ = 	snop;
	(pc) =	sbr.ind lr, $3  }
0x3a: {  	_ = 	snop  }
0x3b: {  	_ = 	snop  }
0x3c: {  	p2 =	seq.s32 s10, $0x1;
	s10 =	sld [smem:$0x3FB0]  }
0x3d: {  	_ =	shalt  }
0x3e: {  	_ =	shalt  }
0x3f: {  	_ =	shalt  }
0x40: {  	_ =	shalt  }
0x41: {  	_ =	shalt  }
0x42: {  	_ =	shalt  }
0x43: {  	_ =	shalt  }
0x44: {  	_ =	shalt  }
0x45: {  	_ =	shalt  }
0x46: {  	_ =	shalt  }
0x47: {  	_ =	shalt  }
0x48: {  	_ =	shalt  }
0x49: {  	_ =	shalt  }
0x4a: {  	_ =	shalt  }
0x4b: {  	_ =	shalt  }
0x4c: {  	_ =	shalt  }
0x4d: {  	_ =	shalt  }
0x4e: {  	_ =	shalt  }
0x4f: {  	_ =	shalt  }
0x50: {  	_ =	shalt  }
0x51: {  	_ =	shalt  }
0x52: {  	_ =	shalt  }
0x53: {  	_ =	shalt  }
0x54: {  	_ =	shalt  }
0x55: {  	_ =	shalt  }
0x56: {  	_ =	shalt  }
0x57: {  	_ =	shalt  }
0x58: {  	_ =	shalt  }
0x59: {  	_ =	shalt  }
0x5a: {  	_ =	shalt  }
0x5b: {  	_ =	shalt  }
0x5c: {  	_ =	shalt  }
0x5d: {  	_ =	shalt  }
0x5e: {  	_ =	shalt  }
0x5f: {  	_ =	shalt  }
0x60: {  	_ =	shalt  }
0x61: {  	_ =	shalt  }
0x62: {  	_ =	shalt  }
0x63: {  	_ =	shalt  }
0x64: {  	_ =	shalt  }
0x65: {  	_ =	shalt  }
0x66: {  	_ =	shalt  }
0x67: {  	_ =	shalt  }
0x68: {  	_ =	shalt  }
0x69: {  	_ =	shalt  }
0x6a: {  	_ =	shalt  }
0x6b: {  	_ =	shalt  }
0x6c: {  	_ =	shalt  }
0x6d: {  	_ =	shalt  }
0x6e: {  	_ =	shalt  }
0x6f: {  	_ =	shalt  }
0x70: {  	_ =	shalt  }
0x71: {  	_ =	shalt  }
0x72: {  	_ =	shalt  }
0x73: {  	_ =	shalt  }
0x74: {  	_ =	shalt  }
0x75: {  	_ =	shalt  }
0x76: {  	_ =	shalt  }
0x77: {  	_ =	shalt  }
0x78: {  	_ =	shalt  }
0x79: {  	_ =	shalt  }
0x7a: {  	_ =	shalt  }
0x7b: {  	_ =	shalt  }
0x7c: {  	_ =	shalt  }
0x7d: {  	_ =	shalt  }
0x7e: {  	_ =	shalt  }
0x7f: {  	_ =	shalt  }
0x80: {  	_ =	shalt  }
0x81: {  	_ =	shalt  }
0x82: {  	_ =	shalt  }
0x83: {  	_ =	shalt  }
0x84: {  	_ =	shalt  }
0x85: {  	_ =	shalt  }
0x86: {  	_ =	shalt  }
0x87: {  	_ =	shalt  }
.Lfunc_end0:
.L_simem_size_0:
called_computation_lowered:
.L_overlay_start_0:
0x88: {  	s2 =	sld [smem:$0x3FD9]  }
0x89: {  	s3 =	sld [smem:$0x3FFE];
	_ =	sdelay $0x1  }
0x8a: {  	s1 =	srdreg.scid  }
0x8b: {  	s0 =	sand.u32 $0x1, s1  }
0x8c: {  	s16 =	sshll.u32 s0, $0xA;
	s2 =	sadd.s32 s3, s2  }
0x8d: {  	s2 =	sadd.s32 s2, s16  }
0x8e: {  	[smem:$0x3FBC] =	sst s2  }
0x8f: {  	_ = 	snop  }
0x90: {  	(tm) =	ssettm $0x1  }
0x91: {  	s17 =	sld [smem:$0x3FFB];
	_ =	sdelay $0x3  }
0x92: {  	_ =	strace s17  }
0x93: {  	s2 =	sld [smem:$0x3FFC];
	_ =	sdelay $0x3  }
0x94: {  	_ =	strace s2  }
0x95: {  	s2 =	sld [smem:$0x3FFD];
	_ =	sdelay $0x3  }
0x96: {  	_ =	strace s2  }
0x97: {  	_ =	strace $0x8FFFFFFF  }
0x98: {  	s18 =	sld [smem:$0x3FDB];
	_ =	sdelay $0x1  }
0x99: {  	s19 =	simm.s32 $_scs_section_size  }
0x9a: {  	s4 =	simm.s32 $_size__tile_overlayer_lowered;
	s5 =	simm.s32 $_tile_overlayer_lowered  }
0x9b: {  	s22 =	simm.s32 $0x1BFF;
	s21 =	sshll.u32 s5, $0x1;
	s2 =	sadd.s32 s19, s18  }
0x9c: {  	s6 =	simm.s32 $0x0;
	s20 =	sshll.u32 s4, $0x1;
	s4 =	sadd.s32 s21, s2  }
0x9d: {  	[timem:s6], [sflag:s22] =	dma.local [hbm:s4], s20  }
0x9e: {  	_ =	swait.ge [sflag:s22], s20  }
0x9f: {  	s3 =	ssub.s32 $0x0, s20;
	[sflag:s22] =	ssyncset.done $0x0  }
0xa0: {  	[sflag:s22] =	ssyncadd.s32 s3;
	_ =	sdelay $0x1  }
0xa1: {  	s23 =	simm.s32 $0x1B8B  }
0xa2: {  	_ =	swait.ge [sflag:s23], $0x1  }
0xa3: {  	[sflag:s23] =	ssyncset.done $0x0  }
0xa4: {  	s25 =	simm.s32 $0x1B8E;
	s24 =	sld [smem:$0x3FFE];
	[sflag:s23] =	ssyncadd.s32 $0xFFFFFFFF  }
0xa5: {  	s26 =	simm.s32 $execute0_lowered;
	[smem:$0x3FD2] =	sst s25  }
0xa6: {  	s4 =	sshll.u32 s26, $0x1;
	_ =	strace $0x80000046;
	[dreg:$0x1] =	wrdreg $0xFFFFFFFF  }
0xa7: {  	s28 =	simm.s32 $_size_execute0_lowered;
	s2 =	sadd.s32 s2, s4;
	[dreg:$0x0] =	wrdreg $0x0  }
0xa8: {  	s4 =	sshll.u32 s28, $0x1;
	[dreg:$0x2] =	wrdreg s2  }
0xa9: {  	[dreg:$0x3] =	wrdreg s4  }
0xaa: {  	[dreg:$0x4] =	wrdreg $0xC0  }
0xab: {  	_ =	task [dreg:s6], $0x5FFFF  }
0xac: {  	[dreg:$0x1] =	wrdreg $0xFFFFFFFF  }
0xad: {  	[dreg:$0x0] =	wrdreg $0x60  }
0xae: {  	[dreg:$0x2] =	wrdreg s24  }
0xaf: {  	[dreg:$0x3] =	wrdreg $0x16F000  }
0xb0: {  	[dreg:$0x4] =	wrdreg $0x9  }
0xb1: {  	_ =	task.clear_ibuf [dreg:s6], $0x5FFFF;
	_ =	strace $0x90000046  }
0xb2: {  	s29 =	simm.s32 $0x9;
	_ =	strace $0x80000048  }
0xb3: {  	_ =	swait.ge [sflag:s29], $0x1  }
0xb4: {  	[sflag:s29] =	ssyncadd.s32 $0xFFFFFFFF  }
0xb5: {  	_ =	strace $0x90000048  }
0xb6: {  	_ =	sfence  }
0xb7: {  	s30 =	sld [smem:$0x0];
	_ =	sdelay $0x2  }
0xb8: {  	s31 =	sshll.u32 s1, $0xD;
	s1 =	sshrl.u32 s1, $0x2  }
0xb9: {  	s3 =	sand.u32 $0x4000, s31;
	s1 =	sadd.s32 s1, s30  }
0xba: {  	s0 =	sor.u32 s3, s0;
	s1 =	sshll.u32 s1, $0x11  }
0xbb: {  	s0 =	sor.u32 s1, s0  }
0xbc: {  	s0 =	sadd.s32 $0x8F2B, s0  }
0xbd: {  	[sflag:s0] =	ssyncadd.remote.s32 $0x1  }
0xbe: {  	_ =	sfence.sel $0xFFFF  }
0xbf: {  	[dreg:$0x0] =	wrdreg $0xFFFFFFFF;
	(pc) =	sbr.abs _section_cstart, $3  }
0xc0: {  	[dreg:$0x1] =	wrdreg $0xFFFFFFFF  }
0xc1: {  	_ =	task.clear_ibuf [dreg:s6], $0x2FFFF;
	_ =	strace $0x9FFFFFFF  }
0xc2: {  	(tm) =	ssettm $0x7FFFFFFF  }
0xc3: {  	_ =	shalt  }
tec
execute0_lowered:
.L_overlay_start_1:
0x0: {  	(tag) =	ssettag $0x1  }
0x1: {  	s0 =	rddreg [dreg:$0x0]  }
0x2: {  	s1 =	srdreg.scid;
	s9 =	stileid.u32  }
0x3: {  	s2 =	rddreg [dreg:$0x1];
	s5 =	simm.s32 $0x0;
	s15 =	simm.s32 $0x80  }
0x4: {  	s18 =	simm.s32 $0x1;
	s12 =	simm.s32 $0xB;
	s13 =	simm.s32 $0xD  }
0x5: {  	s28 =	simm.s32 $0x14;
	s30 =	simm.s32 $0x15;
	s1 =	sand.u32 $0x1, s1  }
0x6: {  	s3 =	smul.u32 $0x4E00, s9;
	[smem:$0x7FF] =	sst s5;
	s8 =	sadd.s32 $0x1800, s0  }
0x7: {  	s4 =	smul.u32 $0x50000, s1;
	s22 =	sshll.u32 s1, $0x4;
	s1 =	ssub.s32 $0x2, s1  }
0x8: {  	_ =	strace $0x80000047;
	s5 =	sor.u32 s9, s22;
	s23 =	sshrl.u32 s1, $0x1  }
0x9: {  	s9 =	sshll.u32 s9, $0x4;
	s6 =	sadd.s32 s3, s4;
	s4 =	sadd.s32 $0x15200, s0  }
0xa: {  	s7 =	smul.u32 $0x2700, s5;
	s24 =	sadd.s32 s9, s8;
	s3 =	sadd.s32 s3, s2  }
0xb: {  	s1 =	ssub.s32 s1, s23;
	[dreg:$0x4] =	wrdreg s3;
	s26 =	sadd.s32 $0x9C00, s24  }
0xc: {  	s6 =	sshrl.u32 s6, $0x3;
	s29 =	sadd.s32 $0x13840, s24;
	[dreg:$0x6] =	wrdreg s26  }
0xd: {  	s31 =	smax.u32 s1, $0x1;
	s7 =	sshrl.u32 s7, $0x3;
	[dreg:$0x7] =	wrdreg s29  }
0xe: {  	s0 =	sadd.s32 s6, s0;
	[dreg:$0x9] =	wrdreg s31;
	s7 =	sadd.s32 s8, s7  }
0xf: {  	s20 =	simm.s32 $0x18;
	s0 =	sadd.s32 $0x1F200, s0;
	[dreg:$0x3] =	wrdreg s7  }
0x10: {  	p0 =	sgt.u32 s5, $0x3;
	s25 =	sadd.s32 $0x9C40, s7;
	[dreg:$0x8] =	wrdreg s0  }
0x11: {  	v0 =	vimm.f32 $0.0e+00;
	s0 =	simm.s32 $0x0;
	[dreg:$0x5] =	wrdreg s25;
	s25 =	simm.s32 $0x13  }
.LBB2_1:
0x12: {  	[dreg:$0xa] =	wrdreg s0;
	s24 =	simm.s32 $0x80;
	s29 =	simm.s32 $0x0  }
.LBB2_2:
0x13: {  	p1 =	sne.s32 s24, $0x13F80;
	[tilespmem:s29+$0x11F00] =	vst v0;
	s31 =	smov.u32 s24;
	s24 =	sadd.s32 $0x80, s24  }
.Ltmp0:
0x14: {  	[tilespmem:s29+$0x11F10] =	vst v0;
	(pc) =	sbr.rel @p1 .LBB2_2-.Ltmp0, $2  }
0x15: {  	_ =	sdelay $0x2  }
0x16: {  	s29 =	sshra.s32 s31, $0x2  }
0x17: {  	[tilespmem:s29+$0x11F00] =	vst v0  }
0x18: {  	[tilespmem:s29+$0x11F10] =	vst v0;
	s24 =	rddreg [dreg:$0x4];
	s29 =	simm.s32 $0x11F00;
	s31 =	simm.s32 $0x1B  }
0x19: {  	[spmem:s24] =	stream.linear.scatter [tilespmem:s29], [sflag:$0x1B], $0x5000, $0x38;
	[tilespmem:$0x1BD20] =	vst v63  }
0x1a: {  	_ =	swait.ge [sflag:s31], $0x5000  }
0x1b: {  	[sflag:s31] =	ssyncset.done $0x0  }
0x1c: {  	s0 =	simm.s32 $0x0;
	s29 =	rddreg [dreg:$0x3];
	[sflag:s31] =	ssyncadd.s32 $0xFFFFB000  }
0x1d: {  	[tilespmem:s0], [sflag:$0x1B] =	stream.linear.gather [hbm4b:s29+s0], $0x2700, $0x38;
	[tilespmem:$0x1BD20] =	vst v63  }
0x1e: {  	_ =	swait.ge [sflag:s31], $0x2700  }
0x1f: {  	[sflag:s31] =	ssyncset.done $0x0  }
0x20: {  	s7 =	simm.s32 $0x2780;
	s29 =	rddreg [dreg:$0x5];
	[sflag:s31] =	ssyncadd.s32 $0xFFFFD900  }
0x21: {  	[tilespmem:s7], [sflag:$0x1B] =	stream.linear.gather [hbm4b:s29+s0], $0x2700, $0x38;
	[tilespmem:$0x1BD20] =	vst v63  }
0x22: {  	_ =	swait.ge [sflag:s31], $0x2700  }
0x23: {  	s0 =	simm.s32 @!p0 $0x0;
	[sflag:s31] =	ssyncset.done $0x0  }
0x24: {  	s29 =	simm.s32 @!p0 $0x2700;
	[sflag:s31] =	ssyncadd.s32 $0xFFFFD900;
	s31 =	rddreg [dreg:$0x6]  }
0x25: {  	[tilespmem:s29], [sflag:$0x1B] =	stream.linear.gather @!p0 [hbm4b:s31+s0], $0x80, $0x38;
	[tilespmem:$0x1BD20] =	vst v63  }
0x26: {  	s29 =	simm.s32 @!p0 $0x1B  }
0x27: {  	_ =	swait.ge @!p0 [sflag:s29], $0x80  }
0x28: {  	[sflag:s29] =	ssyncset.done @!p0 $0x0  }
0x29: {  	s31 =	simm.s32 @!p0 $0x4E80;
	s24 =	rddreg [dreg:$0x7];
	[sflag:s29] =	ssyncadd.s32 @!p0 $0xFFFFFF80  }
0x2a: {  	[tilespmem:s31], [sflag:$0x1B] =	stream.linear.gather @!p0 [hbm4b:s24+s0], $0x80, $0x38;
	[tilespmem:$0x1BD20] =	vst v63  }
0x2b: {  	_ =	swait.ge @!p0 [sflag:s29], $0x80  }
0x2c: {  	[sflag:s29] =	ssyncset.done @!p0 $0x0  }
0x2d: {  	[sflag:s29] =	ssyncadd.s32 @!p0 $0xFFFFFF80  }
0x2e: {  	s8 =	simm.s32 $0x0;
	s3 =	simm.s32 $0x4F00;
	[bflag:$0x0] =	sbarrier.arrive $0xFFFF  }
0x2f: {  	[tilespmem:s3], [sflag:$0x1] =	stream.indirect.gather [hbm4b:s4+s15], $0x20, s8, s15, $0xb8;
	[tilespmem:$0x1BD20] =	vst v63  }
0x30: {  	s5 =	simm.s32 $0x5F00  }
0x31: {  	[tilespmem:s5], [sflag:$0x2] =	stream.indirect.gather [hbm4b:s4+s15], $0x20, s15, s15, $0xb8;
	[tilespmem:$0x1BD20] =	vst v63  }
0x32: {  	s9 =	simm.s32 $0x100;
	s7 =	simm.s32 $0x6F00  }
0x33: {  	[tilespmem:s7], [sflag:$0x3] =	stream.indirect.gather [hbm4b:s4+s15], $0x20, s9, s15, $0xb8;
	[tilespmem:$0x1BD20] =	vst v63  }
0x34: {  	s10 =	simm.s32 $0x180;
	s11 =	simm.s32 $0x7F00  }
0x35: {  	[tilespmem:s11], [sflag:$0x4] =	stream.indirect.gather [hbm4b:s4+s15], $0x20, s10, s15, $0xb8;
	[tilespmem:$0x1BD20] =	vst v63  }
0x36: {  	s14 =	simm.s32 $0x200;
	s10 =	simm.s32 $0x8F00  }
0x37: {  	[tilespmem:s10], [sflag:$0x5] =	stream.indirect.gather [hbm4b:s4+s15], $0x20, s14, s15, $0xb8;
	[tilespmem:$0x1BD20] =	vst v63  }
0x38: {  	s16 =	simm.s32 $0x280;
	s9 =	simm.s32 $0x9F00  }
0x39: {  	[tilespmem:s9], [sflag:$0x6] =	stream.indirect.gather [hbm4b:s4+s15], $0x20, s16, s15, $0xb8;
	[tilespmem:$0x1BD20] =	vst v63  }
0x3a: {  	s17 =	simm.s32 $0x300;
	s8 =	simm.s32 $0xAF00  }
0x3b: {  	[tilespmem:s8], [sflag:$0x7] =	stream.indirect.gather [hbm4b:s4+s15], $0x20, s17, s15, $0xb8;
	[tilespmem:$0x1BD20] =	vst v63  }
0x3c: {  	s19 =	simm.s32 $0x380;
	s1 =	simm.s32 $0xBF00  }
0x3d: {  	[tilespmem:s1], [sflag:$0x8] =	stream.indirect.gather [hbm4b:s4+s15], $0x20, s19, s15, $0xb8;
	[tilespmem:$0x1BD20] =	vst v63  }
0x3e: {  	s21 =	simm.s32 $0x400;
	s14 =	simm.s32 $0xCF00  }
0x3f: {  	[tilespmem:s14], [sflag:$0x9] =	stream.indirect.gather [hbm4b:s4+s15], $0x20, s21, s15, $0xb8;
	[tilespmem:$0x1BD20] =	vst v63  }
0x40: {  	s22 =	simm.s32 $0x480;
	s17 =	simm.s32 $0xDF00  }
0x41: {  	[tilespmem:s17], [sflag:$0xA] =	stream.indirect.gather [hbm4b:s4+s15], $0x20, s22, s15, $0xb8;
	[tilespmem:$0x1BD20] =	vst v63  }
0x42: {  	s23 =	simm.s32 $0x500;
	s16 =	simm.s32 $0xEF00  }
0x43: {  	[tilespmem:s16], [sflag:$0xB] =	stream.indirect.gather [hbm4b:s4+s15], $0x20, s23, s15, $0xb8;
	[tilespmem:$0x1BD20] =	vst v63  }
0x44: {  	s26 =	simm.s32 $0x580;
	s0 =	simm.s32 $0xFF00  }
0x45: {  	[tilespmem:s0], [sflag:$0xC] =	stream.indirect.gather [hbm4b:s4+s15], $0x20, s26, s15, $0xb8;
	[tilespmem:$0x1BD20] =	vst v63  }
0x46: {  	s6 =	simm.s32 $0x600;
	s31 =	simm.s32 $0x10F00  }
0x47: {  	[tilespmem:s31], [sflag:$0xD] =	stream.indirect.gather [hbm4b:s4+s15], $0x20, s6, s15, $0xb8;
	[tilespmem:$0x1BD20] =	vst v63  }
0x48: {  	_ =	swait.ge [sflag:s18], $0x1000  }
0x49: {  	[sflag:s18] =	ssyncset.done $0x0  }
0x4a: {  	s19 =	simm.s32 $0x2780;
	s6 =	simm.s32 $0x2;
	[sflag:s18] =	ssyncadd.s32 $0xFFFFF000  }
0x4b: {  	[spmem:s2] =	stream.indirect.scatter.add.f32 [tilespmem:s3], [sflag:$0xE], $0x20, s19, s15, $0xb8;
	[tilespmem:$0x1BD20] =	vst v63  }
0x4c: {  	_ =	swait.ge [sflag:s6], $0x1000  }
0x4d: {  	[sflag:s6] =	ssyncset.done $0x0  }
0x4e: {  	s21 =	simm.s32 $0x2800;
	s22 =	simm.s32 $0x3;
	[sflag:s6] =	ssyncadd.s32 $0xFFFFF000  }
0x4f: {  	[spmem:s2] =	stream.indirect.scatter.add.f32 [tilespmem:s5], [sflag:$0xF], $0x20, s21, s15, $0xb8;
	[tilespmem:$0x1BD20] =	vst v63  }
0x50: {  	_ =	swait.ge [sflag:s22], $0x1000  }
0x51: {  	[sflag:s22] =	ssyncset.done $0x0  }
0x52: {  	s23 =	simm.s32 $0x2880;
	s26 =	simm.s32 $0x4;
	[sflag:s22] =	ssyncadd.s32 $0xFFFFF000  }
0x53: {  	[spmem:s2] =	stream.indirect.scatter.add.f32 [tilespmem:s7], [sflag:$0x10], $0x20, s23, s15, $0xb8;
	[tilespmem:$0x1BD20] =	vst v63  }
0x54: {  	_ =	swait.ge [sflag:s26], $0x1000  }
0x55: {  	[sflag:s26] =	ssyncset.done $0x0  }
0x56: {  	s19 =	simm.s32 $0x5;
	s6 =	simm.s32 $0x2900;
	[sflag:s26] =	ssyncadd.s32 $0xFFFFF000  }
0x57: {  	[spmem:s2] =	stream.indirect.scatter.add.f32 [tilespmem:s11], [sflag:$0x11], $0x20, s6, s15, $0xb8;
	[tilespmem:$0x1BD20] =	vst v63  }
0x58: {  	_ =	swait.ge [sflag:s19], $0x1000  }
0x59: {  	[sflag:s19] =	ssyncset.done $0x0  }
0x5a: {  	s21 =	simm.s32 $0x2980;
	s22 =	simm.s32 $0x6;
	[sflag:s19] =	ssyncadd.s32 $0xFFFFF000  }
0x5b: {  	[spmem:s2] =	stream.indirect.scatter.add.f32 [tilespmem:s10], [sflag:$0x12], $0x20, s21, s15, $0xb8;
	[tilespmem:$0x1BD20] =	vst v63  }
0x5c: {  	_ =	swait.ge [sflag:s22], $0x1000  }
0x5d: {  	[sflag:s22] =	ssyncset.done $0x0  }
0x5e: {  	s23 =	simm.s32 $0x2A00;
	s26 =	simm.s32 $0x7;
	[sflag:s22] =	ssyncadd.s32 $0xFFFFF000  }
0x5f: {  	[spmem:s2] =	stream.indirect.scatter.add.f32 [tilespmem:s9], [sflag:$0x13], $0x20, s23, s15, $0xb8;
	[tilespmem:$0x1BD20] =	vst v63  }
0x60: {  	_ =	swait.ge [sflag:s26], $0x1000  }
0x61: {  	[sflag:s26] =	ssyncset.done $0x0  }
0x62: {  	s6 =	simm.s32 $0x2A80;
	s19 =	simm.s32 $0x8;
	[sflag:s26] =	ssyncadd.s32 $0xFFFFF000  }
0x63: {  	[spmem:s2] =	stream.indirect.scatter.add.f32 [tilespmem:s8], [sflag:$0x14], $0x20, s6, s15, $0xb8;
	[tilespmem:$0x1BD20] =	vst v63  }
0x64: {  	_ =	swait.ge [sflag:s19], $0x1000  }
0x65: {  	[sflag:s19] =	ssyncset.done $0x0  }
0x66: {  	s21 =	simm.s32 $0x2B00;
	s22 =	simm.s32 $0x9;
	[sflag:s19] =	ssyncadd.s32 $0xFFFFF000  }
0x67: {  	[spmem:s2] =	stream.indirect.scatter.add.f32 [tilespmem:s1], [sflag:$0x15], $0x20, s21, s15, $0xb8;
	[tilespmem:$0x1BD20] =	vst v63  }
0x68: {  	_ =	swait.ge [sflag:s22], $0x1000  }
0x69: {  	[sflag:s22] =	ssyncset.done $0x0  }
0x6a: {  	s23 =	simm.s32 $0x2B80;
	s26 =	simm.s32 $0xA;
	[sflag:s22] =	ssyncadd.s32 $0xFFFFF000  }
0x6b: {  	[spmem:s2] =	stream.indirect.scatter.add.f32 [tilespmem:s14], [sflag:$0x16], $0x20, s23, s15, $0xb8;
	[tilespmem:$0x1BD20] =	vst v63  }
0x6c: {  	_ =	swait.ge [sflag:s26], $0x1000  }
0x6d: {  	[sflag:s26] =	ssyncset.done $0x0  }
0x6e: {  	s19 =	simm.s32 $0x2C00;
	[sflag:s26] =	ssyncadd.s32 $0xFFFFF000  }
0x6f: {  	[spmem:s2] =	stream.indirect.scatter.add.f32 [tilespmem:s17], [sflag:$0x17], $0x20, s19, s15, $0xb8;
	[tilespmem:$0x1BD20] =	vst v63  }
0x70: {  	_ =	swait.ge [sflag:s12], $0x1000  }
0x71: {  	[sflag:s12] =	ssyncset.done $0x0  }
0x72: {  	s6 =	simm.s32 $0xC;
	s21 =	simm.s32 $0x2C80;
	[sflag:s12] =	ssyncadd.s32 $0xFFFFF000  }
0x73: {  	[spmem:s2] =	stream.indirect.scatter.add.f32 [tilespmem:s16], [sflag:$0x18], $0x20, s21, s15, $0xb8;
	[tilespmem:$0x1BD20] =	vst v63  }
0x74: {  	_ =	swait.ge [sflag:s6], $0x1000  }
0x75: {  	[sflag:s6] =	ssyncset.done $0x0  }
0x76: {  	s22 =	simm.s32 $0x2D00;
	[sflag:s6] =	ssyncadd.s32 $0xFFFFF000  }
0x77: {  	[spmem:s2] =	stream.indirect.scatter.add.f32 [tilespmem:s0], [sflag:$0x19], $0x20, s22, s15, $0xb8;
	[tilespmem:$0x1BD20] =	vst v63  }
0x78: {  	_ =	swait.ge [sflag:s13], $0x1000  }
0x79: {  	[sflag:s13] =	ssyncset.done $0x0  }
0x7a: {  	s23 =	simm.s32 $0x2D80;
	s19 =	simm.s32 $0xE;
	[sflag:s13] =	ssyncadd.s32 $0xFFFFF000  }
0x7b: {  	[spmem:s2] =	stream.indirect.scatter.add.f32 [tilespmem:s31], [sflag:$0x1A], $0x20, s23, s15, $0xb8;
	[tilespmem:$0x1BD20] =	vst v63  }
0x7c: {  	_ =	swait.ge [sflag:s19], $0x1000  }
0x7d: {  	[sflag:s19] =	ssyncset.done $0x0  }
0x7e: {  	s26 =	simm.s32 $0x680;
	[sflag:s19] =	ssyncadd.s32 $0xFFFFF000;
	s19 =	simm.s32 $0xF  }
0x7f: {  	[tilespmem:s3], [sflag:$0x1] =	stream.indirect.gather [hbm4b:s4+s15], $0x20, s26, s15, $0xb8;
	[tilespmem:$0x1BD20] =	vst v63  }
0x80: {  	_ =	swait.ge [sflag:s19], $0x1000  }
0x81: {  	[sflag:s19] =	ssyncset.done $0x0  }
0x82: {  	s21 =	simm.s32 $0x700;
	s22 =	simm.s32 $0x10;
	[sflag:s19] =	ssyncadd.s32 $0xFFFFF000  }
0x83: {  	[tilespmem:s5], [sflag:$0x2] =	stream.indirect.gather [hbm4b:s4+s15], $0x20, s21, s15, $0xb8;
	[tilespmem:$0x1BD20] =	vst v63  }
0x84: {  	_ =	swait.ge [sflag:s22], $0x1000  }
0x85: {  	[sflag:s22] =	ssyncset.done $0x0  }
0x86: {  	s23 =	simm.s32 $0x780;
	s26 =	simm.s32 $0x11;
	[sflag:s22] =	ssyncadd.s32 $0xFFFFF000  }
0x87: {  	[tilespmem:s7], [sflag:$0x3] =	stream.indirect.gather [hbm4b:s4+s15], $0x20, s23, s15, $0xb8;
	[tilespmem:$0x1BD20] =	vst v63  }
0x88: {  	_ =	swait.ge [sflag:s26], $0x1000  }
0x89: {  	[sflag:s26] =	ssyncset.done $0x0  }
0x8a: {  	s3 =	simm.s32 $0x800;
	s5 =	simm.s32 $0x12;
	[sflag:s26] =	ssyncadd.s32 $0xFFFFF000  }
0x8b: {  	[tilespmem:s11], [sflag:$0x4] =	stream.indirect.gather [hbm4b:s4+s15], $0x20, s3, s15, $0xb8;
	[tilespmem:$0x1BD20] =	vst v63  }
0x8c: {  	_ =	swait.ge [sflag:s5], $0x1000  }
0x8d: {  	[sflag:s5] =	ssyncset.done $0x0  }
0x8e: {  	s7 =	simm.s32 $0x880;
	[sflag:s5] =	ssyncadd.s32 $0xFFFFF000  }
0x8f: {  	[tilespmem:s10], [sflag:$0x5] =	stream.indirect.gather [hbm4b:s4+s15], $0x20, s7, s15, $0xb8;
	[tilespmem:$0x1BD20] =	vst v63  }
0x90: {  	_ =	swait.ge [sflag:s25], $0x1000  }
0x91: {  	[sflag:s25] =	ssyncset.done $0x0  }
0x92: {  	s10 =	simm.s32 $0x900;
	[sflag:s25] =	ssyncadd.s32 $0xFFFFF000  }
0x93: {  	[tilespmem:s9], [sflag:$0x6] =	stream.indirect.gather [hbm4b:s4+s15], $0x20, s10, s15, $0xb8;
	[tilespmem:$0x1BD20] =	vst v63  }
0x94: {  	_ =	swait.ge [sflag:s28], $0x1000  }
0x95: {  	[sflag:s28] =	ssyncset.done $0x0  }
0x96: {  	s11 =	simm.s32 $0x980;
	[sflag:s28] =	ssyncadd.s32 $0xFFFFF000  }
0x97: {  	[tilespmem:s8], [sflag:$0x7] =	stream.indirect.gather [hbm4b:s4+s15], $0x20, s11, s15, $0xb8;
	[tilespmem:$0x1BD20] =	vst v63  }
0x98: {  	_ =	swait.ge [sflag:s30], $0x1000  }
0x99: {  	[sflag:s30] =	ssyncset.done $0x0  }
0x9a: {  	s19 =	simm.s32 $0xA00;
	[sflag:s30] =	ssyncadd.s32 $0xFFFFF000  }
0x9b: {  	[tilespmem:s1], [sflag:$0x8] =	stream.indirect.gather [hbm4b:s4+s15], $0x20, s19, s15, $0xb8;
	[tilespmem:$0x1BD20] =	vst v63  }
0x9c: {  	s1 =	simm.s32 $0x16  }
0x9d: {  	_ =	swait.ge [sflag:s1], $0x1000  }
0x9e: {  	[sflag:s1] =	ssyncset.done $0x0  }
0x9f: {  	s21 =	simm.s32 $0xA80;
	[sflag:s1] =	ssyncadd.s32 $0xFFFFF000  }
0xa0: {  	[tilespmem:s14], [sflag:$0x9] =	stream.indirect.gather [hbm4b:s4+s15], $0x20, s21, s15, $0xb8;
	[tilespmem:$0x1BD20] =	vst v63  }
0xa1: {  	s14 =	simm.s32 $0x17  }
0xa2: {  	_ =	swait.ge [sflag:s14], $0x1000  }
0xa3: {  	[sflag:s14] =	ssyncset.done $0x0  }
0xa4: {  	s22 =	simm.s32 $0xB00;
	[sflag:s14] =	ssyncadd.s32 $0xFFFFF000  }
0xa5: {  	[tilespmem:s17], [sflag:$0xA] =	stream.indirect.gather [hbm4b:s4+s15], $0x20, s22, s15, $0xb8;
	[tilespmem:$0x1BD20] =	vst v63  }
0xa6: {  	_ =	swait.ge [sflag:s20], $0x1000  }
0xa7: {  	[sflag:s20] =	ssyncset.done $0x0  }
0xa8: {  	s23 =	simm.s32 $0xB80;
	[sflag:s20] =	ssyncadd.s32 $0xFFFFF000  }
0xa9: {  	[tilespmem:s16], [sflag:$0xB] =	stream.indirect.gather [hbm4b:s4+s15], $0x20, s23, s15, $0xb8;
	[tilespmem:$0x1BD20] =	vst v63  }
0xaa: {  	s16 =	simm.s32 $0x19  }
0xab: {  	_ =	swait.ge [sflag:s16], $0x1000  }
0xac: {  	[sflag:s16] =	ssyncset.done $0x0  }
0xad: {  	s26 =	simm.s32 $0xC00;
	s17 =	simm.s32 $0x1A;
	[sflag:s16] =	ssyncadd.s32 $0xFFFFF000  }
0xae: {  	[tilespmem:s0], [sflag:$0xC] =	stream.indirect.gather [hbm4b:s4+s15], $0x20, s26, s15, $0xb8;
	[tilespmem:$0x1BD20] =	vst v63  }
0xaf: {  	_ =	swait.ge [sflag:s17], $0x1000  }
0xb0: {  	[sflag:s17] =	ssyncset.done $0x0  }
0xb1: {  	s24 =	simm.s32 $0x1A00;
	s29 =	simm.s32 $0xC80;
	[sflag:s17] =	ssyncadd.s32 $0xFFFFF000  }
.LBB2_4:
0xb2: {  	[tilespmem:s31], [sflag:$0xD] =	stream.indirect.gather [hbm4b:s4+s15], $0x20, s29, s15, $0xb8;
	[tilespmem:$0x1BD20] =	vst v63  }
0xb3: {  	s29 =	smov.u32 s24;
	p1 =	sne.s32 s24, $0x6800;
	s24 =	sadd.s32 $0x1A00, s24  }
0xb4: {  	s0 =	simm.s32 $0xFF00;
	s5 =	simm.s32 $0x4F00;
	_ =	swait.ge [sflag:s18], $0x1000  }
0xb5: {  	s3 =	simm.s32 $0x2;
	s29 =	sshra.s32 s29, $0x2;
	[sflag:s18] =	ssyncset.done $0x0  }
0xb6: {  	s31 =	sadd.s32 $0x2780, s29;
	[sflag:s18] =	ssyncadd.s32 $0xFFFFF000;
	s18 =	simm.s32 $0x10F00  }
0xb7: {  	[spmem:s2] =	stream.indirect.scatter.add.f32 [tilespmem:s5], [sflag:$0xE], $0x20, s31, s15, $0xb8;
	[tilespmem:$0x1BD20] =	vst v63  }
0xb8: {  	_ =	swait.ge [sflag:s3], $0x1000  }
0xb9: {  	s7 =	simm.s32 $0x5F00;
	[sflag:s3] =	ssyncset.done $0x0  }
0xba: {  	s31 =	sadd.s32 $0x2800, s29;
	[sflag:s3] =	ssyncadd.s32 $0xFFFFF000;
	s3 =	simm.s32 $0x3  }
0xbb: {  	[spmem:s2] =	stream.indirect.scatter.add.f32 [tilespmem:s7], [sflag:$0xF], $0x20, s31, s15, $0xb8;
	[tilespmem:$0x1BD20] =	vst v63  }
0xbc: {  	_ =	swait.ge [sflag:s3], $0x1000  }
0xbd: {  	s23 =	simm.s32 $0x6F00;
	[sflag:s3] =	ssyncset.done $0x0  }
0xbe: {  	s31 =	sadd.s32 $0x2880, s29;
	[sflag:s3] =	ssyncadd.s32 $0xFFFFF000;
	s3 =	simm.s32 $0x4  }
0xbf: {  	[spmem:s2] =	stream.indirect.scatter.add.f32 [tilespmem:s23], [sflag:$0x10], $0x20, s31, s15, $0xb8;
	[tilespmem:$0x1BD20] =	vst v63  }
0xc0: {  	_ =	swait.ge [sflag:s3], $0x1000  }
0xc1: {  	s11 =	simm.s32 $0x7F00;
	[sflag:s3] =	ssyncset.done $0x0  }
0xc2: {  	s31 =	sadd.s32 $0x2900, s29;
	[sflag:s3] =	ssyncadd.s32 $0xFFFFF000;
	s3 =	simm.s32 $0x5  }
0xc3: {  	[spmem:s2] =	stream.indirect.scatter.add.f32 [tilespmem:s11], [sflag:$0x11], $0x20, s31, s15, $0xb8;
	[tilespmem:$0x1BD20] =	vst v63  }
0xc4: {  	_ =	swait.ge [sflag:s3], $0x1000  }
0xc5: {  	s10 =	simm.s32 $0x8F00;
	[sflag:s3] =	ssyncset.done $0x0  }
0xc6: {  	s31 =	sadd.s32 $0x2980, s29;
	[sflag:s3] =	ssyncadd.s32 $0xFFFFF000;
	s3 =	simm.s32 $0x6  }
0xc7: {  	[spmem:s2] =	stream.indirect.scatter.add.f32 [tilespmem:s10], [sflag:$0x12], $0x20, s31, s15, $0xb8;
	[tilespmem:$0x1BD20] =	vst v63  }
0xc8: {  	_ =	swait.ge [sflag:s3], $0x1000  }
0xc9: {  	s21 =	simm.s32 $0x9F00;
	[sflag:s3] =	ssyncset.done $0x0  }
0xca: {  	s31 =	sadd.s32 $0x2A00, s29;
	[sflag:s3] =	ssyncadd.s32 $0xFFFFF000;
	s3 =	simm.s32 $0x7  }
0xcb: {  	[spmem:s2] =	stream.indirect.scatter.add.f32 [tilespmem:s21], [sflag:$0x13], $0x20, s31, s15, $0xb8;
	[tilespmem:$0x1BD20] =	vst v63  }
0xcc: {  	_ =	swait.ge [sflag:s3], $0x1000  }
0xcd: {  	s9 =	simm.s32 $0xAF00;
	[sflag:s3] =	ssyncset.done $0x0  }
0xce: {  	s31 =	sadd.s32 $0x2A80, s29;
	[sflag:s3] =	ssyncadd.s32 $0xFFFFF000;
	s3 =	simm.s32 $0x8  }
0xcf: {  	[spmem:s2] =	stream.indirect.scatter.add.f32 [tilespmem:s9], [sflag:$0x14], $0x20, s31, s15, $0xb8;
	[tilespmem:$0x1BD20] =	vst v63  }
0xd0: {  	_ =	swait.ge [sflag:s3], $0x1000  }
0xd1: {  	s8 =	simm.s32 $0xBF00;
	[sflag:s3] =	ssyncset.done $0x0  }
0xd2: {  	s31 =	sadd.s32 $0x2B00, s29;
	[sflag:s3] =	ssyncadd.s32 $0xFFFFF000;
	s3 =	simm.s32 $0x9  }
0xd3: {  	[spmem:s2] =	stream.indirect.scatter.add.f32 [tilespmem:s8], [sflag:$0x15], $0x20, s31, s15, $0xb8;
	[tilespmem:$0x1BD20] =	vst v63  }
0xd4: {  	_ =	swait.ge [sflag:s3], $0x1000  }
0xd5: {  	s19 =	simm.s32 $0xCF00;
	[sflag:s3] =	ssyncset.done $0x0  }
0xd6: {  	s31 =	sadd.s32 $0x2B80, s29;
	[sflag:s3] =	ssyncadd.s32 $0xFFFFF000;
	s3 =	simm.s32 $0xA  }
0xd7: {  	[spmem:s2] =	stream.indirect.scatter.add.f32 [tilespmem:s19], [sflag:$0x16], $0x20, s31, s15, $0xb8;
	[tilespmem:$0x1BD20] =	vst v63  }
0xd8: {  	_ =	swait.ge [sflag:s3], $0x1000  }
0xd9: {  	[sflag:s3] =	ssyncset.done $0x0  }
0xda: {  	s26 =	simm.s32 $0xDF00;
	s31 =	sadd.s32 $0x2C00, s29;
	[sflag:s3] =	ssyncadd.s32 $0xFFFFF000  }
0xdb: {  	[spmem:s2] =	stream.indirect.scatter.add.f32 [tilespmem:s26], [sflag:$0x17], $0x20, s31, s15, $0xb8;
	[tilespmem:$0x1BD20] =	vst v63  }
0xdc: {  	_ =	swait.ge [sflag:s12], $0x1000  }
0xdd: {  	[sflag:s12] =	ssyncset.done $0x0  }
0xde: {  	s22 =	simm.s32 $0xEF00;
	s31 =	sadd.s32 $0x2C80, s29;
	[sflag:s12] =	ssyncadd.s32 $0xFFFFF000  }
0xdf: {  	[spmem:s2] =	stream.indirect.scatter.add.f32 [tilespmem:s22], [sflag:$0x18], $0x20, s31, s15, $0xb8;
	[tilespmem:$0x1BD20] =	vst v63  }
0xe0: {  	_ =	swait.ge [sflag:s6], $0x1000  }
0xe1: {  	[sflag:s6] =	ssyncset.done $0x0  }
0xe2: {  	s31 =	sadd.s32 $0x2D00, s29;
	[sflag:s6] =	ssyncadd.s32 $0xFFFFF000  }
0xe3: {  	[spmem:s2] =	stream.indirect.scatter.add.f32 [tilespmem:s0], [sflag:$0x19], $0x20, s31, s15, $0xb8;
	[tilespmem:$0x1BD20] =	vst v63  }
0xe4: {  	_ =	swait.ge [sflag:s13], $0x1000  }
0xe5: {  	[sflag:s13] =	ssyncset.done $0x0  }
0xe6: {  	s31 =	sadd.s32 $0x2D80, s29;
	[sflag:s13] =	ssyncadd.s32 $0xFFFFF000  }
0xe7: {  	[spmem:s2] =	stream.indirect.scatter.add.f32 [tilespmem:s18], [sflag:$0x1A], $0x20, s31, s15, $0xb8;
	[tilespmem:$0x1BD20] =	vst v63  }
0xe8: {  	s3 =	simm.s32 $0xE;
	s18 =	simm.s32 $0x1  }
0xe9: {  	_ =	swait.ge [sflag:s3], $0x1000  }
0xea: {  	[sflag:s3] =	ssyncset.done $0x0  }
0xeb: {  	s31 =	sadd.s32 $0x680, s29;
	[sflag:s3] =	ssyncadd.s32 $0xFFFFF000  }
0xec: {  	[tilespmem:s5], [sflag:$0x1] =	stream.indirect.gather [hbm4b:s4+s15], $0x20, s31, s15, $0xb8;
	[tilespmem:$0x1BD20] =	vst v63  }
0xed: {  	s3 =	simm.s32 $0x4F00;
	s5 =	simm.s32 $0xF  }
0xee: {  	_ =	swait.ge [sflag:s5], $0x1000  }
0xef: {  	[sflag:s5] =	ssyncset.done $0x0  }
0xf0: {  	s31 =	sadd.s32 $0x700, s29;
	[sflag:s5] =	ssyncadd.s32 $0xFFFFF000  }
0xf1: {  	[tilespmem:s7], [sflag:$0x2] =	stream.indirect.gather [hbm4b:s4+s15], $0x20, s31, s15, $0xb8;
	[tilespmem:$0x1BD20] =	vst v63  }
0xf2: {  	s5 =	simm.s32 $0x5F00;
	s7 =	simm.s32 $0x10  }
0xf3: {  	_ =	swait.ge [sflag:s7], $0x1000  }
0xf4: {  	[sflag:s7] =	ssyncset.done $0x0  }
0xf5: {  	s31 =	sadd.s32 $0x780, s29;
	[sflag:s7] =	ssyncadd.s32 $0xFFFFF000  }
0xf6: {  	[tilespmem:s23], [sflag:$0x3] =	stream.indirect.gather [hbm4b:s4+s15], $0x20, s31, s15, $0xb8;
	[tilespmem:$0x1BD20] =	vst v63  }
0xf7: {  	s7 =	simm.s32 $0x6F00;
	s23 =	simm.s32 $0x11  }
0xf8: {  	_ =	swait.ge [sflag:s23], $0x1000  }
0xf9: {  	[sflag:s23] =	ssyncset.done $0x0  }
0xfa: {  	s31 =	sadd.s32 $0x800, s29;
	[sflag:s23] =	ssyncadd.s32 $0xFFFFF000  }
0xfb: {  	[tilespmem:s11], [sflag:$0x4] =	stream.indirect.gather [hbm4b:s4+s15], $0x20, s31, s15, $0xb8;
	[tilespmem:$0x1BD20] =	vst v63  }
0xfc: {  	s23 =	simm.s32 $0x7F00;
	s11 =	simm.s32 $0x12  }
0xfd: {  	_ =	swait.ge [sflag:s11], $0x1000  }
0xfe: {  	[sflag:s11] =	ssyncset.done $0x0  }
0xff: {  	s31 =	sadd.s32 $0x880, s29;
	[sflag:s11] =	ssyncadd.s32 $0xFFFFF000;
	s11 =	simm.s32 $0x8F00  }
0x100: {  	[tilespmem:s10], [sflag:$0x5] =	stream.indirect.gather [hbm4b:s4+s15], $0x20, s31, s15, $0xb8;
	[tilespmem:$0x1BD20] =	vst v63  }
0x101: {  	_ =	swait.ge [sflag:s25], $0x1000  }
0x102: {  	[sflag:s25] =	ssyncset.done $0x0  }
0x103: {  	s31 =	sadd.s32 $0x900, s29;
	s10 =	simm.s32 $0x9F00;
	[sflag:s25] =	ssyncadd.s32 $0xFFFFF000  }
0x104: {  	[tilespmem:s21], [sflag:$0x6] =	stream.indirect.gather [hbm4b:s4+s15], $0x20, s31, s15, $0xb8;
	[tilespmem:$0x1BD20] =	vst v63  }
0x105: {  	_ =	swait.ge [sflag:s28], $0x1000  }
0x106: {  	[sflag:s28] =	ssyncset.done $0x0  }
0x107: {  	s31 =	sadd.s32 $0x980, s29;
	s21 =	simm.s32 $0xAF00;
	[sflag:s28] =	ssyncadd.s32 $0xFFFFF000  }
0x108: {  	[tilespmem:s9], [sflag:$0x7] =	stream.indirect.gather [hbm4b:s4+s15], $0x20, s31, s15, $0xb8;
	[tilespmem:$0x1BD20] =	vst v63  }
0x109: {  	_ =	swait.ge [sflag:s30], $0x1000  }
0x10a: {  	[sflag:s30] =	ssyncset.done $0x0  }
0x10b: {  	s31 =	sadd.s32 $0xA00, s29;
	s9 =	simm.s32 $0xBF00;
	[sflag:s30] =	ssyncadd.s32 $0xFFFFF000  }
0x10c: {  	[tilespmem:s8], [sflag:$0x8] =	stream.indirect.gather [hbm4b:s4+s15], $0x20, s31, s15, $0xb8;
	[tilespmem:$0x1BD20] =	vst v63  }
0x10d: {  	_ =	swait.ge [sflag:s1], $0x1000  }
0x10e: {  	[sflag:s1] =	ssyncset.done $0x0  }
0x10f: {  	s31 =	sadd.s32 $0xA80, s29;
	s8 =	simm.s32 $0xCF00;
	[sflag:s1] =	ssyncadd.s32 $0xFFFFF000  }
0x110: {  	[tilespmem:s19], [sflag:$0x9] =	stream.indirect.gather [hbm4b:s4+s15], $0x20, s31, s15, $0xb8;
	[tilespmem:$0x1BD20] =	vst v63  }
0x111: {  	_ =	swait.ge [sflag:s14], $0x1000  }
0x112: {  	[sflag:s14] =	ssyncset.done $0x0  }
0x113: {  	s31 =	sadd.s32 $0xB00, s29;
	s19 =	simm.s32 $0xDF00;
	[sflag:s14] =	ssyncadd.s32 $0xFFFFF000  }
0x114: {  	[tilespmem:s26], [sflag:$0xA] =	stream.indirect.gather [hbm4b:s4+s15], $0x20, s31, s15, $0xb8;
	[tilespmem:$0x1BD20] =	vst v63  }
0x115: {  	_ =	swait.ge [sflag:s20], $0x1000  }
0x116: {  	[sflag:s20] =	ssyncset.done $0x0  }
0x117: {  	s31 =	sadd.s32 $0xB80, s29;
	s26 =	simm.s32 $0xEF00;
	[sflag:s20] =	ssyncadd.s32 $0xFFFFF000  }
0x118: {  	[tilespmem:s22], [sflag:$0xB] =	stream.indirect.gather [hbm4b:s4+s15], $0x20, s31, s15, $0xb8;
	[tilespmem:$0x1BD20] =	vst v63  }
0x119: {  	_ =	swait.ge [sflag:s16], $0x1000  }
0x11a: {  	[sflag:s16] =	ssyncset.done $0x0  }
0x11b: {  	s31 =	sadd.s32 $0xC00, s29;
	[sflag:s16] =	ssyncadd.s32 $0xFFFFF000  }
0x11c: {  	[tilespmem:s0], [sflag:$0xC] =	stream.indirect.gather [hbm4b:s4+s15], $0x20, s31, s15, $0xb8;
	[tilespmem:$0x1BD20] =	vst v63  }
.Ltmp1:
0x11d: {  	_ = 	snop;
	(pc) =	sbr.rel @p1 .LBB2_4-.Ltmp1, $4  }
0x11e: {  	s31 =	simm.s32 $0x10F00;
	s0 =	simm.s32 $0xFF00  }
0x11f: {  	_ =	swait.ge [sflag:s17], $0x1000  }
0x120: {  	[sflag:s17] =	ssyncset.done $0x0  }
0x121: {  	s29 =	sadd.s32 $0xC80, s29;
	[sflag:s17] =	ssyncadd.s32 $0xFFFFF000  }
0x122: {  	[tilespmem:s31], [sflag:$0xD] =	stream.indirect.gather [hbm4b:s4+s15], $0x20, s29, s15, $0xb8;
	[tilespmem:$0x1BD20] =	vst v63  }
0x123: {  	_ =	swait.ge [sflag:s18], $0x1000  }
0x124: {  	[sflag:s18] =	ssyncset.done $0x0  }
0x125: {  	s24 =	simm.s32 $0x4800;
	s29 =	simm.s32 $0x2;
	[sflag:s18] =	ssyncadd.s32 $0xFFFFF000  }
0x126: {  	[spmem:s2] =	stream.indirect.scatter.add.f32 [tilespmem:s3], [sflag:$0xE], $0x20, s24, s15, $0xb8;
	[tilespmem:$0x1BD20] =	vst v63  }
0x127: {  	_ =	swait.ge [sflag:s29], $0x1000  }
0x128: {  	[sflag:s29] =	ssyncset.done $0x0  }
0x129: {  	s22 =	simm.s32 $0x4880;
	[sflag:s29] =	ssyncadd.s32 $0xFFFFF000  }
0x12a: {  	[spmem:s2] =	stream.indirect.scatter.add.f32 [tilespmem:s5], [sflag:$0xF], $0x20, s22, s15, $0xb8;
	[tilespmem:$0x1BD20] =	vst v63  }
0x12b: {  	s22 =	simm.s32 $0x3  }
0x12c: {  	_ =	swait.ge [sflag:s22], $0x1000  }
0x12d: {  	[sflag:s22] =	ssyncset.done $0x0  }
0x12e: {  	s24 =	simm.s32 $0x4900;
	s29 =	simm.s32 $0x4;
	[sflag:s22] =	ssyncadd.s32 $0xFFFFF000  }
0x12f: {  	[spmem:s2] =	stream.indirect.scatter.add.f32 [tilespmem:s7], [sflag:$0x10], $0x20, s24, s15, $0xb8;
	[tilespmem:$0x1BD20] =	vst v63  }
0x130: {  	_ =	swait.ge [sflag:s29], $0x1000  }
0x131: {  	[sflag:s29] =	ssyncset.done $0x0  }
0x132: {  	s5 =	simm.s32 $0x4980;
	s7 =	simm.s32 $0x5;
	[sflag:s29] =	ssyncadd.s32 $0xFFFFF000  }
0x133: {  	[spmem:s2] =	stream.indirect.scatter.add.f32 [tilespmem:s23], [sflag:$0x11], $0x20, s5, s15, $0xb8;
	[tilespmem:$0x1BD20] =	vst v63  }
0x134: {  	_ =	swait.ge [sflag:s7], $0x1000  }
0x135: {  	[sflag:s7] =	ssyncset.done $0x0  }
0x136: {  	s22 =	simm.s32 $0x4A00;
	s23 =	simm.s32 $0x6;
	[sflag:s7] =	ssyncadd.s32 $0xFFFFF000  }
0x137: {  	[spmem:s2] =	stream.indirect.scatter.add.f32 [tilespmem:s11], [sflag:$0x12], $0x20, s22, s15, $0xb8;
	[tilespmem:$0x1BD20] =	vst v63  }
0x138: {  	_ =	swait.ge [sflag:s23], $0x1000  }
0x139: {  	[sflag:s23] =	ssyncset.done $0x0  }
0x13a: {  	s24 =	simm.s32 $0x4A80;
	s29 =	simm.s32 $0x7;
	[sflag:s23] =	ssyncadd.s32 $0xFFFFF000  }
0x13b: {  	[spmem:s2] =	stream.indirect.scatter.add.f32 [tilespmem:s10], [sflag:$0x13], $0x20, s24, s15, $0xb8;
	[tilespmem:$0x1BD20] =	vst v63  }
0x13c: {  	_ =	swait.ge [sflag:s29], $0x1000  }
0x13d: {  	[sflag:s29] =	ssyncset.done $0x0  }
0x13e: {  	s5 =	simm.s32 $0x4B00;
	s10 =	simm.s32 $0x8;
	[sflag:s29] =	ssyncadd.s32 $0xFFFFF000  }
0x13f: {  	[spmem:s2] =	stream.indirect.scatter.add.f32 [tilespmem:s21], [sflag:$0x14], $0x20, s5, s15, $0xb8;
	[tilespmem:$0x1BD20] =	vst v63  }
0x140: {  	_ =	swait.ge [sflag:s10], $0x1000  }
0x141: {  	[sflag:s10] =	ssyncset.done $0x0  }
0x142: {  	s11 =	simm.s32 $0x4B80;
	s21 =	simm.s32 $0x9;
	[sflag:s10] =	ssyncadd.s32 $0xFFFFF000  }
0x143: {  	[spmem:s2] =	stream.indirect.scatter.add.f32 [tilespmem:s9], [sflag:$0x15], $0x20, s11, s15, $0xb8;
	[tilespmem:$0x1BD20] =	vst v63  }
0x144: {  	_ =	swait.ge [sflag:s21], $0x1000  }
0x145: {  	[sflag:s21] =	ssyncset.done $0x0  }
0x146: {  	s22 =	simm.s32 $0x4C00;
	s23 =	simm.s32 $0xA;
	[sflag:s21] =	ssyncadd.s32 $0xFFFFF000  }
0x147: {  	[spmem:s2] =	stream.indirect.scatter.add.f32 [tilespmem:s8], [sflag:$0x16], $0x20, s22, s15, $0xb8;
	[tilespmem:$0x1BD20] =	vst v63  }
0x148: {  	_ =	swait.ge [sflag:s23], $0x1000  }
0x149: {  	[sflag:s23] =	ssyncset.done $0x0  }
0x14a: {  	s24 =	simm.s32 $0x4C80;
	[sflag:s23] =	ssyncadd.s32 $0xFFFFF000  }
0x14b: {  	[spmem:s2] =	stream.indirect.scatter.add.f32 [tilespmem:s19], [sflag:$0x17], $0x20, s24, s15, $0xb8;
	[tilespmem:$0x1BD20] =	vst v63  }
0x14c: {  	_ =	swait.ge [sflag:s12], $0x1000  }
0x14d: {  	[sflag:s12] =	ssyncset.done $0x0  }
0x14e: {  	s29 =	simm.s32 $0x4D00;
	[sflag:s12] =	ssyncadd.s32 $0xFFFFF000  }
0x14f: {  	[spmem:s2] =	stream.indirect.scatter.add.f32 [tilespmem:s26], [sflag:$0x18], $0x20, s29, s15, $0xb8;
	[tilespmem:$0x1BD20] =	vst v63  }
0x150: {  	_ =	swait.ge [sflag:s6], $0x1000  }
0x151: {  	[sflag:s6] =	ssyncset.done $0x0  }
0x152: {  	s5 =	simm.s32 $0x4D80;
	[sflag:s6] =	ssyncadd.s32 $0xFFFFF000  }
0x153: {  	[spmem:s2] =	stream.indirect.scatter.add.f32 [tilespmem:s0], [sflag:$0x19], $0x20, s5, s15, $0xb8;
	[tilespmem:$0x1BD20] =	vst v63  }
0x154: {  	_ =	swait.ge [sflag:s13], $0x1000  }
0x155: {  	[sflag:s13] =	ssyncset.done $0x0  }
0x156: {  	s24 =	simm.s32 @!p0 $0xE;
	s6 =	simm.s32 $0x4E00;
	[sflag:s13] =	ssyncadd.s32 $0xFFFFF000  }
0x157: {  	[spmem:s2] =	stream.indirect.scatter.add.f32 [tilespmem:s31], [sflag:$0x1A], $0x20, s6, s15, $0xb8;
	[tilespmem:$0x1BD20] =	vst v63  }
0x158: {  	_ =	swait.ge @!p0 [sflag:s24], $0x1000  }
0x159: {  	s29 =	simm.s32 @!p0 $0x2700;
	[sflag:s24] =	ssyncset.done @!p0 $0x0  }
0x15a: {  	s31 =	simm.s32 @!p0 $0x4F00;
	[sflag:s24] =	ssyncadd.s32 @!p0 $0xFFFFF000;
	s24 =	simm.s32 @!p0 $0x80  }
0x15b: {  	[tilespmem:s31], [sflag:$0x1] =	stream.indirect.gather @!p0 [hbm4b:s4+s24], $0x20, s29, s24, $0xb8;
	[tilespmem:$0x1BD20] =	vst v63  }
0x15c: {  	s29 =	simm.s32 @!p0 $0x1  }
0x15d: {  	_ =	swait.ge @!p0 [sflag:s29], $0x1000  }
0x15e: {  	[sflag:s29] =	ssyncset.done @!p0 $0x0  }
0x15f: {  	s7 =	simm.s32 $0xE;
	[sflag:s29] =	ssyncadd.s32 @!p0 $0xFFFFF000;
	s29 =	simm.s32 @!p0 $0x4E80  }
0x160: {  	[spmem:s2] =	stream.indirect.scatter.add.f32 @!p0 [tilespmem:s31], [sflag:$0xE], $0x20, s29, s24, $0xb8;
	[tilespmem:$0x1BD20] =	vst v63  }
0x161: {  	_ =	swait.ge [sflag:s7], $0x1000  }
0x162: {  	[sflag:s7] =	ssyncset.done $0x0  }
0x163: {  	s8 =	simm.s32 $0xF;
	[sflag:s7] =	ssyncadd.s32 $0xFFFFF000  }
0x164: {  	_ =	swait.ge [sflag:s8], $0x1000  }
0x165: {  	[sflag:s8] =	ssyncset.done $0x0  }
0x166: {  	s9 =	simm.s32 $0x10;
	[sflag:s8] =	ssyncadd.s32 $0xFFFFF000  }
0x167: {  	_ =	swait.ge [sflag:s9], $0x1000  }
0x168: {  	[sflag:s9] =	ssyncset.done $0x0  }
0x169: {  	s10 =	simm.s32 $0x11;
	[sflag:s9] =	ssyncadd.s32 $0xFFFFF000  }
0x16a: {  	_ =	swait.ge [sflag:s10], $0x1000  }
0x16b: {  	[sflag:s10] =	ssyncset.done $0x0  }
0x16c: {  	s11 =	simm.s32 $0x12;
	[sflag:s10] =	ssyncadd.s32 $0xFFFFF000  }
0x16d: {  	_ =	swait.ge [sflag:s11], $0x1000  }
0x16e: {  	[sflag:s11] =	ssyncset.done $0x0  }
0x16f: {  	[sflag:s11] =	ssyncadd.s32 $0xFFFFF000  }
0x170: {  	_ =	swait.ge [sflag:s25], $0x1000  }
0x171: {  	[sflag:s25] =	ssyncset.done $0x0  }
0x172: {  	[sflag:s25] =	ssyncadd.s32 $0xFFFFF000  }
0x173: {  	_ =	swait.ge [sflag:s28], $0x1000  }
0x174: {  	[sflag:s28] =	ssyncset.done $0x0  }
0x175: {  	[sflag:s28] =	ssyncadd.s32 $0xFFFFF000  }
0x176: {  	_ =	swait.ge [sflag:s30], $0x1000  }
0x177: {  	[sflag:s30] =	ssyncset.done $0x0  }
0x178: {  	[sflag:s30] =	ssyncadd.s32 $0xFFFFF000  }
0x179: {  	_ =	swait.ge [sflag:s1], $0x1000  }
0x17a: {  	[sflag:s1] =	ssyncset.done $0x0  }
0x17b: {  	[sflag:s1] =	ssyncadd.s32 $0xFFFFF000  }
0x17c: {  	_ =	swait.ge [sflag:s14], $0x1000  }
0x17d: {  	[sflag:s14] =	ssyncset.done $0x0  }
0x17e: {  	[sflag:s14] =	ssyncadd.s32 $0xFFFFF000  }
0x17f: {  	_ =	swait.ge [sflag:s20], $0x1000  }
0x180: {  	[sflag:s20] =	ssyncset.done $0x0  }
0x181: {  	[sflag:s20] =	ssyncadd.s32 $0xFFFFF000  }
0x182: {  	_ =	swait.ge [sflag:s16], $0x1000  }
0x183: {  	[sflag:s16] =	ssyncset.done $0x0  }
0x184: {  	[sflag:s16] =	ssyncadd.s32 $0xFFFFF000  }
0x185: {  	_ =	swait.ge [sflag:s17], $0x1000  }
0x186: {  	[sflag:s17] =	ssyncset.done $0x0  }
0x187: {  	[sflag:s17] =	ssyncadd.s32 $0xFFFFF000  }
0x188: {  	[bflag:$0x0] =	sbarrier.arrive $0xFFFF  }
0x189: {  	s21 =	simm.s32 $0x1B;
	s19 =	simm.s32 $0x11F00;
	s17 =	rddreg [dreg:$0x4]  }
0x18a: {  	[tilespmem:s19], [sflag:$0x1B] =	stream.linear.gather [spmem:s17], $0x5000, $0x38;
	[tilespmem:$0x1BD20] =	vst v63  }
0x18b: {  	_ =	swait.ge [sflag:s21], $0x5000  }
0x18c: {  	[sflag:s21] =	ssyncset.done $0x0  }
0x18d: {  	s22 =	simm.s32 $0x0;
	s23 =	rddreg [dreg:$0x8];
	[sflag:s21] =	ssyncadd.s32 $0xFFFFB000  }
0x18e: {  	[hbm4b:s23+s22] =	stream.linear.scatter [tilespmem:s19], [sflag:$0x1B], $0x5000, $0x38;
	[tilespmem:$0x1BD20] =	vst v63  }
0x18f: {  	_ =	swait.ge [sflag:s21], $0x5000  }
0x190: {  	s26 =	rddreg [dreg:$0xa]  }
0x191: {  	s29 =	rddreg [dreg:$0x9];
	s0 =	sadd.s32 $0x1, s26  }
0x192: {  	p1 =	sne.s32 s0, s29  }
.Ltmp2:
0x193: {  	_ = 	snop;
	(pc) =	sbr.rel @p1 .LBB2_1-.Ltmp2, $3  }
0x194: {  	_ =	sdelay $0x1  }
0x195: {  	[sflag:s21] =	ssyncset.done $0x0  }
0x196: {  	[sflag:s21] =	ssyncadd.s32 $0xFFFFB000  }
0x197: {  	_ =	sfence.sel $0x180000  }
0x198: {  	[bflag:$0x0] =	sbarrier.arrive $0xFFFF  }
0x199: {  	_ =	strace $0x90000047  }
0x19a: {  	s0 =	stileid.u32;
	[bflag:$0x2] =	sbarrier.arrive $0xFFFF  }
0x19b: {  	p0 =	sne.s32 s0, $0x0;
	s0 =	rddreg [dreg:$0x2]  }
0x19c: {  	s0 =	sadd.s32 @!p0 $0x100000, s0  }
0x19d: {  	[sflag:s0] =	ssyncadd.tile.s32 @!p0 $0x1;
	_ =	shalt  }
.Lfunc_end2:
_tile_overlayer_lowered:
.L_overlay_start_2:
0x19e: {  	(tag) =	ssettag $0x2  }
0x19f: {  	s0 =	rddreg [dreg:$0x0];
	s2 =	stileid.u32  }
0x1a0: {  	s1 =	rddreg [dreg:$0x1];
	p0 =	sne.s32 s2, $0x0  }
0x1a1: {  	s3 =	rddreg [dreg:$0x2];
	[bflag:$0x3] =	sbarrier.arrive $0xFFFF;
	s2 =	simm.s32 @!p0 $0x1C1B  }
0x1a2: {  	[timem:s3], [sflag:s2] =	dma.local @!p0 [hbm:s0], s1  }
0x1a3: {  	s0 =	simm.s32 @!p0 $0x1B  }
0x1a4: {  	_ =	swait.ge @!p0 [sflag:s0], s1  }
0x1a5: {  	s1 =	ssub.s32 @!p0 $0x0, s1;
	[sflag:s0] =	ssyncset.done @!p0 $0x0  }
0x1a6: {  	[sflag:s0] =	ssyncadd.s32 @!p0 s1  }
0x1a7: {  	[bflag:$0x3] =	sbarrier.arrive $0xFFFF  }
0x1a8: {  	_ =	shalt  }

</sc_bundles>
